<compile_context>
chip_gen: v7x
topology: tpu7x:2x2x1
jax: 0.10.2.dev20260603
libtpu: 0.0.44.dev20260713+nightly
codegen_flags: <defaults>
</compile_context>

<pallas_src>
import functools

import jax
import jax.numpy as jnp
from jax import lax
from jax.experimental import pallas as pl
from jax.experimental.pallas import tpu as pltpu
from jax.experimental.pallas import tpu_sc as plsc

_B, _T, _D = 4096, 200, 64
_N = _B * _T
_NW = 32
_NPW = _N // _NW
_CH = 128
_NCH = _NPW // _CH
_NP = _NCH // 2

_mesh = plsc.VectorSubcoreMesh(core_axis_name="c", subcore_axis_name="s")


@functools.partial(
    pl.kernel,
    out_type=jax.ShapeDtypeStruct((_T, 8, 32, 8, 128), jnp.float32),
    mesh=_mesh,
    scratch_types=[
        pltpu.VMEM((_NPW,), jnp.int32),
        pltpu.VMEM((2, _CH, _D), jnp.float32),
        pltpu.VMEM((2, _D, 128), jnp.float32),
        pltpu.VMEM_SHARED((8192, _D), jnp.float32),
        pltpu.SemaphoreType.DMA,
        pltpu.SemaphoreType.DMA,
    ],
    compiler_params=pltpu.CompilerParams(use_tc_tiling_on_sc=False,
                                         needs_layout_passes=False),
)
def _emb_gather(x_hbm, tab_hbm, out_hbm, idx_v, gbuf, sbuf, tab_sh, gsem, ssem):
    sid = lax.axis_index("s")
    wid = sid * 2 + lax.axis_index("c")
    pltpu.sync_copy(x_hbm.at[pl.ds(wid * _NPW, _NPW)], idx_v)
    _RPS = 8192 // 16
    pltpu.sync_copy(tab_hbm.at[pl.ds(sid * _RPS, _RPS), :],
                    tab_sh.at[pl.ds(sid * _RPS, _RPS), :])
    plsc.subcore_barrier()

    qbase = wid * _NCH

    def fire_gather(c, rb):
        pltpu.async_copy(
            tab_sh.at[idx_v.at[pl.ds(c * _CH, _CH)]], gbuf.at[rb], gsem)

    def wait_gather():
        pltpu.make_async_copy(
            tab_sh.at[idx_v.at[pl.ds(0, _CH)]], gbuf.at[0], gsem).wait()

    iota = lax.iota(jnp.int32, 16)
    biotas = [iota + (j * 16) for j in range(8)]

    def transpose(rb):
        @plsc.parallel_loop(0, _D, unroll=4)
        def tbody(i):
            dv = ((iota + i) & 15) + (i & ~15)
            for j in range(8):
                vals = plsc.load_gather(gbuf.at[rb], [biotas[j], dv])
                plsc.store_scatter(sbuf.at[rb], [dv, biotas[j]], vals)

    def fire_scatter(c, rb):
        q = qbase + c
        t = q // 32
        bb = q % 32
        for dt in range(8):
            pltpu.async_copy(
                sbuf.at[rb, pl.ds(dt * 8, 8), :],
                out_hbm.at[t, dt, bb], ssem)

    def drain_scatters():
        for _ in range(8):
            pltpu.make_async_copy(
                sbuf.at[0, pl.ds(0, 8), :],
                out_hbm.at[0, 0, 0], ssem).wait()

    fire_gather(0, 0)

    def pbody(p, carry):
        c0 = 2 * p
        @pl.when(p > 0)
        def _():
            drain_scatters()

        fire_gather(c0 + 1, 1)
        wait_gather()
        transpose(0)
        fire_scatter(c0, 0)

        @pl.when(p > 0)
        def _():
            drain_scatters()

        @pl.when(p + 1 < _NP)
        def _():
            fire_gather(c0 + 2, 0)

        wait_gather()
        transpose(1)
        fire_scatter(c0 + 1, 1)
        return carry

    lax.fori_loop(0, _NP, pbody, 0)
    drain_scatters()
    drain_scatters()


def kernel(x, table):
    xt = x.T.reshape(_N).astype(jnp.int32)
    out5 = _emb_gather(xt, table)
    return out5.transpose(2, 4, 0, 1, 3).reshape(_B, _T, _D)

# --- scband reference (transcript-rebuilt; emitter-appended) ---
"""Pipeline reference for scband-position-embedding-76596446757032 (READ-ONLY COPY).

The authoritative reference and input builder live on the scoring server;
editing this copy changes nothing except your own understanding.
"""

import jax, jax.numpy as jnp
import numpy as np

MAX_POSITION = 8192
DIM = 64

def setup_inputs(seed: int = 0) -> dict:
    key = jax.random.key(seed)
    k_idx, k_tab = jax.random.split(key)
    x = jax.random.randint(k_idx, (4096, 200), 0, MAX_POSITION, dtype=jnp.int64 if jax.config.jax_enable_x64 else jnp.int32)
    table = jax.random.normal(k_tab, (MAX_POSITION, DIM), dtype=jnp.float32)
    return {"x": x, "table": table}

def reference(x, table):
    # nn.Embedding forward: row gather from the embedding table
    return jnp.take(table, x, axis=0)

if __name__ == "__main__":
    import jax
    _d = setup_inputs()
    print(jax.jit(kernel)(*tuple(_d.values())))

</pallas_src>

<mosaic_0001>
#map = affine_map<(d0, d1) -> (0)>
#map1 = affine_map<(d0, d1) -> (0, 0)>
#map2 = affine_map<(d0, d1) -> (0, 0, 0, 0, 0)>
module attributes {stable_mosaic.version = 14 : i64} {
  func.func @_emb_gather(%arg0: i32, %arg1: i32, %arg2: memref<819200xi32, #tpu.memory_space<hbm>>, %arg3: memref<8192x64xf32, #tpu.memory_space<hbm>>, %arg4: memref<200x8x32x8x128xf32, #tpu.memory_space<hbm>>, %arg5: memref<25600xi32, #tpu.memory_space<vmem>>, %arg6: memref<2x128x64xf32, #tpu.memory_space<vmem>>, %arg7: memref<2x64x128xf32, #tpu.memory_space<vmem>>, %arg8: memref<8192x64xf32, #tpu.memory_space<vmem_shared>>, %arg9: memref<!tpu.dma_semaphore, #tpu.memory_space<semaphore_mem>>, %arg10: memref<!tpu.dma_semaphore, #tpu.memory_space<semaphore_mem>>) attributes {dimension_semantics = [#tpu.dimension_semantics<core_parallel>, #tpu.dimension_semantics<subcore_parallel>], iteration_bounds = array<i64: 2, 16>, scalar_prefetch = 0 : i64, scratch_operands = 6 : i64, tpu.core_type = #tpu.core_type<sc_vector_subcore>, window_params = [{transform_indices = #map}, {transform_indices = #map1}, {transform_indices = #map2}]} {
    %mul3A = arith.constant 2 : i32
    %mul3A_0 = arith.muli %arg1, %mul3A : i32
    %add3A = arith.addi %mul3A_0, %arg0 : i32
    %mul3A_1 = arith.constant 25600 : i32
    %mul3A_2 = arith.muli %add3A, %mul3A_1 : i32
    "tpu.region"() ({
      %run_scoped3A = tpu.sem_alloc : memref<!tpu.dma_semaphore, #tpu.memory_space<semaphore_mem>>
      %dma_start3A_366 = tpu.memref_slice %arg2[%mul3A_2] : memref<819200xi32, #tpu.memory_space<hbm>> -> memref<25600xi32, #tpu.memory_space<hbm>>
      %dma_start3A_367 = tpu.memref_slice %arg2[%mul3A_2] : memref<819200xi32, #tpu.memory_space<hbm>> -> memref<25600xi32, #tpu.memory_space<hbm>>
      tpu.enqueue_dma source(%dma_start3A_367 : memref<25600xi32, #tpu.memory_space<hbm>>) target(%arg5 : memref<25600xi32, #tpu.memory_space<vmem>>) target_semaphore(%run_scoped3A : memref<!tpu.dma_semaphore, #tpu.memory_space<semaphore_mem>>)
      %dma_wait3A_368 = tpu.memref_slice %arg2[%mul3A_2] : memref<819200xi32, #tpu.memory_space<hbm>> -> memref<25600xi32, #tpu.memory_space<hbm>>
      %dma_wait3A_369 = tpu.memref_slice %arg2[%mul3A_2] : memref<819200xi32, #tpu.memory_space<hbm>> -> memref<25600xi32, #tpu.memory_space<hbm>>
      tpu.wait_dma2 semaphore(%run_scoped3A : memref<!tpu.dma_semaphore, #tpu.memory_space<semaphore_mem>>) src(%dma_wait3A_369 : memref<25600xi32, #tpu.memory_space<hbm>>) dst(%arg5 : memref<25600xi32, #tpu.memory_space<vmem>>)
      tpu.yield
    }) : () -> ()
    %mul3A_3 = arith.constant 512 : i32
    %mul3A_4 = arith.muli %arg1, %mul3A_3 : i32
    %mul3A_5 = arith.constant 512 : i32
    %mul3A_6 = arith.muli %arg1, %mul3A_5 : i32
    "tpu.region"() ({
      %run_scoped3A = tpu.sem_alloc : memref<!tpu.dma_semaphore, #tpu.memory_space<semaphore_mem>>
      %dma_start3A_366 = arith.constant 0 : i32
      %dma_start3A_367 = tpu.memref_slice %arg8[%mul3A_6, %dma_start3A_366] : memref<8192x64xf32, #tpu.memory_space<vmem_shared>> -> memref<512x64xf32, #tpu.memory_space<vmem_shared>>
      %dma_start3A_368 = arith.constant 0 : i32
      %dma_start3A_369 = tpu.memref_slice %arg3[%mul3A_4, %dma_start3A_368] : memref<8192x64xf32, #tpu.memory_space<hbm>> -> memref<512x64xf32, #tpu.memory_space<hbm>>
      tpu.enqueue_dma source(%dma_start3A_369 : memref<512x64xf32, #tpu.memory_space<hbm>>) target(%dma_start3A_367 : memref<512x64xf32, #tpu.memory_space<vmem_shared>>) target_semaphore(%run_scoped3A : memref<!tpu.dma_semaphore, #tpu.memory_space<semaphore_mem>>)
      %dma_wait3A_370 = arith.constant 0 : i32
      %dma_wait3A_371 = tpu.memref_slice %arg8[%mul3A_6, %dma_wait3A_370] : memref<8192x64xf32, #tpu.memory_space<vmem_shared>> -> memref<512x64xf32, #tpu.memory_space<vmem_shared>>
      %dma_wait3A_372 = arith.constant 0 : i32
      %dma_wait3A_373 = tpu.memref_slice %arg3[%mul3A_4, %dma_wait3A_372] : memref<8192x64xf32, #tpu.memory_space<hbm>> -> memref<512x64xf32, #tpu.memory_space<hbm>>
      tpu.wait_dma2 semaphore(%run_scoped3A : memref<!tpu.dma_semaphore, #tpu.memory_space<semaphore_mem>>) src(%dma_wait3A_373 : memref<512x64xf32, #tpu.memory_space<hbm>>) dst(%dma_wait3A_371 : memref<512x64xf32, #tpu.memory_space<vmem_shared>>)
      tpu.yield
    }) : () -> ()
    %barrier3A = arith.constant 0 : index
    tpu.barrier barrier_id(%barrier3A)
    %mul3A_7 = arith.constant 200 : i32
    %mul3A_8 = arith.muli %add3A, %mul3A_7 : i32
    %iota3A = tpu.iota {dimensions = array<i32: 0>} : vector<16xi32>
    %add3A_9 = arith.constant 0 : i32
    %add3A_10 = vector.broadcast %add3A_9 : i32 to vector<16xi32>
    %add3A_11 = arith.addi %iota3A, %add3A_10 : vector<16xi32>
    %add3A_12 = arith.constant 16 : i32
    %add3A_13 = vector.broadcast %add3A_12 : i32 to vector<16xi32>
    %add3A_14 = arith.addi %iota3A, %add3A_13 : vector<16xi32>
    %add3A_15 = arith.constant 32 : i32
    %add3A_16 = vector.broadcast %add3A_15 : i32 to vector<16xi32>
    %add3A_17 = arith.addi %iota3A, %add3A_16 : vector<16xi32>
    %add3A_18 = arith.constant 48 : i32
    %add3A_19 = vector.broadcast %add3A_18 : i32 to vector<16xi32>
    %add3A_20 = arith.addi %iota3A, %add3A_19 : vector<16xi32>
    %add3A_21 = arith.constant 64 : i32
    %add3A_22 = vector.broadcast %add3A_21 : i32 to vector<16xi32>
    %add3A_23 = arith.addi %iota3A, %add3A_22 : vector<16xi32>
    %add3A_24 = arith.constant 80 : i32
    %add3A_25 = vector.broadcast %add3A_24 : i32 to vector<16xi32>
    %add3A_26 = arith.addi %iota3A, %add3A_25 : vector<16xi32>
    %add3A_27 = arith.constant 96 : i32
    %add3A_28 = vector.broadcast %add3A_27 : i32 to vector<16xi32>
    %add3A_29 = arith.addi %iota3A, %add3A_28 : vector<16xi32>
    %add3A_30 = arith.constant 112 : i32
    %add3A_31 = vector.broadcast %add3A_30 : i32 to vector<16xi32>
    %add3A_32 = arith.addi %iota3A, %add3A_31 : vector<16xi32>
    %dma_start3A = arith.constant 0 : i32
    %dma_start3A_33 = arith.constant 0 : i32
    %dma_start3A_34 = arith.constant 0 : i32
    %dma_start3A_35 = tpu.memref_slice %arg6[%dma_start3A, %dma_start3A_33, %dma_start3A_34] : memref<2x128x64xf32, #tpu.memory_space<vmem>> -> memref<1x128x64xf32, #tpu.memory_space<vmem>>
    %dma_start3A_36 = tpu.memref_squeeze %dma_start3A_35 : memref<1x128x64xf32, #tpu.memory_space<vmem>> -> memref<128x64xf32, #tpu.memory_space<vmem>>
    %dma_start3A_37 = arith.constant 0 : i32
    %dma_start3A_38 = tpu.memref_slice %arg5[%dma_start3A_37] : memref<25600xi32, #tpu.memory_space<vmem>> -> memref<128xi32, #tpu.memory_space<vmem>>
    %dma_start3A_39 = arith.constant 0 : i32
    %dma_start3A_40 = arith.constant 0 : i32
    %dma_start3A_41 = tpu.memref_slice %arg8[%dma_start3A_39, %dma_start3A_40] : memref<8192x64xf32, #tpu.memory_space<vmem_shared>> -> memref<8192x64xf32, #tpu.memory_space<vmem_shared>>
    tpu.enqueue_indirect_dma source(%dma_start3A_41 : memref<8192x64xf32, #tpu.memory_space<vmem_shared>>) target(%dma_start3A_36 : memref<128x64xf32, #tpu.memory_space<vmem>>) offsets(%dma_start3A_38 : memref<128xi32, #tpu.memory_space<vmem>>) semaphore(%arg9 : memref<!tpu.dma_semaphore, #tpu.memory_space<semaphore_mem>>)
    %scan3A = arith.constant 0 : i32
    %scan3A_42 = arith.constant 0 : i32
    %scan3A_43 = arith.constant 100 : i32
    %scan3A_44 = arith.addi %scan3A_42, %scan3A_43 : i32
    %scan3A_45 = arith.constant 1 : i32
    scf.for %scan3A_366 = %scan3A_42 to %scan3A_44 step %scan3A_45  : i32 {
      %mul3A_367 = arith.constant 2 : i32
      %mul3A_368 = arith.muli %mul3A_367, %scan3A_366 : i32
      %gt3A = arith.constant 0 : i32
      %gt3A_369 = arith.cmpi sgt, %scan3A_366, %gt3A : i32
      %convert_element_type3A = arith.extui %gt3A_369 : i1 to i32
      %cond3A = arith.constant 0 : i32
      %cond3A_370 = arith.cmpi ne, %convert_element_type3A, %cond3A : i32
      scf.if %cond3A_370 {
        %dma_wait3A_783 = arith.constant 0 : i32
        %dma_wait3A_784 = arith.constant 0 : i32
        %dma_wait3A_785 = arith.constant 0 : i32
        %dma_wait3A_786 = arith.constant 0 : i32
        %dma_wait3A_787 = arith.constant 0 : i32
        %dma_wait3A_788 = arith.constant 0 : i32
        %dma_wait3A_789 = tpu.memref_slice %arg7[%dma_wait3A_783, %dma_wait3A_787, %dma_wait3A_788] : memref<2x64x128xf32, #tpu.memory_space<vmem>> -> memref<1x8x128xf32, #tpu.memory_space<vmem>>
        %dma_wait3A_790 = tpu.memref_squeeze %dma_wait3A_789 : memref<1x8x128xf32, #tpu.memory_space<vmem>> -> memref<8x128xf32, #tpu.memory_space<vmem>>
        %dma_wait3A_791 = arith.constant 0 : i32
        %dma_wait3A_792 = arith.constant 0 : i32
        %dma_wait3A_793 = tpu.memref_slice %arg4[%dma_wait3A_784, %dma_wait3A_785, %dma_wait3A_786, %dma_wait3A_791, %dma_wait3A_792] : memref<200x8x32x8x128xf32, #tpu.memory_space<hbm>> -> memref<1x1x1x8x128xf32, #tpu.memory_space<hbm>>
        %dma_wait3A_794 = tpu.memref_squeeze %dma_wait3A_793 : memref<1x1x1x8x128xf32, #tpu.memory_space<hbm>> -> memref<8x128xf32, #tpu.memory_space<hbm>>
        %dma_wait3A_795 = arith.constant 0 : i32
        %dma_wait3A_796 = arith.constant 0 : i32
        %dma_wait3A_797 = tpu.memref_slice %arg4[%dma_wait3A_784, %dma_wait3A_785, %dma_wait3A_786, %dma_wait3A_795, %dma_wait3A_796] : memref<200x8x32x8x128xf32, #tpu.memory_space<hbm>> -> memref<1x1x1x8x128xf32, #tpu.memory_space<hbm>>
        %dma_wait3A_798 = tpu.memref_squeeze %dma_wait3A_797 : memref<1x1x1x8x128xf32, #tpu.memory_space<hbm>> -> memref<8x128xf32, #tpu.memory_space<hbm>>
        %dma_wait3A_799 = arith.constant 0 : i32
        %dma_wait3A_800 = arith.constant 0 : i32
        %dma_wait3A_801 = tpu.memref_slice %arg7[%dma_wait3A_783, %dma_wait3A_799, %dma_wait3A_800] : memref<2x64x128xf32, #tpu.memory_space<vmem>> -> memref<1x8x128xf32, #tpu.memory_space<vmem>>
        %dma_wait3A_802 = tpu.memref_squeeze %dma_wait3A_801 : memref<1x8x128xf32, #tpu.memory_space<vmem>> -> memref<8x128xf32, #tpu.memory_space<vmem>>
        tpu.wait_dma2 semaphore(%arg10 : memref<!tpu.dma_semaphore, #tpu.memory_space<semaphore_mem>>) src(%dma_wait3A_802 : memref<8x128xf32, #tpu.memory_space<vmem>>) dst(%dma_wait3A_798 : memref<8x128xf32, #tpu.memory_space<hbm>>)
        %dma_wait3A_803 = arith.constant 0 : i32
        %dma_wait3A_804 = arith.constant 0 : i32
        %dma_wait3A_805 = arith.constant 0 : i32
        %dma_wait3A_806 = arith.constant 0 : i32
        %dma_wait3A_807 = arith.constant 0 : i32
        %dma_wait3A_808 = arith.constant 0 : i32
        %dma_wait3A_809 = tpu.memref_slice %arg7[%dma_wait3A_803, %dma_wait3A_807, %dma_wait3A_808] : memref<2x64x128xf32, #tpu.memory_space<vmem>> -> memref<1x8x128xf32, #tpu.memory_space<vmem>>
        %dma_wait3A_810 = tpu.memref_squeeze %dma_wait3A_809 : memref<1x8x128xf32, #tpu.memory_space<vmem>> -> memref<8x128xf32, #tpu.memory_space<vmem>>
        %dma_wait3A_811 = arith.constant 0 : i32
        %dma_wait3A_812 = arith.constant 0 : i32
        %dma_wait3A_813 = tpu.memref_slice %arg4[%dma_wait3A_804, %dma_wait3A_805, %dma_wait3A_806, %dma_wait3A_811, %dma_wait3A_812] : memref<200x8x32x8x128xf32, #tpu.memory_space<hbm>> -> memref<1x1x1x8x128xf32, #tpu.memory_space<hbm>>
        %dma_wait3A_814 = tpu.memref_squeeze %dma_wait3A_813 : memref<1x1x1x8x128xf32, #tpu.memory_space<hbm>> -> memref<8x128xf32, #tpu.memory_space<hbm>>
        %dma_wait3A_815 = arith.constant 0 : i32
        %dma_wait3A_816 = arith.constant 0 : i32
        %dma_wait3A_817 = tpu.memref_slice %arg4[%dma_wait3A_804, %dma_wait3A_805, %dma_wait3A_806, %dma_wait3A_815, %dma_wait3A_816] : memref<200x8x32x8x128xf32, #tpu.memory_space<hbm>> -> memref<1x1x1x8x128xf32, #tpu.memory_space<hbm>>
        %dma_wait3A_818 = tpu.memref_squeeze %dma_wait3A_817 : memref<1x1x1x8x128xf32, #tpu.memory_space<hbm>> -> memref<8x128xf32, #tpu.memory_space<hbm>>
        %dma_wait3A_819 = arith.constant 0 : i32
        %dma_wait3A_820 = arith.constant 0 : i32
        %dma_wait3A_821 = tpu.memref_slice %arg7[%dma_wait3A_803, %dma_wait3A_819, %dma_wait3A_820] : memref<2x64x128xf32, #tpu.memory_space<vmem>> -> memref<1x8x128xf32, #tpu.memory_space<vmem>>
        %dma_wait3A_822 = tpu.memref_squeeze %dma_wait3A_821 : memref<1x8x128xf32, #tpu.memory_space<vmem>> -> memref<8x128xf32, #tpu.memory_space<vmem>>
        tpu.wait_dma2 semaphore(%arg10 : memref<!tpu.dma_semaphore, #tpu.memory_space<semaphore_mem>>) src(%dma_wait3A_822 : memref<8x128xf32, #tpu.memory_space<vmem>>) dst(%dma_wait3A_818 : memref<8x128xf32, #tpu.memory_space<hbm>>)
        %dma_wait3A_823 = arith.constant 0 : i32
        %dma_wait3A_824 = arith.constant 0 : i32
        %dma_wait3A_825 = arith.constant 0 : i32
        %dma_wait3A_826 = arith.constant 0 : i32
        %dma_wait3A_827 = arith.constant 0 : i32
        %dma_wait3A_828 = arith.constant 0 : i32
        %dma_wait3A_829 = tpu.memref_slice %arg7[%dma_wait3A_823, %dma_wait3A_827, %dma_wait3A_828] : memref<2x64x128xf32, #tpu.memory_space<vmem>> -> memref<1x8x128xf32, #tpu.memory_space<vmem>>
        %dma_wait3A_830 = tpu.memref_squeeze %dma_wait3A_829 : memref<1x8x128xf32, #tpu.memory_space<vmem>> -> memref<8x128xf32, #tpu.memory_space<vmem>>
        %dma_wait3A_831 = arith.constant 0 : i32
        %dma_wait3A_832 = arith.constant 0 : i32
        %dma_wait3A_833 = tpu.memref_slice %arg4[%dma_wait3A_824, %dma_wait3A_825, %dma_wait3A_826, %dma_wait3A_831, %dma_wait3A_832] : memref<200x8x32x8x128xf32, #tpu.memory_space<hbm>> -> memref<1x1x1x8x128xf32, #tpu.memory_space<hbm>>
        %dma_wait3A_834 = tpu.memref_squeeze %dma_wait3A_833 : memref<1x1x1x8x128xf32, #tpu.memory_space<hbm>> -> memref<8x128xf32, #tpu.memory_space<hbm>>
        %dma_wait3A_835 = arith.constant 0 : i32
        %dma_wait3A_836 = arith.constant 0 : i32
        %dma_wait3A_837 = tpu.memref_slice %arg4[%dma_wait3A_824, %dma_wait3A_825, %dma_wait3A_826, %dma_wait3A_835, %dma_wait3A_836] : memref<200x8x32x8x128xf32, #tpu.memory_space<hbm>> -> memref<1x1x1x8x128xf32, #tpu.memory_space<hbm>>
        %dma_wait3A_838 = tpu.memref_squeeze %dma_wait3A_837 : memref<1x1x1x8x128xf32, #tpu.memory_space<hbm>> -> memref<8x128xf32, #tpu.memory_space<hbm>>
        %dma_wait3A_839 = arith.constant 0 : i32
        %dma_wait3A_840 = arith.constant 0 : i32
        %dma_wait3A_841 = tpu.memref_slice %arg7[%dma_wait3A_823, %dma_wait3A_839, %dma_wait3A_840] : memref<2x64x128xf32, #tpu.memory_space<vmem>> -> memref<1x8x128xf32, #tpu.memory_space<vmem>>
        %dma_wait3A_842 = tpu.memref_squeeze %dma_wait3A_841 : memref<1x8x128xf32, #tpu.memory_space<vmem>> -> memref<8x128xf32, #tpu.memory_space<vmem>>
        tpu.wait_dma2 semaphore(%arg10 : memref<!tpu.dma_semaphore, #tpu.memory_space<semaphore_mem>>) src(%dma_wait3A_842 : memref<8x128xf32, #tpu.memory_space<vmem>>) dst(%dma_wait3A_838 : memref<8x128xf32, #tpu.memory_space<hbm>>)
        %dma_wait3A_843 = arith.constant 0 : i32
        %dma_wait3A_844 = arith.constant 0 : i32
        %dma_wait3A_845 = arith.constant 0 : i32
        %dma_wait3A_846 = arith.constant 0 : i32
        %dma_wait3A_847 = arith.constant 0 : i32
        %dma_wait3A_848 = arith.constant 0 : i32
        %dma_wait3A_849 = tpu.memref_slice %arg7[%dma_wait3A_843, %dma_wait3A_847, %dma_wait3A_848] : memref<2x64x128xf32, #tpu.memory_space<vmem>> -> memref<1x8x128xf32, #tpu.memory_space<vmem>>
        %dma_wait3A_850 = tpu.memref_squeeze %dma_wait3A_849 : memref<1x8x128xf32, #tpu.memory_space<vmem>> -> memref<8x128xf32, #tpu.memory_space<vmem>>
        %dma_wait3A_851 = arith.constant 0 : i32
        %dma_wait3A_852 = arith.constant 0 : i32
        %dma_wait3A_853 = tpu.memref_slice %arg4[%dma_wait3A_844, %dma_wait3A_845, %dma_wait3A_846, %dma_wait3A_851, %dma_wait3A_852] : memref<200x8x32x8x128xf32, #tpu.memory_space<hbm>> -> memref<1x1x1x8x128xf32, #tpu.memory_space<hbm>>
        %dma_wait3A_854 = tpu.memref_squeeze %dma_wait3A_853 : memref<1x1x1x8x128xf32, #tpu.memory_space<hbm>> -> memref<8x128xf32, #tpu.memory_space<hbm>>
        %dma_wait3A_855 = arith.constant 0 : i32
        %dma_wait3A_856 = arith.constant 0 : i32
        %dma_wait3A_857 = tpu.memref_slice %arg4[%dma_wait3A_844, %dma_wait3A_845, %dma_wait3A_846, %dma_wait3A_855, %dma_wait3A_856] : memref<200x8x32x8x128xf32, #tpu.memory_space<hbm>> -> memref<1x1x1x8x128xf32, #tpu.memory_space<hbm>>
        %dma_wait3A_858 = tpu.memref_squeeze %dma_wait3A_857 : memref<1x1x1x8x128xf32, #tpu.memory_space<hbm>> -> memref<8x128xf32, #tpu.memory_space<hbm>>
        %dma_wait3A_859 = arith.constant 0 : i32
        %dma_wait3A_860 = arith.constant 0 : i32
        %dma_wait3A_861 = tpu.memref_slice %arg7[%dma_wait3A_843, %dma_wait3A_859, %dma_wait3A_860] : memref<2x64x128xf32, #tpu.memory_space<vmem>> -> memref<1x8x128xf32, #tpu.memory_space<vmem>>
        %dma_wait3A_862 = tpu.memref_squeeze %dma_wait3A_861 : memref<1x8x128xf32, #tpu.memory_space<vmem>> -> memref<8x128xf32, #tpu.memory_space<vmem>>
        tpu.wait_dma2 semaphore(%arg10 : memref<!tpu.dma_semaphore, #tpu.memory_space<semaphore_mem>>) src(%dma_wait3A_862 : memref<8x128xf32, #tpu.memory_space<vmem>>) dst(%dma_wait3A_858 : memref<8x128xf32, #tpu.memory_space<hbm>>)
        %dma_wait3A_863 = arith.constant 0 : i32
        %dma_wait3A_864 = arith.constant 0 : i32
        %dma_wait3A_865 = arith.constant 0 : i32
        %dma_wait3A_866 = arith.constant 0 : i32
        %dma_wait3A_867 = arith.constant 0 : i32
        %dma_wait3A_868 = arith.constant 0 : i32
        %dma_wait3A_869 = tpu.memref_slice %arg7[%dma_wait3A_863, %dma_wait3A_867, %dma_wait3A_868] : memref<2x64x128xf32, #tpu.memory_space<vmem>> -> memref<1x8x128xf32, #tpu.memory_space<vmem>>
        %dma_wait3A_870 = tpu.memref_squeeze %dma_wait3A_869 : memref<1x8x128xf32, #tpu.memory_space<vmem>> -> memref<8x128xf32, #tpu.memory_space<vmem>>
        %dma_wait3A_871 = arith.constant 0 : i32
        %dma_wait3A_872 = arith.constant 0 : i32
        %dma_wait3A_873 = tpu.memref_slice %arg4[%dma_wait3A_864, %dma_wait3A_865, %dma_wait3A_866, %dma_wait3A_871, %dma_wait3A_872] : memref<200x8x32x8x128xf32, #tpu.memory_space<hbm>> -> memref<1x1x1x8x128xf32, #tpu.memory_space<hbm>>
        %dma_wait3A_874 = tpu.memref_squeeze %dma_wait3A_873 : memref<1x1x1x8x128xf32, #tpu.memory_space<hbm>> -> memref<8x128xf32, #tpu.memory_space<hbm>>
        %dma_wait3A_875 = arith.constant 0 : i32
        %dma_wait3A_876 = arith.constant 0 : i32
        %dma_wait3A_877 = tpu.memref_slice %arg4[%dma_wait3A_864, %dma_wait3A_865, %dma_wait3A_866, %dma_wait3A_875, %dma_wait3A_876] : memref<200x8x32x8x128xf32, #tpu.memory_space<hbm>> -> memref<1x1x1x8x128xf32, #tpu.memory_space<hbm>>
        %dma_wait3A_878 = tpu.memref_squeeze %dma_wait3A_877 : memref<1x1x1x8x128xf32, #tpu.memory_space<hbm>> -> memref<8x128xf32, #tpu.memory_space<hbm>>
        %dma_wait3A_879 = arith.constant 0 : i32
        %dma_wait3A_880 = arith.constant 0 : i32
        %dma_wait3A_881 = tpu.memref_slice %arg7[%dma_wait3A_863, %dma_wait3A_879, %dma_wait3A_880] : memref<2x64x128xf32, #tpu.memory_space<vmem>> -> memref<1x8x128xf32, #tpu.memory_space<vmem>>
        %dma_wait3A_882 = tpu.memref_squeeze %dma_wait3A_881 : memref<1x8x128xf32, #tpu.memory_space<vmem>> -> memref<8x128xf32, #tpu.memory_space<vmem>>
        tpu.wait_dma2 semaphore(%arg10 : memref<!tpu.dma_semaphore, #tpu.memory_space<semaphore_mem>>) src(%dma_wait3A_882 : memref<8x128xf32, #tpu.memory_space<vmem>>) dst(%dma_wait3A_878 : memref<8x128xf32, #tpu.memory_space<hbm>>)
        %dma_wait3A_883 = arith.constant 0 : i32
        %dma_wait3A_884 = arith.constant 0 : i32
        %dma_wait3A_885 = arith.constant 0 : i32
        %dma_wait3A_886 = arith.constant 0 : i32
        %dma_wait3A_887 = arith.constant 0 : i32
        %dma_wait3A_888 = arith.constant 0 : i32
        %dma_wait3A_889 = tpu.memref_slice %arg7[%dma_wait3A_883, %dma_wait3A_887, %dma_wait3A_888] : memref<2x64x128xf32, #tpu.memory_space<vmem>> -> memref<1x8x128xf32, #tpu.memory_space<vmem>>
        %dma_wait3A_890 = tpu.memref_squeeze %dma_wait3A_889 : memref<1x8x128xf32, #tpu.memory_space<vmem>> -> memref<8x128xf32, #tpu.memory_space<vmem>>
        %dma_wait3A_891 = arith.constant 0 : i32
        %dma_wait3A_892 = arith.constant 0 : i32
        %dma_wait3A_893 = tpu.memref_slice %arg4[%dma_wait3A_884, %dma_wait3A_885, %dma_wait3A_886, %dma_wait3A_891, %dma_wait3A_892] : memref<200x8x32x8x128xf32, #tpu.memory_space<hbm>> -> memref<1x1x1x8x128xf32, #tpu.memory_space<hbm>>
        %dma_wait3A_894 = tpu.memref_squeeze %dma_wait3A_893 : memref<1x1x1x8x128xf32, #tpu.memory_space<hbm>> -> memref<8x128xf32, #tpu.memory_space<hbm>>
        %dma_wait3A_895 = arith.constant 0 : i32
        %dma_wait3A_896 = arith.constant 0 : i32
        %dma_wait3A_897 = tpu.memref_slice %arg4[%dma_wait3A_884, %dma_wait3A_885, %dma_wait3A_886, %dma_wait3A_895, %dma_wait3A_896] : memref<200x8x32x8x128xf32, #tpu.memory_space<hbm>> -> memref<1x1x1x8x128xf32, #tpu.memory_space<hbm>>
        %dma_wait3A_898 = tpu.memref_squeeze %dma_wait3A_897 : memref<1x1x1x8x128xf32, #tpu.memory_space<hbm>> -> memref<8x128xf32, #tpu.memory_space<hbm>>
        %dma_wait3A_899 = arith.constant 0 : i32
        %dma_wait3A_900 = arith.constant 0 : i32
        %dma_wait3A_901 = tpu.memref_slice %arg7[%dma_wait3A_883, %dma_wait3A_899, %dma_wait3A_900] : memref<2x64x128xf32, #tpu.memory_space<vmem>> -> memref<1x8x128xf32, #tpu.memory_space<vmem>>
        %dma_wait3A_902 = tpu.memref_squeeze %dma_wait3A_901 : memref<1x8x128xf32, #tpu.memory_space<vmem>> -> memref<8x128xf32, #tpu.memory_space<vmem>>
        tpu.wait_dma2 semaphore(%arg10 : memref<!tpu.dma_semaphore, #tpu.memory_space<semaphore_mem>>) src(%dma_wait3A_902 : memref<8x128xf32, #tpu.memory_space<vmem>>) dst(%dma_wait3A_898 : memref<8x128xf32, #tpu.memory_space<hbm>>)
        %dma_wait3A_903 = arith.constant 0 : i32
        %dma_wait3A_904 = arith.constant 0 : i32
        %dma_wait3A_905 = arith.constant 0 : i32
        %dma_wait3A_906 = arith.constant 0 : i32
        %dma_wait3A_907 = arith.constant 0 : i32
        %dma_wait3A_908 = arith.constant 0 : i32
        %dma_wait3A_909 = tpu.memref_slice %arg7[%dma_wait3A_903, %dma_wait3A_907, %dma_wait3A_908] : memref<2x64x128xf32, #tpu.memory_space<vmem>> -> memref<1x8x128xf32, #tpu.memory_space<vmem>>
        %dma_wait3A_910 = tpu.memref_squeeze %dma_wait3A_909 : memref<1x8x128xf32, #tpu.memory_space<vmem>> -> memref<8x128xf32, #tpu.memory_space<vmem>>
        %dma_wait3A_911 = arith.constant 0 : i32
        %dma_wait3A_912 = arith.constant 0 : i32
        %dma_wait3A_913 = tpu.memref_slice %arg4[%dma_wait3A_904, %dma_wait3A_905, %dma_wait3A_906, %dma_wait3A_911, %dma_wait3A_912] : memref<200x8x32x8x128xf32, #tpu.memory_space<hbm>> -> memref<1x1x1x8x128xf32, #tpu.memory_space<hbm>>
        %dma_wait3A_914 = tpu.memref_squeeze %dma_wait3A_913 : memref<1x1x1x8x128xf32, #tpu.memory_space<hbm>> -> memref<8x128xf32, #tpu.memory_space<hbm>>
        %dma_wait3A_915 = arith.constant 0 : i32
        %dma_wait3A_916 = arith.constant 0 : i32
        %dma_wait3A_917 = tpu.memref_slice %arg4[%dma_wait3A_904, %dma_wait3A_905, %dma_wait3A_906, %dma_wait3A_915, %dma_wait3A_916] : memref<200x8x32x8x128xf32, #tpu.memory_space<hbm>> -> memref<1x1x1x8x128xf32, #tpu.memory_space<hbm>>
        %dma_wait3A_918 = tpu.memref_squeeze %dma_wait3A_917 : memref<1x1x1x8x128xf32, #tpu.memory_space<hbm>> -> memref<8x128xf32, #tpu.memory_space<hbm>>
        %dma_wait3A_919 = arith.constant 0 : i32
        %dma_wait3A_920 = arith.constant 0 : i32
        %dma_wait3A_921 = tpu.memref_slice %arg7[%dma_wait3A_903, %dma_wait3A_919, %dma_wait3A_920] : memref<2x64x128xf32, #tpu.memory_space<vmem>> -> memref<1x8x128xf32, #tpu.memory_space<vmem>>
        %dma_wait3A_922 = tpu.memref_squeeze %dma_wait3A_921 : memref<1x8x128xf32, #tpu.memory_space<vmem>> -> memref<8x128xf32, #tpu.memory_space<vmem>>
        tpu.wait_dma2 semaphore(%arg10 : memref<!tpu.dma_semaphore, #tpu.memory_space<semaphore_mem>>) src(%dma_wait3A_922 : memref<8x128xf32, #tpu.memory_space<vmem>>) dst(%dma_wait3A_918 : memref<8x128xf32, #tpu.memory_space<hbm>>)
        %dma_wait3A_923 = arith.constant 0 : i32
        %dma_wait3A_924 = arith.constant 0 : i32
        %dma_wait3A_925 = arith.constant 0 : i32
        %dma_wait3A_926 = arith.constant 0 : i32
        %dma_wait3A_927 = arith.constant 0 : i32
        %dma_wait3A_928 = arith.constant 0 : i32
        %dma_wait3A_929 = tpu.memref_slice %arg7[%dma_wait3A_923, %dma_wait3A_927, %dma_wait3A_928] : memref<2x64x128xf32, #tpu.memory_space<vmem>> -> memref<1x8x128xf32, #tpu.memory_space<vmem>>
        %dma_wait3A_930 = tpu.memref_squeeze %dma_wait3A_929 : memref<1x8x128xf32, #tpu.memory_space<vmem>> -> memref<8x128xf32, #tpu.memory_space<vmem>>
        %dma_wait3A_931 = arith.constant 0 : i32
        %dma_wait3A_932 = arith.constant 0 : i32
        %dma_wait3A_933 = tpu.memref_slice %arg4[%dma_wait3A_924, %dma_wait3A_925, %dma_wait3A_926, %dma_wait3A_931, %dma_wait3A_932] : memref<200x8x32x8x128xf32, #tpu.memory_space<hbm>> -> memref<1x1x1x8x128xf32, #tpu.memory_space<hbm>>
        %dma_wait3A_934 = tpu.memref_squeeze %dma_wait3A_933 : memref<1x1x1x8x128xf32, #tpu.memory_space<hbm>> -> memref<8x128xf32, #tpu.memory_space<hbm>>
        %dma_wait3A_935 = arith.constant 0 : i32
        %dma_wait3A_936 = arith.constant 0 : i32
        %dma_wait3A_937 = tpu.memref_slice %arg4[%dma_wait3A_924, %dma_wait3A_925, %dma_wait3A_926, %dma_wait3A_935, %dma_wait3A_936] : memref<200x8x32x8x128xf32, #tpu.memory_space<hbm>> -> memref<1x1x1x8x128xf32, #tpu.memory_space<hbm>>
        %dma_wait3A_938 = tpu.memref_squeeze %dma_wait3A_937 : memref<1x1x1x8x128xf32, #tpu.memory_space<hbm>> -> memref<8x128xf32, #tpu.memory_space<hbm>>
        %dma_wait3A_939 = arith.constant 0 : i32
        %dma_wait3A_940 = arith.constant 0 : i32
        %dma_wait3A_941 = tpu.memref_slice %arg7[%dma_wait3A_923, %dma_wait3A_939, %dma_wait3A_940] : memref<2x64x128xf32, #tpu.memory_space<vmem>> -> memref<1x8x128xf32, #tpu.memory_space<vmem>>
        %dma_wait3A_942 = tpu.memref_squeeze %dma_wait3A_941 : memref<1x8x128xf32, #tpu.memory_space<vmem>> -> memref<8x128xf32, #tpu.memory_space<vmem>>
        tpu.wait_dma2 semaphore(%arg10 : memref<!tpu.dma_semaphore, #tpu.memory_space<semaphore_mem>>) src(%dma_wait3A_942 : memref<8x128xf32, #tpu.memory_space<vmem>>) dst(%dma_wait3A_938 : memref<8x128xf32, #tpu.memory_space<hbm>>)
      } else {
      }
      %add3A_371 = arith.constant 1 : i32
      %add3A_372 = arith.addi %mul3A_368, %add3A_371 : i32
      %mul3A_373 = arith.constant 128 : i32
      %mul3A_374 = arith.muli %add3A_372, %mul3A_373 : i32
      %dma_start3A_375 = arith.constant 1 : i32
      %dma_start3A_376 = arith.constant 0 : i32
      %dma_start3A_377 = arith.constant 0 : i32
      %dma_start3A_378 = tpu.memref_slice %arg6[%dma_start3A_375, %dma_start3A_376, %dma_start3A_377] : memref<2x128x64xf32, #tpu.memory_space<vmem>> -> memref<1x128x64xf32, #tpu.memory_space<vmem>>
      %dma_start3A_379 = tpu.memref_squeeze %dma_start3A_378 : memref<1x128x64xf32, #tpu.memory_space<vmem>> -> memref<128x64xf32, #tpu.memory_space<vmem>>
      %dma_start3A_380 = tpu.memref_slice %arg5[%mul3A_374] : memref<25600xi32, #tpu.memory_space<vmem>> -> memref<128xi32, #tpu.memory_space<vmem>>
      %dma_start3A_381 = arith.constant 0 : i32
      %dma_start3A_382 = arith.constant 0 : i32
      %dma_start3A_383 = tpu.memref_slice %arg8[%dma_start3A_381, %dma_start3A_382] : memref<8192x64xf32, #tpu.memory_space<vmem_shared>> -> memref<8192x64xf32, #tpu.memory_space<vmem_shared>>
      tpu.enqueue_indirect_dma source(%dma_start3A_383 : memref<8192x64xf32, #tpu.memory_space<vmem_shared>>) target(%dma_start3A_379 : memref<128x64xf32, #tpu.memory_space<vmem>>) offsets(%dma_start3A_380 : memref<128xi32, #tpu.memory_space<vmem>>) semaphore(%arg9 : memref<!tpu.dma_semaphore, #tpu.memory_space<semaphore_mem>>)
      %dma_wait3A_384 = arith.constant 0 : i32
      %dma_wait3A_385 = arith.constant 0 : i32
      %dma_wait3A_386 = arith.constant 0 : i32
      %dma_wait3A_387 = tpu.memref_slice %arg6[%dma_wait3A_384, %dma_wait3A_385, %dma_wait3A_386] : memref<2x128x64xf32, #tpu.memory_space<vmem>> -> memref<1x128x64xf32, #tpu.memory_space<vmem>>
      %dma_wait3A_388 = tpu.memref_squeeze %dma_wait3A_387 : memref<1x128x64xf32, #tpu.memory_space<vmem>> -> memref<128x64xf32, #tpu.memory_space<vmem>>
      %dma_wait3A_389 = arith.constant 0 : i32
      %dma_wait3A_390 = tpu.memref_slice %arg5[%dma_wait3A_389] : memref<25600xi32, #tpu.memory_space<vmem>> -> memref<128xi32, #tpu.memory_space<vmem>>
      %dma_wait3A_391 = arith.constant 0 : i32
      %dma_wait3A_392 = arith.constant 0 : i32
      %dma_wait3A_393 = tpu.memref_slice %arg8[%dma_wait3A_391, %dma_wait3A_392] : memref<8192x64xf32, #tpu.memory_space<vmem_shared>> -> memref<8192x64xf32, #tpu.memory_space<vmem_shared>>
      tpu.wait_indirect_dma semaphore(%arg9 : memref<!tpu.dma_semaphore, #tpu.memory_space<semaphore_mem>>) src(%dma_wait3A_393 : memref<8192x64xf32, #tpu.memory_space<vmem_shared>>) dst(%dma_wait3A_388 : memref<128x64xf32, #tpu.memory_space<vmem>>)
      %parallel_loop3A = arith.constant 0 : i32
      %parallel_loop3A_394 = arith.constant 64 : i32
      %parallel_loop3A_395 = arith.constant 1 : i32
      scf.for %parallel_loop3A_783 = %parallel_loop3A to %parallel_loop3A_394 step %parallel_loop3A_395  : i32 {
        %parallel_loop3A_784 = vector.broadcast %parallel_loop3A_783 : i32 to vector<16xi32>
        %parallel_loop3A_785 = arith.addi %iota3A, %parallel_loop3A_784 : vector<16xi32>
        %parallel_loop3A_786 = arith.constant 15 : i32
        %parallel_loop3A_787 = vector.broadcast %parallel_loop3A_786 : i32 to vector<16xi32>
        %parallel_loop3A_788 = arith.andi %parallel_loop3A_785, %parallel_loop3A_787 : vector<16xi32>
        %parallel_loop3A_789 = arith.constant -16 : i32
        %parallel_loop3A_790 = arith.andi %parallel_loop3A_783, %parallel_loop3A_789 : i32
        %parallel_loop3A_791 = vector.broadcast %parallel_loop3A_790 : i32 to vector<16xi32>
        %parallel_loop3A_792 = arith.addi %parallel_loop3A_788, %parallel_loop3A_791 : vector<16xi32>
        %parallel_loop3A_793 = arith.constant 0 : i32
        %parallel_loop3A_794 = arith.constant 0 : i32
        %parallel_loop3A_795 = arith.constant 0 : i32
        %parallel_loop3A_796 = tpu.memref_slice %arg6[%parallel_loop3A_793, %parallel_loop3A_794, %parallel_loop3A_795] : memref<2x128x64xf32, #tpu.memory_space<vmem>> -> memref<1x128x64xf32, #tpu.memory_space<vmem>>
        %parallel_loop3A_797 = tpu.memref_squeeze %parallel_loop3A_796 : memref<1x128x64xf32, #tpu.memory_space<vmem>> -> memref<128x64xf32, #tpu.memory_space<vmem>>
        %parallel_loop3A_798 = tpu.vector_load_idx %parallel_loop3A_797[%add3A_11, %parallel_loop3A_792] : memref<128x64xf32, #tpu.memory_space<vmem>>[vector<16xi32>, vector<16xi32>], vector<16xf32>,
        %parallel_loop3A_799 = arith.constant 0 : i32
        %parallel_loop3A_800 = arith.constant 0 : i32
        %parallel_loop3A_801 = arith.constant 0 : i32
        %parallel_loop3A_802 = tpu.memref_slice %arg7[%parallel_loop3A_799, %parallel_loop3A_800, %parallel_loop3A_801] : memref<2x64x128xf32, #tpu.memory_space<vmem>> -> memref<1x64x128xf32, #tpu.memory_space<vmem>>
        %parallel_loop3A_803 = tpu.memref_squeeze %parallel_loop3A_802 : memref<1x64x128xf32, #tpu.memory_space<vmem>> -> memref<64x128xf32, #tpu.memory_space<vmem>>
        tpu.vector_store_idx %parallel_loop3A_803[%parallel_loop3A_792, %add3A_11], %parallel_loop3A_798 : memref<64x128xf32, #tpu.memory_space<vmem>>[vector<16xi32>, vector<16xi32>], vector<16xf32>,
        %parallel_loop3A_804 = arith.constant 0 : i32
        %parallel_loop3A_805 = arith.constant 0 : i32
        %parallel_loop3A_806 = arith.constant 0 : i32
        %parallel_loop3A_807 = tpu.memref_slice %arg6[%parallel_loop3A_804, %parallel_loop3A_805, %parallel_loop3A_806] : memref<2x128x64xf32, #tpu.memory_space<vmem>> -> memref<1x128x64xf32, #tpu.memory_space<vmem>>
        %parallel_loop3A_808 = tpu.memref_squeeze %parallel_loop3A_807 : memref<1x128x64xf32, #tpu.memory_space<vmem>> -> memref<128x64xf32, #tpu.memory_space<vmem>>
        %parallel_loop3A_809 = tpu.vector_load_idx %parallel_loop3A_808[%add3A_14, %parallel_loop3A_792] : memref<128x64xf32, #tpu.memory_space<vmem>>[vector<16xi32>, vector<16xi32>], vector<16xf32>,
        %parallel_loop3A_810 = arith.constant 0 : i32
        %parallel_loop3A_811 = arith.constant 0 : i32
        %parallel_loop3A_812 = arith.constant 0 : i32
        %parallel_loop3A_813 = tpu.memref_slice %arg7[%parallel_loop3A_810, %parallel_loop3A_811, %parallel_loop3A_812] : memref<2x64x128xf32, #tpu.memory_space<vmem>> -> memref<1x64x128xf32, #tpu.memory_space<vmem>>
        %parallel_loop3A_814 = tpu.memref_squeeze %parallel_loop3A_813 : memref<1x64x128xf32, #tpu.memory_space<vmem>> -> memref<64x128xf32, #tpu.memory_space<vmem>>
        tpu.vector_store_idx %parallel_loop3A_814[%parallel_loop3A_792, %add3A_14], %parallel_loop3A_809 : memref<64x128xf32, #tpu.memory_space<vmem>>[vector<16xi32>, vector<16xi32>], vector<16xf32>,
        %parallel_loop3A_815 = arith.constant 0 : i32
        %parallel_loop3A_816 = arith.constant 0 : i32
        %parallel_loop3A_817 = arith.constant 0 : i32
        %parallel_loop3A_818 = tpu.memref_slice %arg6[%parallel_loop3A_815, %parallel_loop3A_816, %parallel_loop3A_817] : memref<2x128x64xf32, #tpu.memory_space<vmem>> -> memref<1x128x64xf32, #tpu.memory_space<vmem>>
        %parallel_loop3A_819 = tpu.memref_squeeze %parallel_loop3A_818 : memref<1x128x64xf32, #tpu.memory_space<vmem>> -> memref<128x64xf32, #tpu.memory_space<vmem>>
        %parallel_loop3A_820 = tpu.vector_load_idx %parallel_loop3A_819[%add3A_17, %parallel_loop3A_792] : memref<128x64xf32, #tpu.memory_space<vmem>>[vector<16xi32>, vector<16xi32>], vector<16xf32>,
        %parallel_loop3A_821 = arith.constant 0 : i32
        %parallel_loop3A_822 = arith.constant 0 : i32
        %parallel_loop3A_823 = arith.constant 0 : i32
        %parallel_loop3A_824 = tpu.memref_slice %arg7[%parallel_loop3A_821, %parallel_loop3A_822, %parallel_loop3A_823] : memref<2x64x128xf32, #tpu.memory_space<vmem>> -> memref<1x64x128xf32, #tpu.memory_space<vmem>>
        %parallel_loop3A_825 = tpu.memref_squeeze %parallel_loop3A_824 : memref<1x64x128xf32, #tpu.memory_space<vmem>> -> memref<64x128xf32, #tpu.memory_space<vmem>>
        tpu.vector_store_idx %parallel_loop3A_825[%parallel_loop3A_792, %add3A_17], %parallel_loop3A_820 : memref<64x128xf32, #tpu.memory_space<vmem>>[vector<16xi32>, vector<16xi32>], vector<16xf32>,
        %parallel_loop3A_826 = arith.constant 0 : i32
        %parallel_loop3A_827 = arith.constant 0 : i32
        %parallel_loop3A_828 = arith.constant 0 : i32
        %parallel_loop3A_829 = tpu.memref_slice %arg6[%parallel_loop3A_826, %parallel_loop3A_827, %parallel_loop3A_828] : memref<2x128x64xf32, #tpu.memory_space<vmem>> -> memref<1x128x64xf32, #tpu.memory_space<vmem>>
        %parallel_loop3A_830 = tpu.memref_squeeze %parallel_loop3A_829 : memref<1x128x64xf32, #tpu.memory_space<vmem>> -> memref<128x64xf32, #tpu.memory_space<vmem>>
        %parallel_loop3A_831 = tpu.vector_load_idx %parallel_loop3A_830[%add3A_20, %parallel_loop3A_792] : memref<128x64xf32, #tpu.memory_space<vmem>>[vector<16xi32>, vector<16xi32>], vector<16xf32>,
        %parallel_loop3A_832 = arith.constant 0 : i32
        %parallel_loop3A_833 = arith.constant 0 : i32
        %parallel_loop3A_834 = arith.constant 0 : i32
        %parallel_loop3A_835 = tpu.memref_slice %arg7[%parallel_loop3A_832, %parallel_loop3A_833, %parallel_loop3A_834] : memref<2x64x128xf32, #tpu.memory_space<vmem>> -> memref<1x64x128xf32, #tpu.memory_space<vmem>>
        %parallel_loop3A_836 = tpu.memref_squeeze %parallel_loop3A_835 : memref<1x64x128xf32, #tpu.memory_space<vmem>> -> memref<64x128xf32, #tpu.memory_space<vmem>>
        tpu.vector_store_idx %parallel_loop3A_836[%parallel_loop3A_792, %add3A_20], %parallel_loop3A_831 : memref<64x128xf32, #tpu.memory_space<vmem>>[vector<16xi32>, vector<16xi32>], vector<16xf32>,
        %parallel_loop3A_837 = arith.constant 0 : i32
        %parallel_loop3A_838 = arith.constant 0 : i32
        %parallel_loop3A_839 = arith.constant 0 : i32
        %parallel_loop3A_840 = tpu.memref_slice %arg6[%parallel_loop3A_837, %parallel_loop3A_838, %parallel_loop3A_839] : memref<2x128x64xf32, #tpu.memory_space<vmem>> -> memref<1x128x64xf32, #tpu.memory_space<vmem>>
        %parallel_loop3A_841 = tpu.memref_squeeze %parallel_loop3A_840 : memref<1x128x64xf32, #tpu.memory_space<vmem>> -> memref<128x64xf32, #tpu.memory_space<vmem>>
        %parallel_loop3A_842 = tpu.vector_load_idx %parallel_loop3A_841[%add3A_23, %parallel_loop3A_792] : memref<128x64xf32, #tpu.memory_space<vmem>>[vector<16xi32>, vector<16xi32>], vector<16xf32>,
        %parallel_loop3A_843 = arith.constant 0 : i32
        %parallel_loop3A_844 = arith.constant 0 : i32
        %parallel_loop3A_845 = arith.constant 0 : i32
        %parallel_loop3A_846 = tpu.memref_slice %arg7[%parallel_loop3A_843, %parallel_loop3A_844, %parallel_loop3A_845] : memref<2x64x128xf32, #tpu.memory_space<vmem>> -> memref<1x64x128xf32, #tpu.memory_space<vmem>>
        %parallel_loop3A_847 = tpu.memref_squeeze %parallel_loop3A_846 : memref<1x64x128xf32, #tpu.memory_space<vmem>> -> memref<64x128xf32, #tpu.memory_space<vmem>>
        tpu.vector_store_idx %parallel_loop3A_847[%parallel_loop3A_792, %add3A_23], %parallel_loop3A_842 : memref<64x128xf32, #tpu.memory_space<vmem>>[vector<16xi32>, vector<16xi32>], vector<16xf32>,
        %parallel_loop3A_848 = arith.constant 0 : i32
        %parallel_loop3A_849 = arith.constant 0 : i32
        %parallel_loop3A_850 = arith.constant 0 : i32
        %parallel_loop3A_851 = tpu.memref_slice %arg6[%parallel_loop3A_848, %parallel_loop3A_849, %parallel_loop3A_850] : memref<2x128x64xf32, #tpu.memory_space<vmem>> -> memref<1x128x64xf32, #tpu.memory_space<vmem>>
        %parallel_loop3A_852 = tpu.memref_squeeze %parallel_loop3A_851 : memref<1x128x64xf32, #tpu.memory_space<vmem>> -> memref<128x64xf32, #tpu.memory_space<vmem>>
        %parallel_loop3A_853 = tpu.vector_load_idx %parallel_loop3A_852[%add3A_26, %parallel_loop3A_792] : memref<128x64xf32, #tpu.memory_space<vmem>>[vector<16xi32>, vector<16xi32>], vector<16xf32>,
        %parallel_loop3A_854 = arith.constant 0 : i32
        %parallel_loop3A_855 = arith.constant 0 : i32
        %parallel_loop3A_856 = arith.constant 0 : i32
        %parallel_loop3A_857 = tpu.memref_slice %arg7[%parallel_loop3A_854, %parallel_loop3A_855, %parallel_loop3A_856] : memref<2x64x128xf32, #tpu.memory_space<vmem>> -> memref<1x64x128xf32, #tpu.memory_space<vmem>>
        %parallel_loop3A_858 = tpu.memref_squeeze %parallel_loop3A_857 : memref<1x64x128xf32, #tpu.memory_space<vmem>> -> memref<64x128xf32, #tpu.memory_space<vmem>>
        tpu.vector_store_idx %parallel_loop3A_858[%parallel_loop3A_792, %add3A_26], %parallel_loop3A_853 : memref<64x128xf32, #tpu.memory_space<vmem>>[vector<16xi32>, vector<16xi32>], vector<16xf32>,
        %parallel_loop3A_859 = arith.constant 0 : i32
        %parallel_loop3A_860 = arith.constant 0 : i32
        %parallel_loop3A_861 = arith.constant 0 : i32
        %parallel_loop3A_862 = tpu.memref_slice %arg6[%parallel_loop3A_859, %parallel_loop3A_860, %parallel_loop3A_861] : memref<2x128x64xf32, #tpu.memory_space<vmem>> -> memref<1x128x64xf32, #tpu.memory_space<vmem>>
        %parallel_loop3A_863 = tpu.memref_squeeze %parallel_loop3A_862 : memref<1x128x64xf32, #tpu.memory_space<vmem>> -> memref<128x64xf32, #tpu.memory_space<vmem>>
        %parallel_loop3A_864 = tpu.vector_load_idx %parallel_loop3A_863[%add3A_29, %parallel_loop3A_792] : memref<128x64xf32, #tpu.memory_space<vmem>>[vector<16xi32>, vector<16xi32>], vector<16xf32>,
        %parallel_loop3A_865 = arith.constant 0 : i32
        %parallel_loop3A_866 = arith.constant 0 : i32
        %parallel_loop3A_867 = arith.constant 0 : i32
        %parallel_loop3A_868 = tpu.memref_slice %arg7[%parallel_loop3A_865, %parallel_loop3A_866, %parallel_loop3A_867] : memref<2x64x128xf32, #tpu.memory_space<vmem>> -> memref<1x64x128xf32, #tpu.memory_space<vmem>>
        %parallel_loop3A_869 = tpu.memref_squeeze %parallel_loop3A_868 : memref<1x64x128xf32, #tpu.memory_space<vmem>> -> memref<64x128xf32, #tpu.memory_space<vmem>>
        tpu.vector_store_idx %parallel_loop3A_869[%parallel_loop3A_792, %add3A_29], %parallel_loop3A_864 : memref<64x128xf32, #tpu.memory_space<vmem>>[vector<16xi32>, vector<16xi32>], vector<16xf32>,
        %parallel_loop3A_870 = arith.constant 0 : i32
        %parallel_loop3A_871 = arith.constant 0 : i32
        %parallel_loop3A_872 = arith.constant 0 : i32
        %parallel_loop3A_873 = tpu.memref_slice %arg6[%parallel_loop3A_870, %parallel_loop3A_871, %parallel_loop3A_872] : memref<2x128x64xf32, #tpu.memory_space<vmem>> -> memref<1x128x64xf32, #tpu.memory_space<vmem>>
        %parallel_loop3A_874 = tpu.memref_squeeze %parallel_loop3A_873 : memref<1x128x64xf32, #tpu.memory_space<vmem>> -> memref<128x64xf32, #tpu.memory_space<vmem>>
        %parallel_loop3A_875 = tpu.vector_load_idx %parallel_loop3A_874[%add3A_32, %parallel_loop3A_792] : memref<128x64xf32, #tpu.memory_space<vmem>>[vector<16xi32>, vector<16xi32>], vector<16xf32>,
        %parallel_loop3A_876 = arith.constant 0 : i32
        %parallel_loop3A_877 = arith.constant 0 : i32
        %parallel_loop3A_878 = arith.constant 0 : i32
        %parallel_loop3A_879 = tpu.memref_slice %arg7[%parallel_loop3A_876, %parallel_loop3A_877, %parallel_loop3A_878] : memref<2x64x128xf32, #tpu.memory_space<vmem>> -> memref<1x64x128xf32, #tpu.memory_space<vmem>>
        %parallel_loop3A_880 = tpu.memref_squeeze %parallel_loop3A_879 : memref<1x64x128xf32, #tpu.memory_space<vmem>> -> memref<64x128xf32, #tpu.memory_space<vmem>>
        tpu.vector_store_idx %parallel_loop3A_880[%parallel_loop3A_792, %add3A_32], %parallel_loop3A_875 : memref<64x128xf32, #tpu.memory_space<vmem>>[vector<16xi32>, vector<16xi32>], vector<16xf32>,
      } {sc.loop_unroll_factor = 4 : i64, sc.parallel_access}
      %add3A_396 = arith.addi %mul3A_8, %mul3A_368 : i32
      %jit3A = arith.constant 32 : i32
      %div3A = arith.divsi %add3A_396, %jit3A : i32
      %sign3A = arith.constant 0 : i32
      %sign3A_397 = arith.cmpi sgt, %add3A_396, %sign3A : i32
      %sign3A_398 = arith.extui %sign3A_397 : i1 to i32
      %sign3A_399 = arith.constant 0 : i32
      %sign3A_400 = arith.cmpi slt, %add3A_396, %sign3A_399 : i32
      %sign3A_401 = arith.extui %sign3A_400 : i1 to i32
      %sign3A_402 = arith.subi %sign3A_398, %sign3A_401 : i32
      %sign3A_403 = arith.constant 0 : i32
      %sign3A_404 = arith.cmpi sgt, %jit3A, %sign3A_403 : i32
      %sign3A_405 = arith.extui %sign3A_404 : i1 to i32
      %sign3A_406 = arith.constant 0 : i32
      %sign3A_407 = arith.cmpi slt, %jit3A, %sign3A_406 : i32
      %sign3A_408 = arith.extui %sign3A_407 : i1 to i32
      %sign3A_409 = arith.subi %sign3A_405, %sign3A_408 : i32
      %ne3A = arith.cmpi ne, %sign3A_402, %sign3A_409 : i32
      %rem3A = arith.remsi %add3A_396, %jit3A : i32
      %ne3A_410 = arith.constant 0 : i32
      %ne3A_411 = arith.cmpi ne, %rem3A, %ne3A_410 : i32
      %and3A = arith.andi %ne3A, %ne3A_411 : i1
      %sub3A = arith.constant 1 : i32
      %sub3A_412 = arith.subi %div3A, %sub3A : i32
      %select_n3A = arith.select %and3A, %sub3A_412, %div3A : i32
      %jit3A_413 = arith.constant 32 : i32
      %eq3A = arith.constant 0 : i32
      %eq3A_414 = arith.cmpi eq, %jit3A_413, %eq3A : i32
      %jit3A_415 = arith.constant 1 : i32
      %select_n3A_416 = arith.select %eq3A_414, %jit3A_415, %jit3A_413 : i32
      %rem3A_417 = arith.remsi %add3A_396, %select_n3A_416 : i32
      %ne3A_418 = arith.constant 0 : i32
      %ne3A_419 = arith.cmpi ne, %rem3A_417, %ne3A_418 : i32
      %lt3A = arith.constant 0 : i32
      %lt3A_420 = arith.cmpi slt, %rem3A_417, %lt3A : i32
      %lt3A_421 = arith.constant 0 : i32
      %lt3A_422 = arith.cmpi slt, %select_n3A_416, %lt3A_421 : i32
      %ne3A_423 = arith.xori %lt3A_420, %lt3A_422 : i1
      %and3A_424 = arith.andi %ne3A_423, %ne3A_419 : i1
      %add3A_425 = arith.addi %rem3A_417, %select_n3A_416 : i32
      %select_n3A_426 = arith.select %and3A_424, %add3A_425, %rem3A_417 : i32
      %dma_start3A_427 = arith.constant 0 : i32
      %dma_start3A_428 = arith.constant 0 : i32
      %dma_start3A_429 = arith.constant 0 : i32
      %dma_start3A_430 = arith.constant 0 : i32
      %dma_start3A_431 = tpu.memref_slice %arg7[%dma_start3A_427, %dma_start3A_429, %dma_start3A_430] : memref<2x64x128xf32, #tpu.memory_space<vmem>> -> memref<1x8x128xf32, #tpu.memory_space<vmem>>
      %dma_start3A_432 = tpu.memref_squeeze %dma_start3A_431 : memref<1x8x128xf32, #tpu.memory_space<vmem>> -> memref<8x128xf32, #tpu.memory_space<vmem>>
      %dma_start3A_433 = arith.constant 0 : i32
      %dma_start3A_434 = arith.constant 0 : i32
      %dma_start3A_435 = tpu.memref_slice %arg4[%select_n3A, %dma_start3A_428, %select_n3A_426, %dma_start3A_433, %dma_start3A_434] : memref<200x8x32x8x128xf32, #tpu.memory_space<hbm>> -> memref<1x1x1x8x128xf32, #tpu.memory_space<hbm>>
      %dma_start3A_436 = tpu.memref_squeeze %dma_start3A_435 : memref<1x1x1x8x128xf32, #tpu.memory_space<hbm>> -> memref<8x128xf32, #tpu.memory_space<hbm>>
      %dma_start3A_437 = arith.constant 0 : i32
      %dma_start3A_438 = arith.constant 0 : i32
      %dma_start3A_439 = tpu.memref_slice %arg4[%select_n3A, %dma_start3A_428, %select_n3A_426, %dma_start3A_437, %dma_start3A_438] : memref<200x8x32x8x128xf32, #tpu.memory_space<hbm>> -> memref<1x1x1x8x128xf32, #tpu.memory_space<hbm>>
      %dma_start3A_440 = tpu.memref_squeeze %dma_start3A_439 : memref<1x1x1x8x128xf32, #tpu.memory_space<hbm>> -> memref<8x128xf32, #tpu.memory_space<hbm>>
      %dma_start3A_441 = arith.constant 0 : i32
      %dma_start3A_442 = arith.constant 0 : i32
      %dma_start3A_443 = tpu.memref_slice %arg7[%dma_start3A_427, %dma_start3A_441, %dma_start3A_442] : memref<2x64x128xf32, #tpu.memory_space<vmem>> -> memref<1x8x128xf32, #tpu.memory_space<vmem>>
      %dma_start3A_444 = tpu.memref_squeeze %dma_start3A_443 : memref<1x8x128xf32, #tpu.memory_space<vmem>> -> memref<8x128xf32, #tpu.memory_space<vmem>>
      tpu.enqueue_dma source(%dma_start3A_444 : memref<8x128xf32, #tpu.memory_space<vmem>>) target(%dma_start3A_440 : memref<8x128xf32, #tpu.memory_space<hbm>>) target_semaphore(%arg10 : memref<!tpu.dma_semaphore, #tpu.memory_space<semaphore_mem>>)
      %dma_start3A_445 = arith.constant 0 : i32
      %dma_start3A_446 = arith.constant 1 : i32
      %dma_start3A_447 = arith.constant 8 : i32
      %dma_start3A_448 = arith.constant 0 : i32
      %dma_start3A_449 = tpu.memref_slice %arg7[%dma_start3A_445, %dma_start3A_447, %dma_start3A_448] : memref<2x64x128xf32, #tpu.memory_space<vmem>> -> memref<1x8x128xf32, #tpu.memory_space<vmem>>
      %dma_start3A_450 = tpu.memref_squeeze %dma_start3A_449 : memref<1x8x128xf32, #tpu.memory_space<vmem>> -> memref<8x128xf32, #tpu.memory_space<vmem>>
      %dma_start3A_451 = arith.constant 0 : i32
      %dma_start3A_452 = arith.constant 0 : i32
      %dma_start3A_453 = tpu.memref_slice %arg4[%select_n3A, %dma_start3A_446, %select_n3A_426, %dma_start3A_451, %dma_start3A_452] : memref<200x8x32x8x128xf32, #tpu.memory_space<hbm>> -> memref<1x1x1x8x128xf32, #tpu.memory_space<hbm>>
      %dma_start3A_454 = tpu.memref_squeeze %dma_start3A_453 : memref<1x1x1x8x128xf32, #tpu.memory_space<hbm>> -> memref<8x128xf32, #tpu.memory_space<hbm>>
      %dma_start3A_455 = arith.constant 0 : i32
      %dma_start3A_456 = arith.constant 0 : i32
      %dma_start3A_457 = tpu.memref_slice %arg4[%select_n3A, %dma_start3A_446, %select_n3A_426, %dma_start3A_455, %dma_start3A_456] : memref<200x8x32x8x128xf32, #tpu.memory_space<hbm>> -> memref<1x1x1x8x128xf32, #tpu.memory_space<hbm>>
      %dma_start3A_458 = tpu.memref_squeeze %dma_start3A_457 : memref<1x1x1x8x128xf32, #tpu.memory_space<hbm>> -> memref<8x128xf32, #tpu.memory_space<hbm>>
      %dma_start3A_459 = arith.constant 8 : i32
      %dma_start3A_460 = arith.constant 0 : i32
      %dma_start3A_461 = tpu.memref_slice %arg7[%dma_start3A_445, %dma_start3A_459, %dma_start3A_460] : memref<2x64x128xf32, #tpu.memory_space<vmem>> -> memref<1x8x128xf32, #tpu.memory_space<vmem>>
      %dma_start3A_462 = tpu.memref_squeeze %dma_start3A_461 : memref<1x8x128xf32, #tpu.memory_space<vmem>> -> memref<8x128xf32, #tpu.memory_space<vmem>>
      tpu.enqueue_dma source(%dma_start3A_462 : memref<8x128xf32, #tpu.memory_space<vmem>>) target(%dma_start3A_458 : memref<8x128xf32, #tpu.memory_space<hbm>>) target_semaphore(%arg10 : memref<!tpu.dma_semaphore, #tpu.memory_space<semaphore_mem>>)
      %dma_start3A_463 = arith.constant 0 : i32
      %dma_start3A_464 = arith.constant 2 : i32
      %dma_start3A_465 = arith.constant 16 : i32
      %dma_start3A_466 = arith.constant 0 : i32
      %dma_start3A_467 = tpu.memref_slice %arg7[%dma_start3A_463, %dma_start3A_465, %dma_start3A_466] : memref<2x64x128xf32, #tpu.memory_space<vmem>> -> memref<1x8x128xf32, #tpu.memory_space<vmem>>
      %dma_start3A_468 = tpu.memref_squeeze %dma_start3A_467 : memref<1x8x128xf32, #tpu.memory_space<vmem>> -> memref<8x128xf32, #tpu.memory_space<vmem>>
      %dma_start3A_469 = arith.constant 0 : i32
      %dma_start3A_470 = arith.constant 0 : i32
      %dma_start3A_471 = tpu.memref_slice %arg4[%select_n3A, %dma_start3A_464, %select_n3A_426, %dma_start3A_469, %dma_start3A_470] : memref<200x8x32x8x128xf32, #tpu.memory_space<hbm>> -> memref<1x1x1x8x128xf32, #tpu.memory_space<hbm>>
      %dma_start3A_472 = tpu.memref_squeeze %dma_start3A_471 : memref<1x1x1x8x128xf32, #tpu.memory_space<hbm>> -> memref<8x128xf32, #tpu.memory_space<hbm>>
      %dma_start3A_473 = arith.constant 0 : i32
      %dma_start3A_474 = arith.constant 0 : i32
      %dma_start3A_475 = tpu.memref_slice %arg4[%select_n3A, %dma_start3A_464, %select_n3A_426, %dma_start3A_473, %dma_start3A_474] : memref<200x8x32x8x128xf32, #tpu.memory_space<hbm>> -> memref<1x1x1x8x128xf32, #tpu.memory_space<hbm>>
      %dma_start3A_476 = tpu.memref_squeeze %dma_start3A_475 : memref<1x1x1x8x128xf32, #tpu.memory_space<hbm>> -> memref<8x128xf32, #tpu.memory_space<hbm>>
      %dma_start3A_477 = arith.constant 16 : i32
      %dma_start3A_478 = arith.constant 0 : i32
      %dma_start3A_479 = tpu.memref_slice %arg7[%dma_start3A_463, %dma_start3A_477, %dma_start3A_478] : memref<2x64x128xf32, #tpu.memory_space<vmem>> -> memref<1x8x128xf32, #tpu.memory_space<vmem>>
      %dma_start3A_480 = tpu.memref_squeeze %dma_start3A_479 : memref<1x8x128xf32, #tpu.memory_space<vmem>> -> memref<8x128xf32, #tpu.memory_space<vmem>>
      tpu.enqueue_dma source(%dma_start3A_480 : memref<8x128xf32, #tpu.memory_space<vmem>>) target(%dma_start3A_476 : memref<8x128xf32, #tpu.memory_space<hbm>>) target_semaphore(%arg10 : memref<!tpu.dma_semaphore, #tpu.memory_space<semaphore_mem>>)
      %dma_start3A_481 = arith.constant 0 : i32
      %dma_start3A_482 = arith.constant 3 : i32
      %dma_start3A_483 = arith.constant 24 : i32
      %dma_start3A_484 = arith.constant 0 : i32
      %dma_start3A_485 = tpu.memref_slice %arg7[%dma_start3A_481, %dma_start3A_483, %dma_start3A_484] : memref<2x64x128xf32, #tpu.memory_space<vmem>> -> memref<1x8x128xf32, #tpu.memory_space<vmem>>
      %dma_start3A_486 = tpu.memref_squeeze %dma_start3A_485 : memref<1x8x128xf32, #tpu.memory_space<vmem>> -> memref<8x128xf32, #tpu.memory_space<vmem>>
      %dma_start3A_487 = arith.constant 0 : i32
      %dma_start3A_488 = arith.constant 0 : i32
      %dma_start3A_489 = tpu.memref_slice %arg4[%select_n3A, %dma_start3A_482, %select_n3A_426, %dma_start3A_487, %dma_start3A_488] : memref<200x8x32x8x128xf32, #tpu.memory_space<hbm>> -> memref<1x1x1x8x128xf32, #tpu.memory_space<hbm>>
      %dma_start3A_490 = tpu.memref_squeeze %dma_start3A_489 : memref<1x1x1x8x128xf32, #tpu.memory_space<hbm>> -> memref<8x128xf32, #tpu.memory_space<hbm>>
      %dma_start3A_491 = arith.constant 0 : i32
      %dma_start3A_492 = arith.constant 0 : i32
      %dma_start3A_493 = tpu.memref_slice %arg4[%select_n3A, %dma_start3A_482, %select_n3A_426, %dma_start3A_491, %dma_start3A_492] : memref<200x8x32x8x128xf32, #tpu.memory_space<hbm>> -> memref<1x1x1x8x128xf32, #tpu.memory_space<hbm>>
      %dma_start3A_494 = tpu.memref_squeeze %dma_start3A_493 : memref<1x1x1x8x128xf32, #tpu.memory_space<hbm>> -> memref<8x128xf32, #tpu.memory_space<hbm>>
      %dma_start3A_495 = arith.constant 24 : i32
      %dma_start3A_496 = arith.constant 0 : i32
      %dma_start3A_497 = tpu.memref_slice %arg7[%dma_start3A_481, %dma_start3A_495, %dma_start3A_496] : memref<2x64x128xf32, #tpu.memory_space<vmem>> -> memref<1x8x128xf32, #tpu.memory_space<vmem>>
      %dma_start3A_498 = tpu.memref_squeeze %dma_start3A_497 : memref<1x8x128xf32, #tpu.memory_space<vmem>> -> memref<8x128xf32, #tpu.memory_space<vmem>>
      tpu.enqueue_dma source(%dma_start3A_498 : memref<8x128xf32, #tpu.memory_space<vmem>>) target(%dma_start3A_494 : memref<8x128xf32, #tpu.memory_space<hbm>>) target_semaphore(%arg10 : memref<!tpu.dma_semaphore, #tpu.memory_space<semaphore_mem>>)
      %dma_start3A_499 = arith.constant 0 : i32
      %dma_start3A_500 = arith.constant 4 : i32
      %dma_start3A_501 = arith.constant 32 : i32
      %dma_start3A_502 = arith.constant 0 : i32
      %dma_start3A_503 = tpu.memref_slice %arg7[%dma_start3A_499, %dma_start3A_501, %dma_start3A_502] : memref<2x64x128xf32, #tpu.memory_space<vmem>> -> memref<1x8x128xf32, #tpu.memory_space<vmem>>
      %dma_start3A_504 = tpu.memref_squeeze %dma_start3A_503 : memref<1x8x128xf32, #tpu.memory_space<vmem>> -> memref<8x128xf32, #tpu.memory_space<vmem>>
      %dma_start3A_505 = arith.constant 0 : i32
      %dma_start3A_506 = arith.constant 0 : i32
      %dma_start3A_507 = tpu.memref_slice %arg4[%select_n3A, %dma_start3A_500, %select_n3A_426, %dma_start3A_505, %dma_start3A_506] : memref<200x8x32x8x128xf32, #tpu.memory_space<hbm>> -> memref<1x1x1x8x128xf32, #tpu.memory_space<hbm>>
      %dma_start3A_508 = tpu.memref_squeeze %dma_start3A_507 : memref<1x1x1x8x128xf32, #tpu.memory_space<hbm>> -> memref<8x128xf32, #tpu.memory_space<hbm>>
      %dma_start3A_509 = arith.constant 0 : i32
      %dma_start3A_510 = arith.constant 0 : i32
      %dma_start3A_511 = tpu.memref_slice %arg4[%select_n3A, %dma_start3A_500, %select_n3A_426, %dma_start3A_509, %dma_start3A_510] : memref<200x8x32x8x128xf32, #tpu.memory_space<hbm>> -> memref<1x1x1x8x128xf32, #tpu.memory_space<hbm>>
      %dma_start3A_512 = tpu.memref_squeeze %dma_start3A_511 : memref<1x1x1x8x128xf32, #tpu.memory_space<hbm>> -> memref<8x128xf32, #tpu.memory_space<hbm>>
      %dma_start3A_513 = arith.constant 32 : i32
      %dma_start3A_514 = arith.constant 0 : i32
      %dma_start3A_515 = tpu.memref_slice %arg7[%dma_start3A_499, %dma_start3A_513, %dma_start3A_514] : memref<2x64x128xf32, #tpu.memory_space<vmem>> -> memref<1x8x128xf32, #tpu.memory_space<vmem>>
      %dma_start3A_516 = tpu.memref_squeeze %dma_start3A_515 : memref<1x8x128xf32, #tpu.memory_space<vmem>> -> memref<8x128xf32, #tpu.memory_space<vmem>>
      tpu.enqueue_dma source(%dma_start3A_516 : memref<8x128xf32, #tpu.memory_space<vmem>>) target(%dma_start3A_512 : memref<8x128xf32, #tpu.memory_space<hbm>>) target_semaphore(%arg10 : memref<!tpu.dma_semaphore, #tpu.memory_space<semaphore_mem>>)
      %dma_start3A_517 = arith.constant 0 : i32
      %dma_start3A_518 = arith.constant 5 : i32
      %dma_start3A_519 = arith.constant 40 : i32
      %dma_start3A_520 = arith.constant 0 : i32
      %dma_start3A_521 = tpu.memref_slice %arg7[%dma_start3A_517, %dma_start3A_519, %dma_start3A_520] : memref<2x64x128xf32, #tpu.memory_space<vmem>> -> memref<1x8x128xf32, #tpu.memory_space<vmem>>
      %dma_start3A_522 = tpu.memref_squeeze %dma_start3A_521 : memref<1x8x128xf32, #tpu.memory_space<vmem>> -> memref<8x128xf32, #tpu.memory_space<vmem>>
      %dma_start3A_523 = arith.constant 0 : i32
      %dma_start3A_524 = arith.constant 0 : i32
      %dma_start3A_525 = tpu.memref_slice %arg4[%select_n3A, %dma_start3A_518, %select_n3A_426, %dma_start3A_523, %dma_start3A_524] : memref<200x8x32x8x128xf32, #tpu.memory_space<hbm>> -> memref<1x1x1x8x128xf32, #tpu.memory_space<hbm>>
      %dma_start3A_526 = tpu.memref_squeeze %dma_start3A_525 : memref<1x1x1x8x128xf32, #tpu.memory_space<hbm>> -> memref<8x128xf32, #tpu.memory_space<hbm>>
      %dma_start3A_527 = arith.constant 0 : i32
      %dma_start3A_528 = arith.constant 0 : i32
      %dma_start3A_529 = tpu.memref_slice %arg4[%select_n3A, %dma_start3A_518, %select_n3A_426, %dma_start3A_527, %dma_start3A_528] : memref<200x8x32x8x128xf32, #tpu.memory_space<hbm>> -> memref<1x1x1x8x128xf32, #tpu.memory_space<hbm>>
      %dma_start3A_530 = tpu.memref_squeeze %dma_start3A_529 : memref<1x1x1x8x128xf32, #tpu.memory_space<hbm>> -> memref<8x128xf32, #tpu.memory_space<hbm>>
      %dma_start3A_531 = arith.constant 40 : i32
      %dma_start3A_532 = arith.constant 0 : i32
      %dma_start3A_533 = tpu.memref_slice %arg7[%dma_start3A_517, %dma_start3A_531, %dma_start3A_532] : memref<2x64x128xf32, #tpu.memory_space<vmem>> -> memref<1x8x128xf32, #tpu.memory_space<vmem>>
      %dma_start3A_534 = tpu.memref_squeeze %dma_start3A_533 : memref<1x8x128xf32, #tpu.memory_space<vmem>> -> memref<8x128xf32, #tpu.memory_space<vmem>>
      tpu.enqueue_dma source(%dma_start3A_534 : memref<8x128xf32, #tpu.memory_space<vmem>>) target(%dma_start3A_530 : memref<8x128xf32, #tpu.memory_space<hbm>>) target_semaphore(%arg10 : memref<!tpu.dma_semaphore, #tpu.memory_space<semaphore_mem>>)
      %dma_start3A_535 = arith.constant 0 : i32
      %dma_start3A_536 = arith.constant 6 : i32
      %dma_start3A_537 = arith.constant 48 : i32
      %dma_start3A_538 = arith.constant 0 : i32
      %dma_start3A_539 = tpu.memref_slice %arg7[%dma_start3A_535, %dma_start3A_537, %dma_start3A_538] : memref<2x64x128xf32, #tpu.memory_space<vmem>> -> memref<1x8x128xf32, #tpu.memory_space<vmem>>
      %dma_start3A_540 = tpu.memref_squeeze %dma_start3A_539 : memref<1x8x128xf32, #tpu.memory_space<vmem>> -> memref<8x128xf32, #tpu.memory_space<vmem>>
      %dma_start3A_541 = arith.constant 0 : i32
      %dma_start3A_542 = arith.constant 0 : i32
      %dma_start3A_543 = tpu.memref_slice %arg4[%select_n3A, %dma_start3A_536, %select_n3A_426, %dma_start3A_541, %dma_start3A_542] : memref<200x8x32x8x128xf32, #tpu.memory_space<hbm>> -> memref<1x1x1x8x128xf32, #tpu.memory_space<hbm>>
      %dma_start3A_544 = tpu.memref_squeeze %dma_start3A_543 : memref<1x1x1x8x128xf32, #tpu.memory_space<hbm>> -> memref<8x128xf32, #tpu.memory_space<hbm>>
      %dma_start3A_545 = arith.constant 0 : i32
      %dma_start3A_546 = arith.constant 0 : i32
      %dma_start3A_547 = tpu.memref_slice %arg4[%select_n3A, %dma_start3A_536, %select_n3A_426, %dma_start3A_545, %dma_start3A_546] : memref<200x8x32x8x128xf32, #tpu.memory_space<hbm>> -> memref<1x1x1x8x128xf32, #tpu.memory_space<hbm>>
      %dma_start3A_548 = tpu.memref_squeeze %dma_start3A_547 : memref<1x1x1x8x128xf32, #tpu.memory_space<hbm>> -> memref<8x128xf32, #tpu.memory_space<hbm>>
      %dma_start3A_549 = arith.constant 48 : i32
      %dma_start3A_550 = arith.constant 0 : i32
      %dma_start3A_551 = tpu.memref_slice %arg7[%dma_start3A_535, %dma_start3A_549, %dma_start3A_550] : memref<2x64x128xf32, #tpu.memory_space<vmem>> -> memref<1x8x128xf32, #tpu.memory_space<vmem>>
      %dma_start3A_552 = tpu.memref_squeeze %dma_start3A_551 : memref<1x8x128xf32, #tpu.memory_space<vmem>> -> memref<8x128xf32, #tpu.memory_space<vmem>>
      tpu.enqueue_dma source(%dma_start3A_552 : memref<8x128xf32, #tpu.memory_space<vmem>>) target(%dma_start3A_548 : memref<8x128xf32, #tpu.memory_space<hbm>>) target_semaphore(%arg10 : memref<!tpu.dma_semaphore, #tpu.memory_space<semaphore_mem>>)
      %dma_start3A_553 = arith.constant 0 : i32
      %dma_start3A_554 = arith.constant 7 : i32
      %dma_start3A_555 = arith.constant 56 : i32
      %dma_start3A_556 = arith.constant 0 : i32
      %dma_start3A_557 = tpu.memref_slice %arg7[%dma_start3A_553, %dma_start3A_555, %dma_start3A_556] : memref<2x64x128xf32, #tpu.memory_space<vmem>> -> memref<1x8x128xf32, #tpu.memory_space<vmem>>
      %dma_start3A_558 = tpu.memref_squeeze %dma_start3A_557 : memref<1x8x128xf32, #tpu.memory_space<vmem>> -> memref<8x128xf32, #tpu.memory_space<vmem>>
      %dma_start3A_559 = arith.constant 0 : i32
      %dma_start3A_560 = arith.constant 0 : i32
      %dma_start3A_561 = tpu.memref_slice %arg4[%select_n3A, %dma_start3A_554, %select_n3A_426, %dma_start3A_559, %dma_start3A_560] : memref<200x8x32x8x128xf32, #tpu.memory_space<hbm>> -> memref<1x1x1x8x128xf32, #tpu.memory_space<hbm>>
      %dma_start3A_562 = tpu.memref_squeeze %dma_start3A_561 : memref<1x1x1x8x128xf32, #tpu.memory_space<hbm>> -> memref<8x128xf32, #tpu.memory_space<hbm>>
      %dma_start3A_563 = arith.constant 0 : i32
      %dma_start3A_564 = arith.constant 0 : i32
      %dma_start3A_565 = tpu.memref_slice %arg4[%select_n3A, %dma_start3A_554, %select_n3A_426, %dma_start3A_563, %dma_start3A_564] : memref<200x8x32x8x128xf32, #tpu.memory_space<hbm>> -> memref<1x1x1x8x128xf32, #tpu.memory_space<hbm>>
      %dma_start3A_566 = tpu.memref_squeeze %dma_start3A_565 : memref<1x1x1x8x128xf32, #tpu.memory_space<hbm>> -> memref<8x128xf32, #tpu.memory_space<hbm>>
      %dma_start3A_567 = arith.constant 56 : i32
      %dma_start3A_568 = arith.constant 0 : i32
      %dma_start3A_569 = tpu.memref_slice %arg7[%dma_start3A_553, %dma_start3A_567, %dma_start3A_568] : memref<2x64x128xf32, #tpu.memory_space<vmem>> -> memref<1x8x128xf32, #tpu.memory_space<vmem>>
      %dma_start3A_570 = tpu.memref_squeeze %dma_start3A_569 : memref<1x8x128xf32, #tpu.memory_space<vmem>> -> memref<8x128xf32, #tpu.memory_space<vmem>>
      tpu.enqueue_dma source(%dma_start3A_570 : memref<8x128xf32, #tpu.memory_space<vmem>>) target(%dma_start3A_566 : memref<8x128xf32, #tpu.memory_space<hbm>>) target_semaphore(%arg10 : memref<!tpu.dma_semaphore, #tpu.memory_space<semaphore_mem>>)
      %gt3A_571 = arith.constant 0 : i32
      %gt3A_572 = arith.cmpi sgt, %scan3A_366, %gt3A_571 : i32
      %convert_element_type3A_573 = arith.extui %gt3A_572 : i1 to i32
      %cond3A_574 = arith.constant 0 : i32
      %cond3A_575 = arith.cmpi ne, %convert_element_type3A_573, %cond3A_574 : i32
      scf.if %cond3A_575 {
        %dma_wait3A_783 = arith.constant 0 : i32
        %dma_wait3A_784 = arith.constant 0 : i32
        %dma_wait3A_785 = arith.constant 0 : i32
        %dma_wait3A_786 = arith.constant 0 : i32
        %dma_wait3A_787 = arith.constant 0 : i32
        %dma_wait3A_788 = arith.constant 0 : i32
        %dma_wait3A_789 = tpu.memref_slice %arg7[%dma_wait3A_783, %dma_wait3A_787, %dma_wait3A_788] : memref<2x64x128xf32, #tpu.memory_space<vmem>> -> memref<1x8x128xf32, #tpu.memory_space<vmem>>
        %dma_wait3A_790 = tpu.memref_squeeze %dma_wait3A_789 : memref<1x8x128xf32, #tpu.memory_space<vmem>> -> memref<8x128xf32, #tpu.memory_space<vmem>>
        %dma_wait3A_791 = arith.constant 0 : i32
        %dma_wait3A_792 = arith.constant 0 : i32
        %dma_wait3A_793 = tpu.memref_slice %arg4[%dma_wait3A_784, %dma_wait3A_785, %dma_wait3A_786, %dma_wait3A_791, %dma_wait3A_792] : memref<200x8x32x8x128xf32, #tpu.memory_space<hbm>> -> memref<1x1x1x8x128xf32, #tpu.memory_space<hbm>>
        %dma_wait3A_794 = tpu.memref_squeeze %dma_wait3A_793 : memref<1x1x1x8x128xf32, #tpu.memory_space<hbm>> -> memref<8x128xf32, #tpu.memory_space<hbm>>
        %dma_wait3A_795 = arith.constant 0 : i32
        %dma_wait3A_796 = arith.constant 0 : i32
        %dma_wait3A_797 = tpu.memref_slice %arg4[%dma_wait3A_784, %dma_wait3A_785, %dma_wait3A_786, %dma_wait3A_795, %dma_wait3A_796] : memref<200x8x32x8x128xf32, #tpu.memory_space<hbm>> -> memref<1x1x1x8x128xf32, #tpu.memory_space<hbm>>
        %dma_wait3A_798 = tpu.memref_squeeze %dma_wait3A_797 : memref<1x1x1x8x128xf32, #tpu.memory_space<hbm>> -> memref<8x128xf32, #tpu.memory_space<hbm>>
        %dma_wait3A_799 = arith.constant 0 : i32
        %dma_wait3A_800 = arith.constant 0 : i32
        %dma_wait3A_801 = tpu.memref_slice %arg7[%dma_wait3A_783, %dma_wait3A_799, %dma_wait3A_800] : memref<2x64x128xf32, #tpu.memory_space<vmem>> -> memref<1x8x128xf32, #tpu.memory_space<vmem>>
        %dma_wait3A_802 = tpu.memref_squeeze %dma_wait3A_801 : memref<1x8x128xf32, #tpu.memory_space<vmem>> -> memref<8x128xf32, #tpu.memory_space<vmem>>
        tpu.wait_dma2 semaphore(%arg10 : memref<!tpu.dma_semaphore, #tpu.memory_space<semaphore_mem>>) src(%dma_wait3A_802 : memref<8x128xf32, #tpu.memory_space<vmem>>) dst(%dma_wait3A_798 : memref<8x128xf32, #tpu.memory_space<hbm>>)
        %dma_wait3A_803 = arith.constant 0 : i32
        %dma_wait3A_804 = arith.constant 0 : i32
        %dma_wait3A_805 = arith.constant 0 : i32
        %dma_wait3A_806 = arith.constant 0 : i32
        %dma_wait3A_807 = arith.constant 0 : i32
        %dma_wait3A_808 = arith.constant 0 : i32
        %dma_wait3A_809 = tpu.memref_slice %arg7[%dma_wait3A_803, %dma_wait3A_807, %dma_wait3A_808] : memref<2x64x128xf32, #tpu.memory_space<vmem>> -> memref<1x8x128xf32, #tpu.memory_space<vmem>>
        %dma_wait3A_810 = tpu.memref_squeeze %dma_wait3A_809 : memref<1x8x128xf32, #tpu.memory_space<vmem>> -> memref<8x128xf32, #tpu.memory_space<vmem>>
        %dma_wait3A_811 = arith.constant 0 : i32
        %dma_wait3A_812 = arith.constant 0 : i32
        %dma_wait3A_813 = tpu.memref_slice %arg4[%dma_wait3A_804, %dma_wait3A_805, %dma_wait3A_806, %dma_wait3A_811, %dma_wait3A_812] : memref<200x8x32x8x128xf32, #tpu.memory_space<hbm>> -> memref<1x1x1x8x128xf32, #tpu.memory_space<hbm>>
        %dma_wait3A_814 = tpu.memref_squeeze %dma_wait3A_813 : memref<1x1x1x8x128xf32, #tpu.memory_space<hbm>> -> memref<8x128xf32, #tpu.memory_space<hbm>>
        %dma_wait3A_815 = arith.constant 0 : i32
        %dma_wait3A_816 = arith.constant 0 : i32
        %dma_wait3A_817 = tpu.memref_slice %arg4[%dma_wait3A_804, %dma_wait3A_805, %dma_wait3A_806, %dma_wait3A_815, %dma_wait3A_816] : memref<200x8x32x8x128xf32, #tpu.memory_space<hbm>> -> memref<1x1x1x8x128xf32, #tpu.memory_space<hbm>>
        %dma_wait3A_818 = tpu.memref_squeeze %dma_wait3A_817 : memref<1x1x1x8x128xf32, #tpu.memory_space<hbm>> -> memref<8x128xf32, #tpu.memory_space<hbm>>
        %dma_wait3A_819 = arith.constant 0 : i32
        %dma_wait3A_820 = arith.constant 0 : i32
        %dma_wait3A_821 = tpu.memref_slice %arg7[%dma_wait3A_803, %dma_wait3A_819, %dma_wait3A_820] : memref<2x64x128xf32, #tpu.memory_space<vmem>> -> memref<1x8x128xf32, #tpu.memory_space<vmem>>
        %dma_wait3A_822 = tpu.memref_squeeze %dma_wait3A_821 : memref<1x8x128xf32, #tpu.memory_space<vmem>> -> memref<8x128xf32, #tpu.memory_space<vmem>>
        tpu.wait_dma2 semaphore(%arg10 : memref<!tpu.dma_semaphore, #tpu.memory_space<semaphore_mem>>) src(%dma_wait3A_822 : memref<8x128xf32, #tpu.memory_space<vmem>>) dst(%dma_wait3A_818 : memref<8x128xf32, #tpu.memory_space<hbm>>)
        %dma_wait3A_823 = arith.constant 0 : i32
        %dma_wait3A_824 = arith.constant 0 : i32
        %dma_wait3A_825 = arith.constant 0 : i32
        %dma_wait3A_826 = arith.constant 0 : i32
        %dma_wait3A_827 = arith.constant 0 : i32
        %dma_wait3A_828 = arith.constant 0 : i32
        %dma_wait3A_829 = tpu.memref_slice %arg7[%dma_wait3A_823, %dma_wait3A_827, %dma_wait3A_828] : memref<2x64x128xf32, #tpu.memory_space<vmem>> -> memref<1x8x128xf32, #tpu.memory_space<vmem>>
        %dma_wait3A_830 = tpu.memref_squeeze %dma_wait3A_829 : memref<1x8x128xf32, #tpu.memory_space<vmem>> -> memref<8x128xf32, #tpu.memory_space<vmem>>
        %dma_wait3A_831 = arith.constant 0 : i32
        %dma_wait3A_832 = arith.constant 0 : i32
        %dma_wait3A_833 = tpu.memref_slice %arg4[%dma_wait3A_824, %dma_wait3A_825, %dma_wait3A_826, %dma_wait3A_831, %dma_wait3A_832] : memref<200x8x32x8x128xf32, #tpu.memory_space<hbm>> -> memref<1x1x1x8x128xf32, #tpu.memory_space<hbm>>
        %dma_wait3A_834 = tpu.memref_squeeze %dma_wait3A_833 : memref<1x1x1x8x128xf32, #tpu.memory_space<hbm>> -> memref<8x128xf32, #tpu.memory_space<hbm>>
        %dma_wait3A_835 = arith.constant 0 : i32
        %dma_wait3A_836 = arith.constant 0 : i32
        %dma_wait3A_837 = tpu.memref_slice %arg4[%dma_wait3A_824, %dma_wait3A_825, %dma_wait3A_826, %dma_wait3A_835, %dma_wait3A_836] : memref<200x8x32x8x128xf32, #tpu.memory_space<hbm>> -> memref<1x1x1x8x128xf32, #tpu.memory_space<hbm>>
        %dma_wait3A_838 = tpu.memref_squeeze %dma_wait3A_837 : memref<1x1x1x8x128xf32, #tpu.memory_space<hbm>> -> memref<8x128xf32, #tpu.memory_space<hbm>>
        %dma_wait3A_839 = arith.constant 0 : i32
        %dma_wait3A_840 = arith.constant 0 : i32
        %dma_wait3A_841 = tpu.memref_slice %arg7[%dma_wait3A_823, %dma_wait3A_839, %dma_wait3A_840] : memref<2x64x128xf32, #tpu.memory_space<vmem>> -> memref<1x8x128xf32, #tpu.memory_space<vmem>>
        %dma_wait3A_842 = tpu.memref_squeeze %dma_wait3A_841 : memref<1x8x128xf32, #tpu.memory_space<vmem>> -> memref<8x128xf32, #tpu.memory_space<vmem>>
        tpu.wait_dma2 semaphore(%arg10 : memref<!tpu.dma_semaphore, #tpu.memory_space<semaphore_mem>>) src(%dma_wait3A_842 : memref<8x128xf32, #tpu.memory_space<vmem>>) dst(%dma_wait3A_838 : memref<8x128xf32, #tpu.memory_space<hbm>>)
        %dma_wait3A_843 = arith.constant 0 : i32
        %dma_wait3A_844 = arith.constant 0 : i32
        %dma_wait3A_845 = arith.constant 0 : i32
        %dma_wait3A_846 = arith.constant 0 : i32
        %dma_wait3A_847 = arith.constant 0 : i32
        %dma_wait3A_848 = arith.constant 0 : i32
        %dma_wait3A_849 = tpu.memref_slice %arg7[%dma_wait3A_843, %dma_wait3A_847, %dma_wait3A_848] : memref<2x64x128xf32, #tpu.memory_space<vmem>> -> memref<1x8x128xf32, #tpu.memory_space<vmem>>
        %dma_wait3A_850 = tpu.memref_squeeze %dma_wait3A_849 : memref<1x8x128xf32, #tpu.memory_space<vmem>> -> memref<8x128xf32, #tpu.memory_space<vmem>>
        %dma_wait3A_851 = arith.constant 0 : i32
        %dma_wait3A_852 = arith.constant 0 : i32
        %dma_wait3A_853 = tpu.memref_slice %arg4[%dma_wait3A_844, %dma_wait3A_845, %dma_wait3A_846, %dma_wait3A_851, %dma_wait3A_852] : memref<200x8x32x8x128xf32, #tpu.memory_space<hbm>> -> memref<1x1x1x8x128xf32, #tpu.memory_space<hbm>>
        %dma_wait3A_854 = tpu.memref_squeeze %dma_wait3A_853 : memref<1x1x1x8x128xf32, #tpu.memory_space<hbm>> -> memref<8x128xf32, #tpu.memory_space<hbm>>
        %dma_wait3A_855 = arith.constant 0 : i32
        %dma_wait3A_856 = arith.constant 0 : i32
        %dma_wait3A_857 = tpu.memref_slice %arg4[%dma_wait3A_844, %dma_wait3A_845, %dma_wait3A_846, %dma_wait3A_855, %dma_wait3A_856] : memref<200x8x32x8x128xf32, #tpu.memory_space<hbm>> -> memref<1x1x1x8x128xf32, #tpu.memory_space<hbm>>
        %dma_wait3A_858 = tpu.memref_squeeze %dma_wait3A_857 : memref<1x1x1x8x128xf32, #tpu.memory_space<hbm>> -> memref<8x128xf32, #tpu.memory_space<hbm>>
        %dma_wait3A_859 = arith.constant 0 : i32
        %dma_wait3A_860 = arith.constant 0 : i32
        %dma_wait3A_861 = tpu.memref_slice %arg7[%dma_wait3A_843, %dma_wait3A_859, %dma_wait3A_860] : memref<2x64x128xf32, #tpu.memory_space<vmem>> -> memref<1x8x128xf32, #tpu.memory_space<vmem>>
        %dma_wait3A_862 = tpu.memref_squeeze %dma_wait3A_861 : memref<1x8x128xf32, #tpu.memory_space<vmem>> -> memref<8x128xf32, #tpu.memory_space<vmem>>
        tpu.wait_dma2 semaphore(%arg10 : memref<!tpu.dma_semaphore, #tpu.memory_space<semaphore_mem>>) src(%dma_wait3A_862 : memref<8x128xf32, #tpu.memory_space<vmem>>) dst(%dma_wait3A_858 : memref<8x128xf32, #tpu.memory_space<hbm>>)
        %dma_wait3A_863 = arith.constant 0 : i32
        %dma_wait3A_864 = arith.constant 0 : i32
        %dma_wait3A_865 = arith.constant 0 : i32
        %dma_wait3A_866 = arith.constant 0 : i32
        %dma_wait3A_867 = arith.constant 0 : i32
        %dma_wait3A_868 = arith.constant 0 : i32
        %dma_wait3A_869 = tpu.memref_slice %arg7[%dma_wait3A_863, %dma_wait3A_867, %dma_wait3A_868] : memref<2x64x128xf32, #tpu.memory_space<vmem>> -> memref<1x8x128xf32, #tpu.memory_space<vmem>>
        %dma_wait3A_870 = tpu.memref_squeeze %dma_wait3A_869 : memref<1x8x128xf32, #tpu.memory_space<vmem>> -> memref<8x128xf32, #tpu.memory_space<vmem>>
        %dma_wait3A_871 = arith.constant 0 : i32
        %dma_wait3A_872 = arith.constant 0 : i32
        %dma_wait3A_873 = tpu.memref_slice %arg4[%dma_wait3A_864, %dma_wait3A_865, %dma_wait3A_866, %dma_wait3A_871, %dma_wait3A_872] : memref<200x8x32x8x128xf32, #tpu.memory_space<hbm>> -> memref<1x1x1x8x128xf32, #tpu.memory_space<hbm>>
        %dma_wait3A_874 = tpu.memref_squeeze %dma_wait3A_873 : memref<1x1x1x8x128xf32, #tpu.memory_space<hbm>> -> memref<8x128xf32, #tpu.memory_space<hbm>>
        %dma_wait3A_875 = arith.constant 0 : i32
        %dma_wait3A_876 = arith.constant 0 : i32
        %dma_wait3A_877 = tpu.memref_slice %arg4[%dma_wait3A_864, %dma_wait3A_865, %dma_wait3A_866, %dma_wait3A_875, %dma_wait3A_876] : memref<200x8x32x8x128xf32, #tpu.memory_space<hbm>> -> memref<1x1x1x8x128xf32, #tpu.memory_space<hbm>>
        %dma_wait3A_878 = tpu.memref_squeeze %dma_wait3A_877 : memref<1x1x1x8x128xf32, #tpu.memory_space<hbm>> -> memref<8x128xf32, #tpu.memory_space<hbm>>
        %dma_wait3A_879 = arith.constant 0 : i32
        %dma_wait3A_880 = arith.constant 0 : i32
        %dma_wait3A_881 = tpu.memref_slice %arg7[%dma_wait3A_863, %dma_wait3A_879, %dma_wait3A_880] : memref<2x64x128xf32, #tpu.memory_space<vmem>> -> memref<1x8x128xf32, #tpu.memory_space<vmem>>
        %dma_wait3A_882 = tpu.memref_squeeze %dma_wait3A_881 : memref<1x8x128xf32, #tpu.memory_space<vmem>> -> memref<8x128xf32, #tpu.memory_space<vmem>>
        tpu.wait_dma2 semaphore(%arg10 : memref<!tpu.dma_semaphore, #tpu.memory_space<semaphore_mem>>) src(%dma_wait3A_882 : memref<8x128xf32, #tpu.memory_space<vmem>>) dst(%dma_wait3A_878 : memref<8x128xf32, #tpu.memory_space<hbm>>)
        %dma_wait3A_883 = arith.constant 0 : i32
        %dma_wait3A_884 = arith.constant 0 : i32
        %dma_wait3A_885 = arith.constant 0 : i32
        %dma_wait3A_886 = arith.constant 0 : i32
        %dma_wait3A_887 = arith.constant 0 : i32
        %dma_wait3A_888 = arith.constant 0 : i32
        %dma_wait3A_889 = tpu.memref_slice %arg7[%dma_wait3A_883, %dma_wait3A_887, %dma_wait3A_888] : memref<2x64x128xf32, #tpu.memory_space<vmem>> -> memref<1x8x128xf32, #tpu.memory_space<vmem>>
        %dma_wait3A_890 = tpu.memref_squeeze %dma_wait3A_889 : memref<1x8x128xf32, #tpu.memory_space<vmem>> -> memref<8x128xf32, #tpu.memory_space<vmem>>
        %dma_wait3A_891 = arith.constant 0 : i32
        %dma_wait3A_892 = arith.constant 0 : i32
        %dma_wait3A_893 = tpu.memref_slice %arg4[%dma_wait3A_884, %dma_wait3A_885, %dma_wait3A_886, %dma_wait3A_891, %dma_wait3A_892] : memref<200x8x32x8x128xf32, #tpu.memory_space<hbm>> -> memref<1x1x1x8x128xf32, #tpu.memory_space<hbm>>
        %dma_wait3A_894 = tpu.memref_squeeze %dma_wait3A_893 : memref<1x1x1x8x128xf32, #tpu.memory_space<hbm>> -> memref<8x128xf32, #tpu.memory_space<hbm>>
        %dma_wait3A_895 = arith.constant 0 : i32
        %dma_wait3A_896 = arith.constant 0 : i32
        %dma_wait3A_897 = tpu.memref_slice %arg4[%dma_wait3A_884, %dma_wait3A_885, %dma_wait3A_886, %dma_wait3A_895, %dma_wait3A_896] : memref<200x8x32x8x128xf32, #tpu.memory_space<hbm>> -> memref<1x1x1x8x128xf32, #tpu.memory_space<hbm>>
        %dma_wait3A_898 = tpu.memref_squeeze %dma_wait3A_897 : memref<1x1x1x8x128xf32, #tpu.memory_space<hbm>> -> memref<8x128xf32, #tpu.memory_space<hbm>>
        %dma_wait3A_899 = arith.constant 0 : i32
        %dma_wait3A_900 = arith.constant 0 : i32
        %dma_wait3A_901 = tpu.memref_slice %arg7[%dma_wait3A_883, %dma_wait3A_899, %dma_wait3A_900] : memref<2x64x128xf32, #tpu.memory_space<vmem>> -> memref<1x8x128xf32, #tpu.memory_space<vmem>>
        %dma_wait3A_902 = tpu.memref_squeeze %dma_wait3A_901 : memref<1x8x128xf32, #tpu.memory_space<vmem>> -> memref<8x128xf32, #tpu.memory_space<vmem>>
        tpu.wait_dma2 semaphore(%arg10 : memref<!tpu.dma_semaphore, #tpu.memory_space<semaphore_mem>>) src(%dma_wait3A_902 : memref<8x128xf32, #tpu.memory_space<vmem>>) dst(%dma_wait3A_898 : memref<8x128xf32, #tpu.memory_space<hbm>>)
        %dma_wait3A_903 = arith.constant 0 : i32
        %dma_wait3A_904 = arith.constant 0 : i32
        %dma_wait3A_905 = arith.constant 0 : i32
        %dma_wait3A_906 = arith.constant 0 : i32
        %dma_wait3A_907 = arith.constant 0 : i32
        %dma_wait3A_908 = arith.constant 0 : i32
        %dma_wait3A_909 = tpu.memref_slice %arg7[%dma_wait3A_903, %dma_wait3A_907, %dma_wait3A_908] : memref<2x64x128xf32, #tpu.memory_space<vmem>> -> memref<1x8x128xf32, #tpu.memory_space<vmem>>
        %dma_wait3A_910 = tpu.memref_squeeze %dma_wait3A_909 : memref<1x8x128xf32, #tpu.memory_space<vmem>> -> memref<8x128xf32, #tpu.memory_space<vmem>>
        %dma_wait3A_911 = arith.constant 0 : i32
        %dma_wait3A_912 = arith.constant 0 : i32
        %dma_wait3A_913 = tpu.memref_slice %arg4[%dma_wait3A_904, %dma_wait3A_905, %dma_wait3A_906, %dma_wait3A_911, %dma_wait3A_912] : memref<200x8x32x8x128xf32, #tpu.memory_space<hbm>> -> memref<1x1x1x8x128xf32, #tpu.memory_space<hbm>>
        %dma_wait3A_914 = tpu.memref_squeeze %dma_wait3A_913 : memref<1x1x1x8x128xf32, #tpu.memory_space<hbm>> -> memref<8x128xf32, #tpu.memory_space<hbm>>
        %dma_wait3A_915 = arith.constant 0 : i32
        %dma_wait3A_916 = arith.constant 0 : i32
        %dma_wait3A_917 = tpu.memref_slice %arg4[%dma_wait3A_904, %dma_wait3A_905, %dma_wait3A_906, %dma_wait3A_915, %dma_wait3A_916] : memref<200x8x32x8x128xf32, #tpu.memory_space<hbm>> -> memref<1x1x1x8x128xf32, #tpu.memory_space<hbm>>
        %dma_wait3A_918 = tpu.memref_squeeze %dma_wait3A_917 : memref<1x1x1x8x128xf32, #tpu.memory_space<hbm>> -> memref<8x128xf32, #tpu.memory_space<hbm>>
        %dma_wait3A_919 = arith.constant 0 : i32
        %dma_wait3A_920 = arith.constant 0 : i32
        %dma_wait3A_921 = tpu.memref_slice %arg7[%dma_wait3A_903, %dma_wait3A_919, %dma_wait3A_920] : memref<2x64x128xf32, #tpu.memory_space<vmem>> -> memref<1x8x128xf32, #tpu.memory_space<vmem>>
        %dma_wait3A_922 = tpu.memref_squeeze %dma_wait3A_921 : memref<1x8x128xf32, #tpu.memory_space<vmem>> -> memref<8x128xf32, #tpu.memory_space<vmem>>
        tpu.wait_dma2 semaphore(%arg10 : memref<!tpu.dma_semaphore, #tpu.memory_space<semaphore_mem>>) src(%dma_wait3A_922 : memref<8x128xf32, #tpu.memory_space<vmem>>) dst(%dma_wait3A_918 : memref<8x128xf32, #tpu.memory_space<hbm>>)
        %dma_wait3A_923 = arith.constant 0 : i32
        %dma_wait3A_924 = arith.constant 0 : i32
        %dma_wait3A_925 = arith.constant 0 : i32
        %dma_wait3A_926 = arith.constant 0 : i32
        %dma_wait3A_927 = arith.constant 0 : i32
        %dma_wait3A_928 = arith.constant 0 : i32
        %dma_wait3A_929 = tpu.memref_slice %arg7[%dma_wait3A_923, %dma_wait3A_927, %dma_wait3A_928] : memref<2x64x128xf32, #tpu.memory_space<vmem>> -> memref<1x8x128xf32, #tpu.memory_space<vmem>>
        %dma_wait3A_930 = tpu.memref_squeeze %dma_wait3A_929 : memref<1x8x128xf32, #tpu.memory_space<vmem>> -> memref<8x128xf32, #tpu.memory_space<vmem>>
        %dma_wait3A_931 = arith.constant 0 : i32
        %dma_wait3A_932 = arith.constant 0 : i32
        %dma_wait3A_933 = tpu.memref_slice %arg4[%dma_wait3A_924, %dma_wait3A_925, %dma_wait3A_926, %dma_wait3A_931, %dma_wait3A_932] : memref<200x8x32x8x128xf32, #tpu.memory_space<hbm>> -> memref<1x1x1x8x128xf32, #tpu.memory_space<hbm>>
        %dma_wait3A_934 = tpu.memref_squeeze %dma_wait3A_933 : memref<1x1x1x8x128xf32, #tpu.memory_space<hbm>> -> memref<8x128xf32, #tpu.memory_space<hbm>>
        %dma_wait3A_935 = arith.constant 0 : i32
        %dma_wait3A_936 = arith.constant 0 : i32
        %dma_wait3A_937 = tpu.memref_slice %arg4[%dma_wait3A_924, %dma_wait3A_925, %dma_wait3A_926, %dma_wait3A_935, %dma_wait3A_936] : memref<200x8x32x8x128xf32, #tpu.memory_space<hbm>> -> memref<1x1x1x8x128xf32, #tpu.memory_space<hbm>>
        %dma_wait3A_938 = tpu.memref_squeeze %dma_wait3A_937 : memref<1x1x1x8x128xf32, #tpu.memory_space<hbm>> -> memref<8x128xf32, #tpu.memory_space<hbm>>
        %dma_wait3A_939 = arith.constant 0 : i32
        %dma_wait3A_940 = arith.constant 0 : i32
        %dma_wait3A_941 = tpu.memref_slice %arg7[%dma_wait3A_923, %dma_wait3A_939, %dma_wait3A_940] : memref<2x64x128xf32, #tpu.memory_space<vmem>> -> memref<1x8x128xf32, #tpu.memory_space<vmem>>
        %dma_wait3A_942 = tpu.memref_squeeze %dma_wait3A_941 : memref<1x8x128xf32, #tpu.memory_space<vmem>> -> memref<8x128xf32, #tpu.memory_space<vmem>>
        tpu.wait_dma2 semaphore(%arg10 : memref<!tpu.dma_semaphore, #tpu.memory_space<semaphore_mem>>) src(%dma_wait3A_942 : memref<8x128xf32, #tpu.memory_space<vmem>>) dst(%dma_wait3A_938 : memref<8x128xf32, #tpu.memory_space<hbm>>)
      } else {
      }
      %add3A_576 = arith.constant 1 : i32
      %add3A_577 = arith.addi %scan3A_366, %add3A_576 : i32
      %lt3A_578 = arith.constant 100 : i32
      %lt3A_579 = arith.cmpi slt, %add3A_577, %lt3A_578 : i32
      %convert_element_type3A_580 = arith.extui %lt3A_579 : i1 to i32
      %cond3A_581 = arith.constant 0 : i32
      %cond3A_582 = arith.cmpi ne, %convert_element_type3A_580, %cond3A_581 : i32
      scf.if %cond3A_582 {
        %add3A_783 = arith.constant 2 : i32
        %add3A_784 = arith.addi %mul3A_368, %add3A_783 : i32
        %mul3A_785 = arith.constant 128 : i32
        %mul3A_786 = arith.muli %add3A_784, %mul3A_785 : i32
        %dma_start3A_787 = arith.constant 0 : i32
        %dma_start3A_788 = arith.constant 0 : i32
        %dma_start3A_789 = arith.constant 0 : i32
        %dma_start3A_790 = tpu.memref_slice %arg6[%dma_start3A_787, %dma_start3A_788, %dma_start3A_789] : memref<2x128x64xf32, #tpu.memory_space<vmem>> -> memref<1x128x64xf32, #tpu.memory_space<vmem>>
        %dma_start3A_791 = tpu.memref_squeeze %dma_start3A_790 : memref<1x128x64xf32, #tpu.memory_space<vmem>> -> memref<128x64xf32, #tpu.memory_space<vmem>>
        %dma_start3A_792 = tpu.memref_slice %arg5[%mul3A_786] : memref<25600xi32, #tpu.memory_space<vmem>> -> memref<128xi32, #tpu.memory_space<vmem>>
        %dma_start3A_793 = arith.constant 0 : i32
        %dma_start3A_794 = arith.constant 0 : i32
        %dma_start3A_795 = tpu.memref_slice %arg8[%dma_start3A_793, %dma_start3A_794] : memref<8192x64xf32, #tpu.memory_space<vmem_shared>> -> memref<8192x64xf32, #tpu.memory_space<vmem_shared>>
        tpu.enqueue_indirect_dma source(%dma_start3A_795 : memref<8192x64xf32, #tpu.memory_space<vmem_shared>>) target(%dma_start3A_791 : memref<128x64xf32, #tpu.memory_space<vmem>>) offsets(%dma_start3A_792 : memref<128xi32, #tpu.memory_space<vmem>>) semaphore(%arg9 : memref<!tpu.dma_semaphore, #tpu.memory_space<semaphore_mem>>)
      } else {
      }
      %dma_wait3A_583 = arith.constant 0 : i32
      %dma_wait3A_584 = arith.constant 0 : i32
      %dma_wait3A_585 = arith.constant 0 : i32
      %dma_wait3A_586 = tpu.memref_slice %arg6[%dma_wait3A_583, %dma_wait3A_584, %dma_wait3A_585] : memref<2x128x64xf32, #tpu.memory_space<vmem>> -> memref<1x128x64xf32, #tpu.memory_space<vmem>>
      %dma_wait3A_587 = tpu.memref_squeeze %dma_wait3A_586 : memref<1x128x64xf32, #tpu.memory_space<vmem>> -> memref<128x64xf32, #tpu.memory_space<vmem>>
      %dma_wait3A_588 = arith.constant 0 : i32
      %dma_wait3A_589 = tpu.memref_slice %arg5[%dma_wait3A_588] : memref<25600xi32, #tpu.memory_space<vmem>> -> memref<128xi32, #tpu.memory_space<vmem>>
      %dma_wait3A_590 = arith.constant 0 : i32
      %dma_wait3A_591 = arith.constant 0 : i32
      %dma_wait3A_592 = tpu.memref_slice %arg8[%dma_wait3A_590, %dma_wait3A_591] : memref<8192x64xf32, #tpu.memory_space<vmem_shared>> -> memref<8192x64xf32, #tpu.memory_space<vmem_shared>>
      tpu.wait_indirect_dma semaphore(%arg9 : memref<!tpu.dma_semaphore, #tpu.memory_space<semaphore_mem>>) src(%dma_wait3A_592 : memref<8192x64xf32, #tpu.memory_space<vmem_shared>>) dst(%dma_wait3A_587 : memref<128x64xf32, #tpu.memory_space<vmem>>)
      %parallel_loop3A_593 = arith.constant 0 : i32
      %parallel_loop3A_594 = arith.constant 64 : i32
      %parallel_loop3A_595 = arith.constant 1 : i32
      scf.for %parallel_loop3A_783 = %parallel_loop3A_593 to %parallel_loop3A_594 step %parallel_loop3A_595  : i32 {
        %parallel_loop3A_784 = vector.broadcast %parallel_loop3A_783 : i32 to vector<16xi32>
        %parallel_loop3A_785 = arith.addi %iota3A, %parallel_loop3A_784 : vector<16xi32>
        %parallel_loop3A_786 = arith.constant 15 : i32
        %parallel_loop3A_787 = vector.broadcast %parallel_loop3A_786 : i32 to vector<16xi32>
        %parallel_loop3A_788 = arith.andi %parallel_loop3A_785, %parallel_loop3A_787 : vector<16xi32>
        %parallel_loop3A_789 = arith.constant -16 : i32
        %parallel_loop3A_790 = arith.andi %parallel_loop3A_783, %parallel_loop3A_789 : i32
        %parallel_loop3A_791 = vector.broadcast %parallel_loop3A_790 : i32 to vector<16xi32>
        %parallel_loop3A_792 = arith.addi %parallel_loop3A_788, %parallel_loop3A_791 : vector<16xi32>
        %parallel_loop3A_793 = arith.constant 1 : i32
        %parallel_loop3A_794 = arith.constant 0 : i32
        %parallel_loop3A_795 = arith.constant 0 : i32
        %parallel_loop3A_796 = tpu.memref_slice %arg6[%parallel_loop3A_793, %parallel_loop3A_794, %parallel_loop3A_795] : memref<2x128x64xf32, #tpu.memory_space<vmem>> -> memref<1x128x64xf32, #tpu.memory_space<vmem>>
        %parallel_loop3A_797 = tpu.memref_squeeze %parallel_loop3A_796 : memref<1x128x64xf32, #tpu.memory_space<vmem>> -> memref<128x64xf32, #tpu.memory_space<vmem>>
        %parallel_loop3A_798 = tpu.vector_load_idx %parallel_loop3A_797[%add3A_11, %parallel_loop3A_792] : memref<128x64xf32, #tpu.memory_space<vmem>>[vector<16xi32>, vector<16xi32>], vector<16xf32>,
        %parallel_loop3A_799 = arith.constant 1 : i32
        %parallel_loop3A_800 = arith.constant 0 : i32
        %parallel_loop3A_801 = arith.constant 0 : i32
        %parallel_loop3A_802 = tpu.memref_slice %arg7[%parallel_loop3A_799, %parallel_loop3A_800, %parallel_loop3A_801] : memref<2x64x128xf32, #tpu.memory_space<vmem>> -> memref<1x64x128xf32, #tpu.memory_space<vmem>>
        %parallel_loop3A_803 = tpu.memref_squeeze %parallel_loop3A_802 : memref<1x64x128xf32, #tpu.memory_space<vmem>> -> memref<64x128xf32, #tpu.memory_space<vmem>>
        tpu.vector_store_idx %parallel_loop3A_803[%parallel_loop3A_792, %add3A_11], %parallel_loop3A_798 : memref<64x128xf32, #tpu.memory_space<vmem>>[vector<16xi32>, vector<16xi32>], vector<16xf32>,
        %parallel_loop3A_804 = arith.constant 1 : i32
        %parallel_loop3A_805 = arith.constant 0 : i32
        %parallel_loop3A_806 = arith.constant 0 : i32
        %parallel_loop3A_807 = tpu.memref_slice %arg6[%parallel_loop3A_804, %parallel_loop3A_805, %parallel_loop3A_806] : memref<2x128x64xf32, #tpu.memory_space<vmem>> -> memref<1x128x64xf32, #tpu.memory_space<vmem>>
        %parallel_loop3A_808 = tpu.memref_squeeze %parallel_loop3A_807 : memref<1x128x64xf32, #tpu.memory_space<vmem>> -> memref<128x64xf32, #tpu.memory_space<vmem>>
        %parallel_loop3A_809 = tpu.vector_load_idx %parallel_loop3A_808[%add3A_14, %parallel_loop3A_792] : memref<128x64xf32, #tpu.memory_space<vmem>>[vector<16xi32>, vector<16xi32>], vector<16xf32>,
        %parallel_loop3A_810 = arith.constant 1 : i32
        %parallel_loop3A_811 = arith.constant 0 : i32
        %parallel_loop3A_812 = arith.constant 0 : i32
        %parallel_loop3A_813 = tpu.memref_slice %arg7[%parallel_loop3A_810, %parallel_loop3A_811, %parallel_loop3A_812] : memref<2x64x128xf32, #tpu.memory_space<vmem>> -> memref<1x64x128xf32, #tpu.memory_space<vmem>>
        %parallel_loop3A_814 = tpu.memref_squeeze %parallel_loop3A_813 : memref<1x64x128xf32, #tpu.memory_space<vmem>> -> memref<64x128xf32, #tpu.memory_space<vmem>>
        tpu.vector_store_idx %parallel_loop3A_814[%parallel_loop3A_792, %add3A_14], %parallel_loop3A_809 : memref<64x128xf32, #tpu.memory_space<vmem>>[vector<16xi32>, vector<16xi32>], vector<16xf32>,
        %parallel_loop3A_815 = arith.constant 1 : i32
        %parallel_loop3A_816 = arith.constant 0 : i32
        %parallel_loop3A_817 = arith.constant 0 : i32
        %parallel_loop3A_818 = tpu.memref_slice %arg6[%parallel_loop3A_815, %parallel_loop3A_816, %parallel_loop3A_817] : memref<2x128x64xf32, #tpu.memory_space<vmem>> -> memref<1x128x64xf32, #tpu.memory_space<vmem>>
        %parallel_loop3A_819 = tpu.memref_squeeze %parallel_loop3A_818 : memref<1x128x64xf32, #tpu.memory_space<vmem>> -> memref<128x64xf32, #tpu.memory_space<vmem>>
        %parallel_loop3A_820 = tpu.vector_load_idx %parallel_loop3A_819[%add3A_17, %parallel_loop3A_792] : memref<128x64xf32, #tpu.memory_space<vmem>>[vector<16xi32>, vector<16xi32>], vector<16xf32>,
        %parallel_loop3A_821 = arith.constant 1 : i32
        %parallel_loop3A_822 = arith.constant 0 : i32
        %parallel_loop3A_823 = arith.constant 0 : i32
        %parallel_loop3A_824 = tpu.memref_slice %arg7[%parallel_loop3A_821, %parallel_loop3A_822, %parallel_loop3A_823] : memref<2x64x128xf32, #tpu.memory_space<vmem>> -> memref<1x64x128xf32, #tpu.memory_space<vmem>>
        %parallel_loop3A_825 = tpu.memref_squeeze %parallel_loop3A_824 : memref<1x64x128xf32, #tpu.memory_space<vmem>> -> memref<64x128xf32, #tpu.memory_space<vmem>>
        tpu.vector_store_idx %parallel_loop3A_825[%parallel_loop3A_792, %add3A_17], %parallel_loop3A_820 : memref<64x128xf32, #tpu.memory_space<vmem>>[vector<16xi32>, vector<16xi32>], vector<16xf32>,
        %parallel_loop3A_826 = arith.constant 1 : i32
        %parallel_loop3A_827 = arith.constant 0 : i32
        %parallel_loop3A_828 = arith.constant 0 : i32
        %parallel_loop3A_829 = tpu.memref_slice %arg6[%parallel_loop3A_826, %parallel_loop3A_827, %parallel_loop3A_828] : memref<2x128x64xf32, #tpu.memory_space<vmem>> -> memref<1x128x64xf32, #tpu.memory_space<vmem>>
        %parallel_loop3A_830 = tpu.memref_squeeze %parallel_loop3A_829 : memref<1x128x64xf32, #tpu.memory_space<vmem>> -> memref<128x64xf32, #tpu.memory_space<vmem>>
        %parallel_loop3A_831 = tpu.vector_load_idx %parallel_loop3A_830[%add3A_20, %parallel_loop3A_792] : memref<128x64xf32, #tpu.memory_space<vmem>>[vector<16xi32>, vector<16xi32>], vector<16xf32>,
        %parallel_loop3A_832 = arith.constant 1 : i32
        %parallel_loop3A_833 = arith.constant 0 : i32
        %parallel_loop3A_834 = arith.constant 0 : i32
        %parallel_loop3A_835 = tpu.memref_slice %arg7[%parallel_loop3A_832, %parallel_loop3A_833, %parallel_loop3A_834] : memref<2x64x128xf32, #tpu.memory_space<vmem>> -> memref<1x64x128xf32, #tpu.memory_space<vmem>>
        %parallel_loop3A_836 = tpu.memref_squeeze %parallel_loop3A_835 : memref<1x64x128xf32, #tpu.memory_space<vmem>> -> memref<64x128xf32, #tpu.memory_space<vmem>>
        tpu.vector_store_idx %parallel_loop3A_836[%parallel_loop3A_792, %add3A_20], %parallel_loop3A_831 : memref<64x128xf32, #tpu.memory_space<vmem>>[vector<16xi32>, vector<16xi32>], vector<16xf32>,
        %parallel_loop3A_837 = arith.constant 1 : i32
        %parallel_loop3A_838 = arith.constant 0 : i32
        %parallel_loop3A_839 = arith.constant 0 : i32
        %parallel_loop3A_840 = tpu.memref_slice %arg6[%parallel_loop3A_837, %parallel_loop3A_838, %parallel_loop3A_839] : memref<2x128x64xf32, #tpu.memory_space<vmem>> -> memref<1x128x64xf32, #tpu.memory_space<vmem>>
        %parallel_loop3A_841 = tpu.memref_squeeze %parallel_loop3A_840 : memref<1x128x64xf32, #tpu.memory_space<vmem>> -> memref<128x64xf32, #tpu.memory_space<vmem>>
        %parallel_loop3A_842 = tpu.vector_load_idx %parallel_loop3A_841[%add3A_23, %parallel_loop3A_792] : memref<128x64xf32, #tpu.memory_space<vmem>>[vector<16xi32>, vector<16xi32>], vector<16xf32>,
        %parallel_loop3A_843 = arith.constant 1 : i32
        %parallel_loop3A_844 = arith.constant 0 : i32
        %parallel_loop3A_845 = arith.constant 0 : i32
        %parallel_loop3A_846 = tpu.memref_slice %arg7[%parallel_loop3A_843, %parallel_loop3A_844, %parallel_loop3A_845] : memref<2x64x128xf32, #tpu.memory_space<vmem>> -> memref<1x64x128xf32, #tpu.memory_space<vmem>>
        %parallel_loop3A_847 = tpu.memref_squeeze %parallel_loop3A_846 : memref<1x64x128xf32, #tpu.memory_space<vmem>> -> memref<64x128xf32, #tpu.memory_space<vmem>>
        tpu.vector_store_idx %parallel_loop3A_847[%parallel_loop3A_792, %add3A_23], %parallel_loop3A_842 : memref<64x128xf32, #tpu.memory_space<vmem>>[vector<16xi32>, vector<16xi32>], vector<16xf32>,
        %parallel_loop3A_848 = arith.constant 1 : i32
        %parallel_loop3A_849 = arith.constant 0 : i32
        %parallel_loop3A_850 = arith.constant 0 : i32
        %parallel_loop3A_851 = tpu.memref_slice %arg6[%parallel_loop3A_848, %parallel_loop3A_849, %parallel_loop3A_850] : memref<2x128x64xf32, #tpu.memory_space<vmem>> -> memref<1x128x64xf32, #tpu.memory_space<vmem>>
        %parallel_loop3A_852 = tpu.memref_squeeze %parallel_loop3A_851 : memref<1x128x64xf32, #tpu.memory_space<vmem>> -> memref<128x64xf32, #tpu.memory_space<vmem>>
        %parallel_loop3A_853 = tpu.vector_load_idx %parallel_loop3A_852[%add3A_26, %parallel_loop3A_792] : memref<128x64xf32, #tpu.memory_space<vmem>>[vector<16xi32>, vector<16xi32>], vector<16xf32>,
        %parallel_loop3A_854 = arith.constant 1 : i32
        %parallel_loop3A_855 = arith.constant 0 : i32
        %parallel_loop3A_856 = arith.constant 0 : i32
        %parallel_loop3A_857 = tpu.memref_slice %arg7[%parallel_loop3A_854, %parallel_loop3A_855, %parallel_loop3A_856] : memref<2x64x128xf32, #tpu.memory_space<vmem>> -> memref<1x64x128xf32, #tpu.memory_space<vmem>>
        %parallel_loop3A_858 = tpu.memref_squeeze %parallel_loop3A_857 : memref<1x64x128xf32, #tpu.memory_space<vmem>> -> memref<64x128xf32, #tpu.memory_space<vmem>>
        tpu.vector_store_idx %parallel_loop3A_858[%parallel_loop3A_792, %add3A_26], %parallel_loop3A_853 : memref<64x128xf32, #tpu.memory_space<vmem>>[vector<16xi32>, vector<16xi32>], vector<16xf32>,
        %parallel_loop3A_859 = arith.constant 1 : i32
        %parallel_loop3A_860 = arith.constant 0 : i32
        %parallel_loop3A_861 = arith.constant 0 : i32
        %parallel_loop3A_862 = tpu.memref_slice %arg6[%parallel_loop3A_859, %parallel_loop3A_860, %parallel_loop3A_861] : memref<2x128x64xf32, #tpu.memory_space<vmem>> -> memref<1x128x64xf32, #tpu.memory_space<vmem>>
        %parallel_loop3A_863 = tpu.memref_squeeze %parallel_loop3A_862 : memref<1x128x64xf32, #tpu.memory_space<vmem>> -> memref<128x64xf32, #tpu.memory_space<vmem>>
        %parallel_loop3A_864 = tpu.vector_load_idx %parallel_loop3A_863[%add3A_29, %parallel_loop3A_792] : memref<128x64xf32, #tpu.memory_space<vmem>>[vector<16xi32>, vector<16xi32>], vector<16xf32>,
        %parallel_loop3A_865 = arith.constant 1 : i32
        %parallel_loop3A_866 = arith.constant 0 : i32
        %parallel_loop3A_867 = arith.constant 0 : i32
        %parallel_loop3A_868 = tpu.memref_slice %arg7[%parallel_loop3A_865, %parallel_loop3A_866, %parallel_loop3A_867] : memref<2x64x128xf32, #tpu.memory_space<vmem>> -> memref<1x64x128xf32, #tpu.memory_space<vmem>>
        %parallel_loop3A_869 = tpu.memref_squeeze %parallel_loop3A_868 : memref<1x64x128xf32, #tpu.memory_space<vmem>> -> memref<64x128xf32, #tpu.memory_space<vmem>>
        tpu.vector_store_idx %parallel_loop3A_869[%parallel_loop3A_792, %add3A_29], %parallel_loop3A_864 : memref<64x128xf32, #tpu.memory_space<vmem>>[vector<16xi32>, vector<16xi32>], vector<16xf32>,
        %parallel_loop3A_870 = arith.constant 1 : i32
        %parallel_loop3A_871 = arith.constant 0 : i32
        %parallel_loop3A_872 = arith.constant 0 : i32
        %parallel_loop3A_873 = tpu.memref_slice %arg6[%parallel_loop3A_870, %parallel_loop3A_871, %parallel_loop3A_872] : memref<2x128x64xf32, #tpu.memory_space<vmem>> -> memref<1x128x64xf32, #tpu.memory_space<vmem>>
        %parallel_loop3A_874 = tpu.memref_squeeze %parallel_loop3A_873 : memref<1x128x64xf32, #tpu.memory_space<vmem>> -> memref<128x64xf32, #tpu.memory_space<vmem>>
        %parallel_loop3A_875 = tpu.vector_load_idx %parallel_loop3A_874[%add3A_32, %parallel_loop3A_792] : memref<128x64xf32, #tpu.memory_space<vmem>>[vector<16xi32>, vector<16xi32>], vector<16xf32>,
        %parallel_loop3A_876 = arith.constant 1 : i32
        %parallel_loop3A_877 = arith.constant 0 : i32
        %parallel_loop3A_878 = arith.constant 0 : i32
        %parallel_loop3A_879 = tpu.memref_slice %arg7[%parallel_loop3A_876, %parallel_loop3A_877, %parallel_loop3A_878] : memref<2x64x128xf32, #tpu.memory_space<vmem>> -> memref<1x64x128xf32, #tpu.memory_space<vmem>>
        %parallel_loop3A_880 = tpu.memref_squeeze %parallel_loop3A_879 : memref<1x64x128xf32, #tpu.memory_space<vmem>> -> memref<64x128xf32, #tpu.memory_space<vmem>>
        tpu.vector_store_idx %parallel_loop3A_880[%parallel_loop3A_792, %add3A_32], %parallel_loop3A_875 : memref<64x128xf32, #tpu.memory_space<vmem>>[vector<16xi32>, vector<16xi32>], vector<16xf32>,
      } {sc.loop_unroll_factor = 4 : i64, sc.parallel_access}
      %add3A_596 = arith.constant 1 : i32
      %add3A_597 = arith.addi %mul3A_368, %add3A_596 : i32
      %add3A_598 = arith.addi %mul3A_8, %add3A_597 : i32
      %jit3A_599 = arith.constant 32 : i32
      %div3A_600 = arith.divsi %add3A_598, %jit3A_599 : i32
      %sign3A_601 = arith.constant 0 : i32
      %sign3A_602 = arith.cmpi sgt, %add3A_598, %sign3A_601 : i32
      %sign3A_603 = arith.extui %sign3A_602 : i1 to i32
      %sign3A_604 = arith.constant 0 : i32
      %sign3A_605 = arith.cmpi slt, %add3A_598, %sign3A_604 : i32
      %sign3A_606 = arith.extui %sign3A_605 : i1 to i32
      %sign3A_607 = arith.subi %sign3A_603, %sign3A_606 : i32
      %sign3A_608 = arith.constant 0 : i32
      %sign3A_609 = arith.cmpi sgt, %jit3A_599, %sign3A_608 : i32
      %sign3A_610 = arith.extui %sign3A_609 : i1 to i32
      %sign3A_611 = arith.constant 0 : i32
      %sign3A_612 = arith.cmpi slt, %jit3A_599, %sign3A_611 : i32
      %sign3A_613 = arith.extui %sign3A_612 : i1 to i32
      %sign3A_614 = arith.subi %sign3A_610, %sign3A_613 : i32
      %ne3A_615 = arith.cmpi ne, %sign3A_607, %sign3A_614 : i32
      %rem3A_616 = arith.remsi %add3A_598, %jit3A_599 : i32
      %ne3A_617 = arith.constant 0 : i32
      %ne3A_618 = arith.cmpi ne, %rem3A_616, %ne3A_617 : i32
      %and3A_619 = arith.andi %ne3A_615, %ne3A_618 : i1
      %sub3A_620 = arith.constant 1 : i32
      %sub3A_621 = arith.subi %div3A_600, %sub3A_620 : i32
      %select_n3A_622 = arith.select %and3A_619, %sub3A_621, %div3A_600 : i32
      %jit3A_623 = arith.constant 32 : i32
      %eq3A_624 = arith.constant 0 : i32
      %eq3A_625 = arith.cmpi eq, %jit3A_623, %eq3A_624 : i32
      %jit3A_626 = arith.constant 1 : i32
      %select_n3A_627 = arith.select %eq3A_625, %jit3A_626, %jit3A_623 : i32
      %rem3A_628 = arith.remsi %add3A_598, %select_n3A_627 : i32
      %ne3A_629 = arith.constant 0 : i32
      %ne3A_630 = arith.cmpi ne, %rem3A_628, %ne3A_629 : i32
      %lt3A_631 = arith.constant 0 : i32
      %lt3A_632 = arith.cmpi slt, %rem3A_628, %lt3A_631 : i32
      %lt3A_633 = arith.constant 0 : i32
      %lt3A_634 = arith.cmpi slt, %select_n3A_627, %lt3A_633 : i32
      %ne3A_635 = arith.xori %lt3A_632, %lt3A_634 : i1
      %and3A_636 = arith.andi %ne3A_635, %ne3A_630 : i1
      %add3A_637 = arith.addi %rem3A_628, %select_n3A_627 : i32
      %select_n3A_638 = arith.select %and3A_636, %add3A_637, %rem3A_628 : i32
      %dma_start3A_639 = arith.constant 1 : i32
      %dma_start3A_640 = arith.constant 0 : i32
      %dma_start3A_641 = arith.constant 0 : i32
      %dma_start3A_642 = arith.constant 0 : i32
      %dma_start3A_643 = tpu.memref_slice %arg7[%dma_start3A_639, %dma_start3A_641, %dma_start3A_642] : memref<2x64x128xf32, #tpu.memory_space<vmem>> -> memref<1x8x128xf32, #tpu.memory_space<vmem>>
      %dma_start3A_644 = tpu.memref_squeeze %dma_start3A_643 : memref<1x8x128xf32, #tpu.memory_space<vmem>> -> memref<8x128xf32, #tpu.memory_space<vmem>>
      %dma_start3A_645 = arith.constant 0 : i32
      %dma_start3A_646 = arith.constant 0 : i32
      %dma_start3A_647 = tpu.memref_slice %arg4[%select_n3A_622, %dma_start3A_640, %select_n3A_638, %dma_start3A_645, %dma_start3A_646] : memref<200x8x32x8x128xf32, #tpu.memory_space<hbm>> -> memref<1x1x1x8x128xf32, #tpu.memory_space<hbm>>
      %dma_start3A_648 = tpu.memref_squeeze %dma_start3A_647 : memref<1x1x1x8x128xf32, #tpu.memory_space<hbm>> -> memref<8x128xf32, #tpu.memory_space<hbm>>
      %dma_start3A_649 = arith.constant 0 : i32
      %dma_start3A_650 = arith.constant 0 : i32
      %dma_start3A_651 = tpu.memref_slice %arg4[%select_n3A_622, %dma_start3A_640, %select_n3A_638, %dma_start3A_649, %dma_start3A_650] : memref<200x8x32x8x128xf32, #tpu.memory_space<hbm>> -> memref<1x1x1x8x128xf32, #tpu.memory_space<hbm>>
      %dma_start3A_652 = tpu.memref_squeeze %dma_start3A_651 : memref<1x1x1x8x128xf32, #tpu.memory_space<hbm>> -> memref<8x128xf32, #tpu.memory_space<hbm>>
      %dma_start3A_653 = arith.constant 0 : i32
      %dma_start3A_654 = arith.constant 0 : i32
      %dma_start3A_655 = tpu.memref_slice %arg7[%dma_start3A_639, %dma_start3A_653, %dma_start3A_654] : memref<2x64x128xf32, #tpu.memory_space<vmem>> -> memref<1x8x128xf32, #tpu.memory_space<vmem>>
      %dma_start3A_656 = tpu.memref_squeeze %dma_start3A_655 : memref<1x8x128xf32, #tpu.memory_space<vmem>> -> memref<8x128xf32, #tpu.memory_space<vmem>>
      tpu.enqueue_dma source(%dma_start3A_656 : memref<8x128xf32, #tpu.memory_space<vmem>>) target(%dma_start3A_652 : memref<8x128xf32, #tpu.memory_space<hbm>>) target_semaphore(%arg10 : memref<!tpu.dma_semaphore, #tpu.memory_space<semaphore_mem>>)
      %dma_start3A_657 = arith.constant 1 : i32
      %dma_start3A_658 = arith.constant 1 : i32
      %dma_start3A_659 = arith.constant 8 : i32
      %dma_start3A_660 = arith.constant 0 : i32
      %dma_start3A_661 = tpu.memref_slice %arg7[%dma_start3A_657, %dma_start3A_659, %dma_start3A_660] : memref<2x64x128xf32, #tpu.memory_space<vmem>> -> memref<1x8x128xf32, #tpu.memory_space<vmem>>
      %dma_start3A_662 = tpu.memref_squeeze %dma_start3A_661 : memref<1x8x128xf32, #tpu.memory_space<vmem>> -> memref<8x128xf32, #tpu.memory_space<vmem>>
      %dma_start3A_663 = arith.constant 0 : i32
      %dma_start3A_664 = arith.constant 0 : i32
      %dma_start3A_665 = tpu.memref_slice %arg4[%select_n3A_622, %dma_start3A_658, %select_n3A_638, %dma_start3A_663, %dma_start3A_664] : memref<200x8x32x8x128xf32, #tpu.memory_space<hbm>> -> memref<1x1x1x8x128xf32, #tpu.memory_space<hbm>>
      %dma_start3A_666 = tpu.memref_squeeze %dma_start3A_665 : memref<1x1x1x8x128xf32, #tpu.memory_space<hbm>> -> memref<8x128xf32, #tpu.memory_space<hbm>>
      %dma_start3A_667 = arith.constant 0 : i32
      %dma_start3A_668 = arith.constant 0 : i32
      %dma_start3A_669 = tpu.memref_slice %arg4[%select_n3A_622, %dma_start3A_658, %select_n3A_638, %dma_start3A_667, %dma_start3A_668] : memref<200x8x32x8x128xf32, #tpu.memory_space<hbm>> -> memref<1x1x1x8x128xf32, #tpu.memory_space<hbm>>
      %dma_start3A_670 = tpu.memref_squeeze %dma_start3A_669 : memref<1x1x1x8x128xf32, #tpu.memory_space<hbm>> -> memref<8x128xf32, #tpu.memory_space<hbm>>
      %dma_start3A_671 = arith.constant 8 : i32
      %dma_start3A_672 = arith.constant 0 : i32
      %dma_start3A_673 = tpu.memref_slice %arg7[%dma_start3A_657, %dma_start3A_671, %dma_start3A_672] : memref<2x64x128xf32, #tpu.memory_space<vmem>> -> memref<1x8x128xf32, #tpu.memory_space<vmem>>
      %dma_start3A_674 = tpu.memref_squeeze %dma_start3A_673 : memref<1x8x128xf32, #tpu.memory_space<vmem>> -> memref<8x128xf32, #tpu.memory_space<vmem>>
      tpu.enqueue_dma source(%dma_start3A_674 : memref<8x128xf32, #tpu.memory_space<vmem>>) target(%dma_start3A_670 : memref<8x128xf32, #tpu.memory_space<hbm>>) target_semaphore(%arg10 : memref<!tpu.dma_semaphore, #tpu.memory_space<semaphore_mem>>)
      %dma_start3A_675 = arith.constant 1 : i32
      %dma_start3A_676 = arith.constant 2 : i32
      %dma_start3A_677 = arith.constant 16 : i32
      %dma_start3A_678 = arith.constant 0 : i32
      %dma_start3A_679 = tpu.memref_slice %arg7[%dma_start3A_675, %dma_start3A_677, %dma_start3A_678] : memref<2x64x128xf32, #tpu.memory_space<vmem>> -> memref<1x8x128xf32, #tpu.memory_space<vmem>>
      %dma_start3A_680 = tpu.memref_squeeze %dma_start3A_679 : memref<1x8x128xf32, #tpu.memory_space<vmem>> -> memref<8x128xf32, #tpu.memory_space<vmem>>
      %dma_start3A_681 = arith.constant 0 : i32
      %dma_start3A_682 = arith.constant 0 : i32
      %dma_start3A_683 = tpu.memref_slice %arg4[%select_n3A_622, %dma_start3A_676, %select_n3A_638, %dma_start3A_681, %dma_start3A_682] : memref<200x8x32x8x128xf32, #tpu.memory_space<hbm>> -> memref<1x1x1x8x128xf32, #tpu.memory_space<hbm>>
      %dma_start3A_684 = tpu.memref_squeeze %dma_start3A_683 : memref<1x1x1x8x128xf32, #tpu.memory_space<hbm>> -> memref<8x128xf32, #tpu.memory_space<hbm>>
      %dma_start3A_685 = arith.constant 0 : i32
      %dma_start3A_686 = arith.constant 0 : i32
      %dma_start3A_687 = tpu.memref_slice %arg4[%select_n3A_622, %dma_start3A_676, %select_n3A_638, %dma_start3A_685, %dma_start3A_686] : memref<200x8x32x8x128xf32, #tpu.memory_space<hbm>> -> memref<1x1x1x8x128xf32, #tpu.memory_space<hbm>>
      %dma_start3A_688 = tpu.memref_squeeze %dma_start3A_687 : memref<1x1x1x8x128xf32, #tpu.memory_space<hbm>> -> memref<8x128xf32, #tpu.memory_space<hbm>>
      %dma_start3A_689 = arith.constant 16 : i32
      %dma_start3A_690 = arith.constant 0 : i32
      %dma_start3A_691 = tpu.memref_slice %arg7[%dma_start3A_675, %dma_start3A_689, %dma_start3A_690] : memref<2x64x128xf32, #tpu.memory_space<vmem>> -> memref<1x8x128xf32, #tpu.memory_space<vmem>>
      %dma_start3A_692 = tpu.memref_squeeze %dma_start3A_691 : memref<1x8x128xf32, #tpu.memory_space<vmem>> -> memref<8x128xf32, #tpu.memory_space<vmem>>
      tpu.enqueue_dma source(%dma_start3A_692 : memref<8x128xf32, #tpu.memory_space<vmem>>) target(%dma_start3A_688 : memref<8x128xf32, #tpu.memory_space<hbm>>) target_semaphore(%arg10 : memref<!tpu.dma_semaphore, #tpu.memory_space<semaphore_mem>>)
      %dma_start3A_693 = arith.constant 1 : i32
      %dma_start3A_694 = arith.constant 3 : i32
      %dma_start3A_695 = arith.constant 24 : i32
      %dma_start3A_696 = arith.constant 0 : i32
      %dma_start3A_697 = tpu.memref_slice %arg7[%dma_start3A_693, %dma_start3A_695, %dma_start3A_696] : memref<2x64x128xf32, #tpu.memory_space<vmem>> -> memref<1x8x128xf32, #tpu.memory_space<vmem>>
      %dma_start3A_698 = tpu.memref_squeeze %dma_start3A_697 : memref<1x8x128xf32, #tpu.memory_space<vmem>> -> memref<8x128xf32, #tpu.memory_space<vmem>>
      %dma_start3A_699 = arith.constant 0 : i32
      %dma_start3A_700 = arith.constant 0 : i32
      %dma_start3A_701 = tpu.memref_slice %arg4[%select_n3A_622, %dma_start3A_694, %select_n3A_638, %dma_start3A_699, %dma_start3A_700] : memref<200x8x32x8x128xf32, #tpu.memory_space<hbm>> -> memref<1x1x1x8x128xf32, #tpu.memory_space<hbm>>
      %dma_start3A_702 = tpu.memref_squeeze %dma_start3A_701 : memref<1x1x1x8x128xf32, #tpu.memory_space<hbm>> -> memref<8x128xf32, #tpu.memory_space<hbm>>
      %dma_start3A_703 = arith.constant 0 : i32
      %dma_start3A_704 = arith.constant 0 : i32
      %dma_start3A_705 = tpu.memref_slice %arg4[%select_n3A_622, %dma_start3A_694, %select_n3A_638, %dma_start3A_703, %dma_start3A_704] : memref<200x8x32x8x128xf32, #tpu.memory_space<hbm>> -> memref<1x1x1x8x128xf32, #tpu.memory_space<hbm>>
      %dma_start3A_706 = tpu.memref_squeeze %dma_start3A_705 : memref<1x1x1x8x128xf32, #tpu.memory_space<hbm>> -> memref<8x128xf32, #tpu.memory_space<hbm>>
      %dma_start3A_707 = arith.constant 24 : i32
      %dma_start3A_708 = arith.constant 0 : i32
      %dma_start3A_709 = tpu.memref_slice %arg7[%dma_start3A_693, %dma_start3A_707, %dma_start3A_708] : memref<2x64x128xf32, #tpu.memory_space<vmem>> -> memref<1x8x128xf32, #tpu.memory_space<vmem>>
      %dma_start3A_710 = tpu.memref_squeeze %dma_start3A_709 : memref<1x8x128xf32, #tpu.memory_space<vmem>> -> memref<8x128xf32, #tpu.memory_space<vmem>>
      tpu.enqueue_dma source(%dma_start3A_710 : memref<8x128xf32, #tpu.memory_space<vmem>>) target(%dma_start3A_706 : memref<8x128xf32, #tpu.memory_space<hbm>>) target_semaphore(%arg10 : memref<!tpu.dma_semaphore, #tpu.memory_space<semaphore_mem>>)
      %dma_start3A_711 = arith.constant 1 : i32
      %dma_start3A_712 = arith.constant 4 : i32
      %dma_start3A_713 = arith.constant 32 : i32
      %dma_start3A_714 = arith.constant 0 : i32
      %dma_start3A_715 = tpu.memref_slice %arg7[%dma_start3A_711, %dma_start3A_713, %dma_start3A_714] : memref<2x64x128xf32, #tpu.memory_space<vmem>> -> memref<1x8x128xf32, #tpu.memory_space<vmem>>
      %dma_start3A_716 = tpu.memref_squeeze %dma_start3A_715 : memref<1x8x128xf32, #tpu.memory_space<vmem>> -> memref<8x128xf32, #tpu.memory_space<vmem>>
      %dma_start3A_717 = arith.constant 0 : i32
      %dma_start3A_718 = arith.constant 0 : i32
      %dma_start3A_719 = tpu.memref_slice %arg4[%select_n3A_622, %dma_start3A_712, %select_n3A_638, %dma_start3A_717, %dma_start3A_718] : memref<200x8x32x8x128xf32, #tpu.memory_space<hbm>> -> memref<1x1x1x8x128xf32, #tpu.memory_space<hbm>>
      %dma_start3A_720 = tpu.memref_squeeze %dma_start3A_719 : memref<1x1x1x8x128xf32, #tpu.memory_space<hbm>> -> memref<8x128xf32, #tpu.memory_space<hbm>>
      %dma_start3A_721 = arith.constant 0 : i32
      %dma_start3A_722 = arith.constant 0 : i32
      %dma_start3A_723 = tpu.memref_slice %arg4[%select_n3A_622, %dma_start3A_712, %select_n3A_638, %dma_start3A_721, %dma_start3A_722] : memref<200x8x32x8x128xf32, #tpu.memory_space<hbm>> -> memref<1x1x1x8x128xf32, #tpu.memory_space<hbm>>
      %dma_start3A_724 = tpu.memref_squeeze %dma_start3A_723 : memref<1x1x1x8x128xf32, #tpu.memory_space<hbm>> -> memref<8x128xf32, #tpu.memory_space<hbm>>
      %dma_start3A_725 = arith.constant 32 : i32
      %dma_start3A_726 = arith.constant 0 : i32
      %dma_start3A_727 = tpu.memref_slice %arg7[%dma_start3A_711, %dma_start3A_725, %dma_start3A_726] : memref<2x64x128xf32, #tpu.memory_space<vmem>> -> memref<1x8x128xf32, #tpu.memory_space<vmem>>
      %dma_start3A_728 = tpu.memref_squeeze %dma_start3A_727 : memref<1x8x128xf32, #tpu.memory_space<vmem>> -> memref<8x128xf32, #tpu.memory_space<vmem>>
      tpu.enqueue_dma source(%dma_start3A_728 : memref<8x128xf32, #tpu.memory_space<vmem>>) target(%dma_start3A_724 : memref<8x128xf32, #tpu.memory_space<hbm>>) target_semaphore(%arg10 : memref<!tpu.dma_semaphore, #tpu.memory_space<semaphore_mem>>)
      %dma_start3A_729 = arith.constant 1 : i32
      %dma_start3A_730 = arith.constant 5 : i32
      %dma_start3A_731 = arith.constant 40 : i32
      %dma_start3A_732 = arith.constant 0 : i32
      %dma_start3A_733 = tpu.memref_slice %arg7[%dma_start3A_729, %dma_start3A_731, %dma_start3A_732] : memref<2x64x128xf32, #tpu.memory_space<vmem>> -> memref<1x8x128xf32, #tpu.memory_space<vmem>>
      %dma_start3A_734 = tpu.memref_squeeze %dma_start3A_733 : memref<1x8x128xf32, #tpu.memory_space<vmem>> -> memref<8x128xf32, #tpu.memory_space<vmem>>
      %dma_start3A_735 = arith.constant 0 : i32
      %dma_start3A_736 = arith.constant 0 : i32
      %dma_start3A_737 = tpu.memref_slice %arg4[%select_n3A_622, %dma_start3A_730, %select_n3A_638, %dma_start3A_735, %dma_start3A_736] : memref<200x8x32x8x128xf32, #tpu.memory_space<hbm>> -> memref<1x1x1x8x128xf32, #tpu.memory_space<hbm>>
      %dma_start3A_738 = tpu.memref_squeeze %dma_start3A_737 : memref<1x1x1x8x128xf32, #tpu.memory_space<hbm>> -> memref<8x128xf32, #tpu.memory_space<hbm>>
      %dma_start3A_739 = arith.constant 0 : i32
      %dma_start3A_740 = arith.constant 0 : i32
      %dma_start3A_741 = tpu.memref_slice %arg4[%select_n3A_622, %dma_start3A_730, %select_n3A_638, %dma_start3A_739, %dma_start3A_740] : memref<200x8x32x8x128xf32, #tpu.memory_space<hbm>> -> memref<1x1x1x8x128xf32, #tpu.memory_space<hbm>>
      %dma_start3A_742 = tpu.memref_squeeze %dma_start3A_741 : memref<1x1x1x8x128xf32, #tpu.memory_space<hbm>> -> memref<8x128xf32, #tpu.memory_space<hbm>>
      %dma_start3A_743 = arith.constant 40 : i32
      %dma_start3A_744 = arith.constant 0 : i32
      %dma_start3A_745 = tpu.memref_slice %arg7[%dma_start3A_729, %dma_start3A_743, %dma_start3A_744] : memref<2x64x128xf32, #tpu.memory_space<vmem>> -> memref<1x8x128xf32, #tpu.memory_space<vmem>>
      %dma_start3A_746 = tpu.memref_squeeze %dma_start3A_745 : memref<1x8x128xf32, #tpu.memory_space<vmem>> -> memref<8x128xf32, #tpu.memory_space<vmem>>
      tpu.enqueue_dma source(%dma_start3A_746 : memref<8x128xf32, #tpu.memory_space<vmem>>) target(%dma_start3A_742 : memref<8x128xf32, #tpu.memory_space<hbm>>) target_semaphore(%arg10 : memref<!tpu.dma_semaphore, #tpu.memory_space<semaphore_mem>>)
      %dma_start3A_747 = arith.constant 1 : i32
      %dma_start3A_748 = arith.constant 6 : i32
      %dma_start3A_749 = arith.constant 48 : i32
      %dma_start3A_750 = arith.constant 0 : i32
      %dma_start3A_751 = tpu.memref_slice %arg7[%dma_start3A_747, %dma_start3A_749, %dma_start3A_750] : memref<2x64x128xf32, #tpu.memory_space<vmem>> -> memref<1x8x128xf32, #tpu.memory_space<vmem>>
      %dma_start3A_752 = tpu.memref_squeeze %dma_start3A_751 : memref<1x8x128xf32, #tpu.memory_space<vmem>> -> memref<8x128xf32, #tpu.memory_space<vmem>>
      %dma_start3A_753 = arith.constant 0 : i32
      %dma_start3A_754 = arith.constant 0 : i32
      %dma_start3A_755 = tpu.memref_slice %arg4[%select_n3A_622, %dma_start3A_748, %select_n3A_638, %dma_start3A_753, %dma_start3A_754] : memref<200x8x32x8x128xf32, #tpu.memory_space<hbm>> -> memref<1x1x1x8x128xf32, #tpu.memory_space<hbm>>
      %dma_start3A_756 = tpu.memref_squeeze %dma_start3A_755 : memref<1x1x1x8x128xf32, #tpu.memory_space<hbm>> -> memref<8x128xf32, #tpu.memory_space<hbm>>
      %dma_start3A_757 = arith.constant 0 : i32
      %dma_start3A_758 = arith.constant 0 : i32
      %dma_start3A_759 = tpu.memref_slice %arg4[%select_n3A_622, %dma_start3A_748, %select_n3A_638, %dma_start3A_757, %dma_start3A_758] : memref<200x8x32x8x128xf32, #tpu.memory_space<hbm>> -> memref<1x1x1x8x128xf32, #tpu.memory_space<hbm>>
      %dma_start3A_760 = tpu.memref_squeeze %dma_start3A_759 : memref<1x1x1x8x128xf32, #tpu.memory_space<hbm>> -> memref<8x128xf32, #tpu.memory_space<hbm>>
      %dma_start3A_761 = arith.constant 48 : i32
      %dma_start3A_762 = arith.constant 0 : i32
      %dma_start3A_763 = tpu.memref_slice %arg7[%dma_start3A_747, %dma_start3A_761, %dma_start3A_762] : memref<2x64x128xf32, #tpu.memory_space<vmem>> -> memref<1x8x128xf32, #tpu.memory_space<vmem>>
      %dma_start3A_764 = tpu.memref_squeeze %dma_start3A_763 : memref<1x8x128xf32, #tpu.memory_space<vmem>> -> memref<8x128xf32, #tpu.memory_space<vmem>>
      tpu.enqueue_dma source(%dma_start3A_764 : memref<8x128xf32, #tpu.memory_space<vmem>>) target(%dma_start3A_760 : memref<8x128xf32, #tpu.memory_space<hbm>>) target_semaphore(%arg10 : memref<!tpu.dma_semaphore, #tpu.memory_space<semaphore_mem>>)
      %dma_start3A_765 = arith.constant 1 : i32
      %dma_start3A_766 = arith.constant 7 : i32
      %dma_start3A_767 = arith.constant 56 : i32
      %dma_start3A_768 = arith.constant 0 : i32
      %dma_start3A_769 = tpu.memref_slice %arg7[%dma_start3A_765, %dma_start3A_767, %dma_start3A_768] : memref<2x64x128xf32, #tpu.memory_space<vmem>> -> memref<1x8x128xf32, #tpu.memory_space<vmem>>
      %dma_start3A_770 = tpu.memref_squeeze %dma_start3A_769 : memref<1x8x128xf32, #tpu.memory_space<vmem>> -> memref<8x128xf32, #tpu.memory_space<vmem>>
      %dma_start3A_771 = arith.constant 0 : i32
      %dma_start3A_772 = arith.constant 0 : i32
      %dma_start3A_773 = tpu.memref_slice %arg4[%select_n3A_622, %dma_start3A_766, %select_n3A_638, %dma_start3A_771, %dma_start3A_772] : memref<200x8x32x8x128xf32, #tpu.memory_space<hbm>> -> memref<1x1x1x8x128xf32, #tpu.memory_space<hbm>>
      %dma_start3A_774 = tpu.memref_squeeze %dma_start3A_773 : memref<1x1x1x8x128xf32, #tpu.memory_space<hbm>> -> memref<8x128xf32, #tpu.memory_space<hbm>>
      %dma_start3A_775 = arith.constant 0 : i32
      %dma_start3A_776 = arith.constant 0 : i32
      %dma_start3A_777 = tpu.memref_slice %arg4[%select_n3A_622, %dma_start3A_766, %select_n3A_638, %dma_start3A_775, %dma_start3A_776] : memref<200x8x32x8x128xf32, #tpu.memory_space<hbm>> -> memref<1x1x1x8x128xf32, #tpu.memory_space<hbm>>
      %dma_start3A_778 = tpu.memref_squeeze %dma_start3A_777 : memref<1x1x1x8x128xf32, #tpu.memory_space<hbm>> -> memref<8x128xf32, #tpu.memory_space<hbm>>
      %dma_start3A_779 = arith.constant 56 : i32
      %dma_start3A_780 = arith.constant 0 : i32
      %dma_start3A_781 = tpu.memref_slice %arg7[%dma_start3A_765, %dma_start3A_779, %dma_start3A_780] : memref<2x64x128xf32, #tpu.memory_space<vmem>> -> memref<1x8x128xf32, #tpu.memory_space<vmem>>
      %dma_start3A_782 = tpu.memref_squeeze %dma_start3A_781 : memref<1x8x128xf32, #tpu.memory_space<vmem>> -> memref<8x128xf32, #tpu.memory_space<vmem>>
      tpu.enqueue_dma source(%dma_start3A_782 : memref<8x128xf32, #tpu.memory_space<vmem>>) target(%dma_start3A_778 : memref<8x128xf32, #tpu.memory_space<hbm>>) target_semaphore(%arg10 : memref<!tpu.dma_semaphore, #tpu.memory_space<semaphore_mem>>)
    }
    %scan3A_46 = arith.constant 100 : i32
    %dma_wait3A = arith.constant 0 : i32
    %dma_wait3A_47 = arith.constant 0 : i32
    %dma_wait3A_48 = arith.constant 0 : i32
    %dma_wait3A_49 = arith.constant 0 : i32
    %dma_wait3A_50 = arith.constant 0 : i32
    %dma_wait3A_51 = arith.constant 0 : i32
    %dma_wait3A_52 = tpu.memref_slice %arg7[%dma_wait3A, %dma_wait3A_50, %dma_wait3A_51] : memref<2x64x128xf32, #tpu.memory_space<vmem>> -> memref<1x8x128xf32, #tpu.memory_space<vmem>>
    %dma_wait3A_53 = tpu.memref_squeeze %dma_wait3A_52 : memref<1x8x128xf32, #tpu.memory_space<vmem>> -> memref<8x128xf32, #tpu.memory_space<vmem>>
    %dma_wait3A_54 = arith.constant 0 : i32
    %dma_wait3A_55 = arith.constant 0 : i32
    %dma_wait3A_56 = tpu.memref_slice %arg4[%dma_wait3A_47, %dma_wait3A_48, %dma_wait3A_49, %dma_wait3A_54, %dma_wait3A_55] : memref<200x8x32x8x128xf32, #tpu.memory_space<hbm>> -> memref<1x1x1x8x128xf32, #tpu.memory_space<hbm>>
    %dma_wait3A_57 = tpu.memref_squeeze %dma_wait3A_56 : memref<1x1x1x8x128xf32, #tpu.memory_space<hbm>> -> memref<8x128xf32, #tpu.memory_space<hbm>>
    %dma_wait3A_58 = arith.constant 0 : i32
    %dma_wait3A_59 = arith.constant 0 : i32
    %dma_wait3A_60 = tpu.memref_slice %arg4[%dma_wait3A_47, %dma_wait3A_48, %dma_wait3A_49, %dma_wait3A_58, %dma_wait3A_59] : memref<200x8x32x8x128xf32, #tpu.memory_space<hbm>> -> memref<1x1x1x8x128xf32, #tpu.memory_space<hbm>>
    %dma_wait3A_61 = tpu.memref_squeeze %dma_wait3A_60 : memref<1x1x1x8x128xf32, #tpu.memory_space<hbm>> -> memref<8x128xf32, #tpu.memory_space<hbm>>
    %dma_wait3A_62 = arith.constant 0 : i32
    %dma_wait3A_63 = arith.constant 0 : i32
    %dma_wait3A_64 = tpu.memref_slice %arg7[%dma_wait3A, %dma_wait3A_62, %dma_wait3A_63] : memref<2x64x128xf32, #tpu.memory_space<vmem>> -> memref<1x8x128xf32, #tpu.memory_space<vmem>>
    %dma_wait3A_65 = tpu.memref_squeeze %dma_wait3A_64 : memref<1x8x128xf32, #tpu.memory_space<vmem>> -> memref<8x128xf32, #tpu.memory_space<vmem>>
    tpu.wait_dma2 semaphore(%arg10 : memref<!tpu.dma_semaphore, #tpu.memory_space<semaphore_mem>>) src(%dma_wait3A_65 : memref<8x128xf32, #tpu.memory_space<vmem>>) dst(%dma_wait3A_61 : memref<8x128xf32, #tpu.memory_space<hbm>>)
    %dma_wait3A_66 = arith.constant 0 : i32
    %dma_wait3A_67 = arith.constant 0 : i32
    %dma_wait3A_68 = arith.constant 0 : i32
    %dma_wait3A_69 = arith.constant 0 : i32
    %dma_wait3A_70 = arith.constant 0 : i32
    %dma_wait3A_71 = arith.constant 0 : i32
    %dma_wait3A_72 = tpu.memref_slice %arg7[%dma_wait3A_66, %dma_wait3A_70, %dma_wait3A_71] : memref<2x64x128xf32, #tpu.memory_space<vmem>> -> memref<1x8x128xf32, #tpu.memory_space<vmem>>
    %dma_wait3A_73 = tpu.memref_squeeze %dma_wait3A_72 : memref<1x8x128xf32, #tpu.memory_space<vmem>> -> memref<8x128xf32, #tpu.memory_space<vmem>>
    %dma_wait3A_74 = arith.constant 0 : i32
    %dma_wait3A_75 = arith.constant 0 : i32
    %dma_wait3A_76 = tpu.memref_slice %arg4[%dma_wait3A_67, %dma_wait3A_68, %dma_wait3A_69, %dma_wait3A_74, %dma_wait3A_75] : memref<200x8x32x8x128xf32, #tpu.memory_space<hbm>> -> memref<1x1x1x8x128xf32, #tpu.memory_space<hbm>>
    %dma_wait3A_77 = tpu.memref_squeeze %dma_wait3A_76 : memref<1x1x1x8x128xf32, #tpu.memory_space<hbm>> -> memref<8x128xf32, #tpu.memory_space<hbm>>
    %dma_wait3A_78 = arith.constant 0 : i32
    %dma_wait3A_79 = arith.constant 0 : i32
    %dma_wait3A_80 = tpu.memref_slice %arg4[%dma_wait3A_67, %dma_wait3A_68, %dma_wait3A_69, %dma_wait3A_78, %dma_wait3A_79] : memref<200x8x32x8x128xf32, #tpu.memory_space<hbm>> -> memref<1x1x1x8x128xf32, #tpu.memory_space<hbm>>
    %dma_wait3A_81 = tpu.memref_squeeze %dma_wait3A_80 : memref<1x1x1x8x128xf32, #tpu.memory_space<hbm>> -> memref<8x128xf32, #tpu.memory_space<hbm>>
    %dma_wait3A_82 = arith.constant 0 : i32
    %dma_wait3A_83 = arith.constant 0 : i32
    %dma_wait3A_84 = tpu.memref_slice %arg7[%dma_wait3A_66, %dma_wait3A_82, %dma_wait3A_83] : memref<2x64x128xf32, #tpu.memory_space<vmem>> -> memref<1x8x128xf32, #tpu.memory_space<vmem>>
    %dma_wait3A_85 = tpu.memref_squeeze %dma_wait3A_84 : memref<1x8x128xf32, #tpu.memory_space<vmem>> -> memref<8x128xf32, #tpu.memory_space<vmem>>
    tpu.wait_dma2 semaphore(%arg10 : memref<!tpu.dma_semaphore, #tpu.memory_space<semaphore_mem>>) src(%dma_wait3A_85 : memref<8x128xf32, #tpu.memory_space<vmem>>) dst(%dma_wait3A_81 : memref<8x128xf32, #tpu.memory_space<hbm>>)
    %dma_wait3A_86 = arith.constant 0 : i32
    %dma_wait3A_87 = arith.constant 0 : i32
    %dma_wait3A_88 = arith.constant 0 : i32
    %dma_wait3A_89 = arith.constant 0 : i32
    %dma_wait3A_90 = arith.constant 0 : i32
    %dma_wait3A_91 = arith.constant 0 : i32
    %dma_wait3A_92 = tpu.memref_slice %arg7[%dma_wait3A_86, %dma_wait3A_90, %dma_wait3A_91] : memref<2x64x128xf32, #tpu.memory_space<vmem>> -> memref<1x8x128xf32, #tpu.memory_space<vmem>>
    %dma_wait3A_93 = tpu.memref_squeeze %dma_wait3A_92 : memref<1x8x128xf32, #tpu.memory_space<vmem>> -> memref<8x128xf32, #tpu.memory_space<vmem>>
    %dma_wait3A_94 = arith.constant 0 : i32
    %dma_wait3A_95 = arith.constant 0 : i32
    %dma_wait3A_96 = tpu.memref_slice %arg4[%dma_wait3A_87, %dma_wait3A_88, %dma_wait3A_89, %dma_wait3A_94, %dma_wait3A_95] : memref<200x8x32x8x128xf32, #tpu.memory_space<hbm>> -> memref<1x1x1x8x128xf32, #tpu.memory_space<hbm>>
    %dma_wait3A_97 = tpu.memref_squeeze %dma_wait3A_96 : memref<1x1x1x8x128xf32, #tpu.memory_space<hbm>> -> memref<8x128xf32, #tpu.memory_space<hbm>>
    %dma_wait3A_98 = arith.constant 0 : i32
    %dma_wait3A_99 = arith.constant 0 : i32
    %dma_wait3A_100 = tpu.memref_slice %arg4[%dma_wait3A_87, %dma_wait3A_88, %dma_wait3A_89, %dma_wait3A_98, %dma_wait3A_99] : memref<200x8x32x8x128xf32, #tpu.memory_space<hbm>> -> memref<1x1x1x8x128xf32, #tpu.memory_space<hbm>>
    %dma_wait3A_101 = tpu.memref_squeeze %dma_wait3A_100 : memref<1x1x1x8x128xf32, #tpu.memory_space<hbm>> -> memref<8x128xf32, #tpu.memory_space<hbm>>
    %dma_wait3A_102 = arith.constant 0 : i32
    %dma_wait3A_103 = arith.constant 0 : i32
    %dma_wait3A_104 = tpu.memref_slice %arg7[%dma_wait3A_86, %dma_wait3A_102, %dma_wait3A_103] : memref<2x64x128xf32, #tpu.memory_space<vmem>> -> memref<1x8x128xf32, #tpu.memory_space<vmem>>
    %dma_wait3A_105 = tpu.memref_squeeze %dma_wait3A_104 : memref<1x8x128xf32, #tpu.memory_space<vmem>> -> memref<8x128xf32, #tpu.memory_space<vmem>>
    tpu.wait_dma2 semaphore(%arg10 : memref<!tpu.dma_semaphore, #tpu.memory_space<semaphore_mem>>) src(%dma_wait3A_105 : memref<8x128xf32, #tpu.memory_space<vmem>>) dst(%dma_wait3A_101 : memref<8x128xf32, #tpu.memory_space<hbm>>)
    %dma_wait3A_106 = arith.constant 0 : i32
    %dma_wait3A_107 = arith.constant 0 : i32
    %dma_wait3A_108 = arith.constant 0 : i32
    %dma_wait3A_109 = arith.constant 0 : i32
    %dma_wait3A_110 = arith.constant 0 : i32
    %dma_wait3A_111 = arith.constant 0 : i32
    %dma_wait3A_112 = tpu.memref_slice %arg7[%dma_wait3A_106, %dma_wait3A_110, %dma_wait3A_111] : memref<2x64x128xf32, #tpu.memory_space<vmem>> -> memref<1x8x128xf32, #tpu.memory_space<vmem>>
    %dma_wait3A_113 = tpu.memref_squeeze %dma_wait3A_112 : memref<1x8x128xf32, #tpu.memory_space<vmem>> -> memref<8x128xf32, #tpu.memory_space<vmem>>
    %dma_wait3A_114 = arith.constant 0 : i32
    %dma_wait3A_115 = arith.constant 0 : i32
    %dma_wait3A_116 = tpu.memref_slice %arg4[%dma_wait3A_107, %dma_wait3A_108, %dma_wait3A_109, %dma_wait3A_114, %dma_wait3A_115] : memref<200x8x32x8x128xf32, #tpu.memory_space<hbm>> -> memref<1x1x1x8x128xf32, #tpu.memory_space<hbm>>
    %dma_wait3A_117 = tpu.memref_squeeze %dma_wait3A_116 : memref<1x1x1x8x128xf32, #tpu.memory_space<hbm>> -> memref<8x128xf32, #tpu.memory_space<hbm>>
    %dma_wait3A_118 = arith.constant 0 : i32
    %dma_wait3A_119 = arith.constant 0 : i32
    %dma_wait3A_120 = tpu.memref_slice %arg4[%dma_wait3A_107, %dma_wait3A_108, %dma_wait3A_109, %dma_wait3A_118, %dma_wait3A_119] : memref<200x8x32x8x128xf32, #tpu.memory_space<hbm>> -> memref<1x1x1x8x128xf32, #tpu.memory_space<hbm>>
    %dma_wait3A_121 = tpu.memref_squeeze %dma_wait3A_120 : memref<1x1x1x8x128xf32, #tpu.memory_space<hbm>> -> memref<8x128xf32, #tpu.memory_space<hbm>>
    %dma_wait3A_122 = arith.constant 0 : i32
    %dma_wait3A_123 = arith.constant 0 : i32
    %dma_wait3A_124 = tpu.memref_slice %arg7[%dma_wait3A_106, %dma_wait3A_122, %dma_wait3A_123] : memref<2x64x128xf32, #tpu.memory_space<vmem>> -> memref<1x8x128xf32, #tpu.memory_space<vmem>>
    %dma_wait3A_125 = tpu.memref_squeeze %dma_wait3A_124 : memref<1x8x128xf32, #tpu.memory_space<vmem>> -> memref<8x128xf32, #tpu.memory_space<vmem>>
    tpu.wait_dma2 semaphore(%arg10 : memref<!tpu.dma_semaphore, #tpu.memory_space<semaphore_mem>>) src(%dma_wait3A_125 : memref<8x128xf32, #tpu.memory_space<vmem>>) dst(%dma_wait3A_121 : memref<8x128xf32, #tpu.memory_space<hbm>>)
    %dma_wait3A_126 = arith.constant 0 : i32
    %dma_wait3A_127 = arith.constant 0 : i32
    %dma_wait3A_128 = arith.constant 0 : i32
    %dma_wait3A_129 = arith.constant 0 : i32
    %dma_wait3A_130 = arith.constant 0 : i32
    %dma_wait3A_131 = arith.constant 0 : i32
    %dma_wait3A_132 = tpu.memref_slice %arg7[%dma_wait3A_126, %dma_wait3A_130, %dma_wait3A_131] : memref<2x64x128xf32, #tpu.memory_space<vmem>> -> memref<1x8x128xf32, #tpu.memory_space<vmem>>
    %dma_wait3A_133 = tpu.memref_squeeze %dma_wait3A_132 : memref<1x8x128xf32, #tpu.memory_space<vmem>> -> memref<8x128xf32, #tpu.memory_space<vmem>>
    %dma_wait3A_134 = arith.constant 0 : i32
    %dma_wait3A_135 = arith.constant 0 : i32
    %dma_wait3A_136 = tpu.memref_slice %arg4[%dma_wait3A_127, %dma_wait3A_128, %dma_wait3A_129, %dma_wait3A_134, %dma_wait3A_135] : memref<200x8x32x8x128xf32, #tpu.memory_space<hbm>> -> memref<1x1x1x8x128xf32, #tpu.memory_space<hbm>>
    %dma_wait3A_137 = tpu.memref_squeeze %dma_wait3A_136 : memref<1x1x1x8x128xf32, #tpu.memory_space<hbm>> -> memref<8x128xf32, #tpu.memory_space<hbm>>
    %dma_wait3A_138 = arith.constant 0 : i32
    %dma_wait3A_139 = arith.constant 0 : i32
    %dma_wait3A_140 = tpu.memref_slice %arg4[%dma_wait3A_127, %dma_wait3A_128, %dma_wait3A_129, %dma_wait3A_138, %dma_wait3A_139] : memref<200x8x32x8x128xf32, #tpu.memory_space<hbm>> -> memref<1x1x1x8x128xf32, #tpu.memory_space<hbm>>
    %dma_wait3A_141 = tpu.memref_squeeze %dma_wait3A_140 : memref<1x1x1x8x128xf32, #tpu.memory_space<hbm>> -> memref<8x128xf32, #tpu.memory_space<hbm>>
    %dma_wait3A_142 = arith.constant 0 : i32
    %dma_wait3A_143 = arith.constant 0 : i32
    %dma_wait3A_144 = tpu.memref_slice %arg7[%dma_wait3A_126, %dma_wait3A_142, %dma_wait3A_143] : memref<2x64x128xf32, #tpu.memory_space<vmem>> -> memref<1x8x128xf32, #tpu.memory_space<vmem>>
    %dma_wait3A_145 = tpu.memref_squeeze %dma_wait3A_144 : memref<1x8x128xf32, #tpu.memory_space<vmem>> -> memref<8x128xf32, #tpu.memory_space<vmem>>
    tpu.wait_dma2 semaphore(%arg10 : memref<!tpu.dma_semaphore, #tpu.memory_space<semaphore_mem>>) src(%dma_wait3A_145 : memref<8x128xf32, #tpu.memory_space<vmem>>) dst(%dma_wait3A_141 : memref<8x128xf32, #tpu.memory_space<hbm>>)
    %dma_wait3A_146 = arith.constant 0 : i32
    %dma_wait3A_147 = arith.constant 0 : i32
    %dma_wait3A_148 = arith.constant 0 : i32
    %dma_wait3A_149 = arith.constant 0 : i32
    %dma_wait3A_150 = arith.constant 0 : i32
    %dma_wait3A_151 = arith.constant 0 : i32
    %dma_wait3A_152 = tpu.memref_slice %arg7[%dma_wait3A_146, %dma_wait3A_150, %dma_wait3A_151] : memref<2x64x128xf32, #tpu.memory_space<vmem>> -> memref<1x8x128xf32, #tpu.memory_space<vmem>>
    %dma_wait3A_153 = tpu.memref_squeeze %dma_wait3A_152 : memref<1x8x128xf32, #tpu.memory_space<vmem>> -> memref<8x128xf32, #tpu.memory_space<vmem>>
    %dma_wait3A_154 = arith.constant 0 : i32
    %dma_wait3A_155 = arith.constant 0 : i32
    %dma_wait3A_156 = tpu.memref_slice %arg4[%dma_wait3A_147, %dma_wait3A_148, %dma_wait3A_149, %dma_wait3A_154, %dma_wait3A_155] : memref<200x8x32x8x128xf32, #tpu.memory_space<hbm>> -> memref<1x1x1x8x128xf32, #tpu.memory_space<hbm>>
    %dma_wait3A_157 = tpu.memref_squeeze %dma_wait3A_156 : memref<1x1x1x8x128xf32, #tpu.memory_space<hbm>> -> memref<8x128xf32, #tpu.memory_space<hbm>>
    %dma_wait3A_158 = arith.constant 0 : i32
    %dma_wait3A_159 = arith.constant 0 : i32
    %dma_wait3A_160 = tpu.memref_slice %arg4[%dma_wait3A_147, %dma_wait3A_148, %dma_wait3A_149, %dma_wait3A_158, %dma_wait3A_159] : memref<200x8x32x8x128xf32, #tpu.memory_space<hbm>> -> memref<1x1x1x8x128xf32, #tpu.memory_space<hbm>>
    %dma_wait3A_161 = tpu.memref_squeeze %dma_wait3A_160 : memref<1x1x1x8x128xf32, #tpu.memory_space<hbm>> -> memref<8x128xf32, #tpu.memory_space<hbm>>
    %dma_wait3A_162 = arith.constant 0 : i32
    %dma_wait3A_163 = arith.constant 0 : i32
    %dma_wait3A_164 = tpu.memref_slice %arg7[%dma_wait3A_146, %dma_wait3A_162, %dma_wait3A_163] : memref<2x64x128xf32, #tpu.memory_space<vmem>> -> memref<1x8x128xf32, #tpu.memory_space<vmem>>
    %dma_wait3A_165 = tpu.memref_squeeze %dma_wait3A_164 : memref<1x8x128xf32, #tpu.memory_space<vmem>> -> memref<8x128xf32, #tpu.memory_space<vmem>>
    tpu.wait_dma2 semaphore(%arg10 : memref<!tpu.dma_semaphore, #tpu.memory_space<semaphore_mem>>) src(%dma_wait3A_165 : memref<8x128xf32, #tpu.memory_space<vmem>>) dst(%dma_wait3A_161 : memref<8x128xf32, #tpu.memory_space<hbm>>)
    %dma_wait3A_166 = arith.constant 0 : i32
    %dma_wait3A_167 = arith.constant 0 : i32
    %dma_wait3A_168 = arith.constant 0 : i32
    %dma_wait3A_169 = arith.constant 0 : i32
    %dma_wait3A_170 = arith.constant 0 : i32
    %dma_wait3A_171 = arith.constant 0 : i32
    %dma_wait3A_172 = tpu.memref_slice %arg7[%dma_wait3A_166, %dma_wait3A_170, %dma_wait3A_171] : memref<2x64x128xf32, #tpu.memory_space<vmem>> -> memref<1x8x128xf32, #tpu.memory_space<vmem>>
    %dma_wait3A_173 = tpu.memref_squeeze %dma_wait3A_172 : memref<1x8x128xf32, #tpu.memory_space<vmem>> -> memref<8x128xf32, #tpu.memory_space<vmem>>
    %dma_wait3A_174 = arith.constant 0 : i32
    %dma_wait3A_175 = arith.constant 0 : i32
    %dma_wait3A_176 = tpu.memref_slice %arg4[%dma_wait3A_167, %dma_wait3A_168, %dma_wait3A_169, %dma_wait3A_174, %dma_wait3A_175] : memref<200x8x32x8x128xf32, #tpu.memory_space<hbm>> -> memref<1x1x1x8x128xf32, #tpu.memory_space<hbm>>
    %dma_wait3A_177 = tpu.memref_squeeze %dma_wait3A_176 : memref<1x1x1x8x128xf32, #tpu.memory_space<hbm>> -> memref<8x128xf32, #tpu.memory_space<hbm>>
    %dma_wait3A_178 = arith.constant 0 : i32
    %dma_wait3A_179 = arith.constant 0 : i32
    %dma_wait3A_180 = tpu.memref_slice %arg4[%dma_wait3A_167, %dma_wait3A_168, %dma_wait3A_169, %dma_wait3A_178, %dma_wait3A_179] : memref<200x8x32x8x128xf32, #tpu.memory_space<hbm>> -> memref<1x1x1x8x128xf32, #tpu.memory_space<hbm>>
    %dma_wait3A_181 = tpu.memref_squeeze %dma_wait3A_180 : memref<1x1x1x8x128xf32, #tpu.memory_space<hbm>> -> memref<8x128xf32, #tpu.memory_space<hbm>>
    %dma_wait3A_182 = arith.constant 0 : i32
    %dma_wait3A_183 = arith.constant 0 : i32
    %dma_wait3A_184 = tpu.memref_slice %arg7[%dma_wait3A_166, %dma_wait3A_182, %dma_wait3A_183] : memref<2x64x128xf32, #tpu.memory_space<vmem>> -> memref<1x8x128xf32, #tpu.memory_space<vmem>>
    %dma_wait3A_185 = tpu.memref_squeeze %dma_wait3A_184 : memref<1x8x128xf32, #tpu.memory_space<vmem>> -> memref<8x128xf32, #tpu.memory_space<vmem>>
    tpu.wait_dma2 semaphore(%arg10 : memref<!tpu.dma_semaphore, #tpu.memory_space<semaphore_mem>>) src(%dma_wait3A_185 : memref<8x128xf32, #tpu.memory_space<vmem>>) dst(%dma_wait3A_181 : memref<8x128xf32, #tpu.memory_space<hbm>>)
    %dma_wait3A_186 = arith.constant 0 : i32
    %dma_wait3A_187 = arith.constant 0 : i32
    %dma_wait3A_188 = arith.constant 0 : i32
    %dma_wait3A_189 = arith.constant 0 : i32
    %dma_wait3A_190 = arith.constant 0 : i32
    %dma_wait3A_191 = arith.constant 0 : i32
    %dma_wait3A_192 = tpu.memref_slice %arg7[%dma_wait3A_186, %dma_wait3A_190, %dma_wait3A_191] : memref<2x64x128xf32, #tpu.memory_space<vmem>> -> memref<1x8x128xf32, #tpu.memory_space<vmem>>
    %dma_wait3A_193 = tpu.memref_squeeze %dma_wait3A_192 : memref<1x8x128xf32, #tpu.memory_space<vmem>> -> memref<8x128xf32, #tpu.memory_space<vmem>>
    %dma_wait3A_194 = arith.constant 0 : i32
    %dma_wait3A_195 = arith.constant 0 : i32
    %dma_wait3A_196 = tpu.memref_slice %arg4[%dma_wait3A_187, %dma_wait3A_188, %dma_wait3A_189, %dma_wait3A_194, %dma_wait3A_195] : memref<200x8x32x8x128xf32, #tpu.memory_space<hbm>> -> memref<1x1x1x8x128xf32, #tpu.memory_space<hbm>>
    %dma_wait3A_197 = tpu.memref_squeeze %dma_wait3A_196 : memref<1x1x1x8x128xf32, #tpu.memory_space<hbm>> -> memref<8x128xf32, #tpu.memory_space<hbm>>
    %dma_wait3A_198 = arith.constant 0 : i32
    %dma_wait3A_199 = arith.constant 0 : i32
    %dma_wait3A_200 = tpu.memref_slice %arg4[%dma_wait3A_187, %dma_wait3A_188, %dma_wait3A_189, %dma_wait3A_198, %dma_wait3A_199] : memref<200x8x32x8x128xf32, #tpu.memory_space<hbm>> -> memref<1x1x1x8x128xf32, #tpu.memory_space<hbm>>
    %dma_wait3A_201 = tpu.memref_squeeze %dma_wait3A_200 : memref<1x1x1x8x128xf32, #tpu.memory_space<hbm>> -> memref<8x128xf32, #tpu.memory_space<hbm>>
    %dma_wait3A_202 = arith.constant 0 : i32
    %dma_wait3A_203 = arith.constant 0 : i32
    %dma_wait3A_204 = tpu.memref_slice %arg7[%dma_wait3A_186, %dma_wait3A_202, %dma_wait3A_203] : memref<2x64x128xf32, #tpu.memory_space<vmem>> -> memref<1x8x128xf32, #tpu.memory_space<vmem>>
    %dma_wait3A_205 = tpu.memref_squeeze %dma_wait3A_204 : memref<1x8x128xf32, #tpu.memory_space<vmem>> -> memref<8x128xf32, #tpu.memory_space<vmem>>
    tpu.wait_dma2 semaphore(%arg10 : memref<!tpu.dma_semaphore, #tpu.memory_space<semaphore_mem>>) src(%dma_wait3A_205 : memref<8x128xf32, #tpu.memory_space<vmem>>) dst(%dma_wait3A_201 : memref<8x128xf32, #tpu.memory_space<hbm>>)
    %dma_wait3A_206 = arith.constant 0 : i32
    %dma_wait3A_207 = arith.constant 0 : i32
    %dma_wait3A_208 = arith.constant 0 : i32
    %dma_wait3A_209 = arith.constant 0 : i32
    %dma_wait3A_210 = arith.constant 0 : i32
    %dma_wait3A_211 = arith.constant 0 : i32
    %dma_wait3A_212 = tpu.memref_slice %arg7[%dma_wait3A_206, %dma_wait3A_210, %dma_wait3A_211] : memref<2x64x128xf32, #tpu.memory_space<vmem>> -> memref<1x8x128xf32, #tpu.memory_space<vmem>>
    %dma_wait3A_213 = tpu.memref_squeeze %dma_wait3A_212 : memref<1x8x128xf32, #tpu.memory_space<vmem>> -> memref<8x128xf32, #tpu.memory_space<vmem>>
    %dma_wait3A_214 = arith.constant 0 : i32
    %dma_wait3A_215 = arith.constant 0 : i32
    %dma_wait3A_216 = tpu.memref_slice %arg4[%dma_wait3A_207, %dma_wait3A_208, %dma_wait3A_209, %dma_wait3A_214, %dma_wait3A_215] : memref<200x8x32x8x128xf32, #tpu.memory_space<hbm>> -> memref<1x1x1x8x128xf32, #tpu.memory_space<hbm>>
    %dma_wait3A_217 = tpu.memref_squeeze %dma_wait3A_216 : memref<1x1x1x8x128xf32, #tpu.memory_space<hbm>> -> memref<8x128xf32, #tpu.memory_space<hbm>>
    %dma_wait3A_218 = arith.constant 0 : i32
    %dma_wait3A_219 = arith.constant 0 : i32
    %dma_wait3A_220 = tpu.memref_slice %arg4[%dma_wait3A_207, %dma_wait3A_208, %dma_wait3A_209, %dma_wait3A_218, %dma_wait3A_219] : memref<200x8x32x8x128xf32, #tpu.memory_space<hbm>> -> memref<1x1x1x8x128xf32, #tpu.memory_space<hbm>>
    %dma_wait3A_221 = tpu.memref_squeeze %dma_wait3A_220 : memref<1x1x1x8x128xf32, #tpu.memory_space<hbm>> -> memref<8x128xf32, #tpu.memory_space<hbm>>
    %dma_wait3A_222 = arith.constant 0 : i32
    %dma_wait3A_223 = arith.constant 0 : i32
    %dma_wait3A_224 = tpu.memref_slice %arg7[%dma_wait3A_206, %dma_wait3A_222, %dma_wait3A_223] : memref<2x64x128xf32, #tpu.memory_space<vmem>> -> memref<1x8x128xf32, #tpu.memory_space<vmem>>
    %dma_wait3A_225 = tpu.memref_squeeze %dma_wait3A_224 : memref<1x8x128xf32, #tpu.memory_space<vmem>> -> memref<8x128xf32, #tpu.memory_space<vmem>>
    tpu.wait_dma2 semaphore(%arg10 : memref<!tpu.dma_semaphore, #tpu.memory_space<semaphore_mem>>) src(%dma_wait3A_225 : memref<8x128xf32, #tpu.memory_space<vmem>>) dst(%dma_wait3A_221 : memref<8x128xf32, #tpu.memory_space<hbm>>)
    %dma_wait3A_226 = arith.constant 0 : i32
    %dma_wait3A_227 = arith.constant 0 : i32
    %dma_wait3A_228 = arith.constant 0 : i32
    %dma_wait3A_229 = arith.constant 0 : i32
    %dma_wait3A_230 = arith.constant 0 : i32
    %dma_wait3A_231 = arith.constant 0 : i32
    %dma_wait3A_232 = tpu.memref_slice %arg7[%dma_wait3A_226, %dma_wait3A_230, %dma_wait3A_231] : memref<2x64x128xf32, #tpu.memory_space<vmem>> -> memref<1x8x128xf32, #tpu.memory_space<vmem>>
    %dma_wait3A_233 = tpu.memref_squeeze %dma_wait3A_232 : memref<1x8x128xf32, #tpu.memory_space<vmem>> -> memref<8x128xf32, #tpu.memory_space<vmem>>
    %dma_wait3A_234 = arith.constant 0 : i32
    %dma_wait3A_235 = arith.constant 0 : i32
    %dma_wait3A_236 = tpu.memref_slice %arg4[%dma_wait3A_227, %dma_wait3A_228, %dma_wait3A_229, %dma_wait3A_234, %dma_wait3A_235] : memref<200x8x32x8x128xf32, #tpu.memory_space<hbm>> -> memref<1x1x1x8x128xf32, #tpu.memory_space<hbm>>
    %dma_wait3A_237 = tpu.memref_squeeze %dma_wait3A_236 : memref<1x1x1x8x128xf32, #tpu.memory_space<hbm>> -> memref<8x128xf32, #tpu.memory_space<hbm>>
    %dma_wait3A_238 = arith.constant 0 : i32
    %dma_wait3A_239 = arith.constant 0 : i32
    %dma_wait3A_240 = tpu.memref_slice %arg4[%dma_wait3A_227, %dma_wait3A_228, %dma_wait3A_229, %dma_wait3A_238, %dma_wait3A_239] : memref<200x8x32x8x128xf32, #tpu.memory_space<hbm>> -> memref<1x1x1x8x128xf32, #tpu.memory_space<hbm>>
    %dma_wait3A_241 = tpu.memref_squeeze %dma_wait3A_240 : memref<1x1x1x8x128xf32, #tpu.memory_space<hbm>> -> memref<8x128xf32, #tpu.memory_space<hbm>>
    %dma_wait3A_242 = arith.constant 0 : i32
    %dma_wait3A_243 = arith.constant 0 : i32
    %dma_wait3A_244 = tpu.memref_slice %arg7[%dma_wait3A_226, %dma_wait3A_242, %dma_wait3A_243] : memref<2x64x128xf32, #tpu.memory_space<vmem>> -> memref<1x8x128xf32, #tpu.memory_space<vmem>>
    %dma_wait3A_245 = tpu.memref_squeeze %dma_wait3A_244 : memref<1x8x128xf32, #tpu.memory_space<vmem>> -> memref<8x128xf32, #tpu.memory_space<vmem>>
    tpu.wait_dma2 semaphore(%arg10 : memref<!tpu.dma_semaphore, #tpu.memory_space<semaphore_mem>>) src(%dma_wait3A_245 : memref<8x128xf32, #tpu.memory_space<vmem>>) dst(%dma_wait3A_241 : memref<8x128xf32, #tpu.memory_space<hbm>>)
    %dma_wait3A_246 = arith.constant 0 : i32
    %dma_wait3A_247 = arith.constant 0 : i32
    %dma_wait3A_248 = arith.constant 0 : i32
    %dma_wait3A_249 = arith.constant 0 : i32
    %dma_wait3A_250 = arith.constant 0 : i32
    %dma_wait3A_251 = arith.constant 0 : i32
    %dma_wait3A_252 = tpu.memref_slice %arg7[%dma_wait3A_246, %dma_wait3A_250, %dma_wait3A_251] : memref<2x64x128xf32, #tpu.memory_space<vmem>> -> memref<1x8x128xf32, #tpu.memory_space<vmem>>
    %dma_wait3A_253 = tpu.memref_squeeze %dma_wait3A_252 : memref<1x8x128xf32, #tpu.memory_space<vmem>> -> memref<8x128xf32, #tpu.memory_space<vmem>>
    %dma_wait3A_254 = arith.constant 0 : i32
    %dma_wait3A_255 = arith.constant 0 : i32
    %dma_wait3A_256 = tpu.memref_slice %arg4[%dma_wait3A_247, %dma_wait3A_248, %dma_wait3A_249, %dma_wait3A_254, %dma_wait3A_255] : memref<200x8x32x8x128xf32, #tpu.memory_space<hbm>> -> memref<1x1x1x8x128xf32, #tpu.memory_space<hbm>>
    %dma_wait3A_257 = tpu.memref_squeeze %dma_wait3A_256 : memref<1x1x1x8x128xf32, #tpu.memory_space<hbm>> -> memref<8x128xf32, #tpu.memory_space<hbm>>
    %dma_wait3A_258 = arith.constant 0 : i32
    %dma_wait3A_259 = arith.constant 0 : i32
    %dma_wait3A_260 = tpu.memref_slice %arg4[%dma_wait3A_247, %dma_wait3A_248, %dma_wait3A_249, %dma_wait3A_258, %dma_wait3A_259] : memref<200x8x32x8x128xf32, #tpu.memory_space<hbm>> -> memref<1x1x1x8x128xf32, #tpu.memory_space<hbm>>
    %dma_wait3A_261 = tpu.memref_squeeze %dma_wait3A_260 : memref<1x1x1x8x128xf32, #tpu.memory_space<hbm>> -> memref<8x128xf32, #tpu.memory_space<hbm>>
    %dma_wait3A_262 = arith.constant 0 : i32
    %dma_wait3A_263 = arith.constant 0 : i32
    %dma_wait3A_264 = tpu.memref_slice %arg7[%dma_wait3A_246, %dma_wait3A_262, %dma_wait3A_263] : memref<2x64x128xf32, #tpu.memory_space<vmem>> -> memref<1x8x128xf32, #tpu.memory_space<vmem>>
    %dma_wait3A_265 = tpu.memref_squeeze %dma_wait3A_264 : memref<1x8x128xf32, #tpu.memory_space<vmem>> -> memref<8x128xf32, #tpu.memory_space<vmem>>
    tpu.wait_dma2 semaphore(%arg10 : memref<!tpu.dma_semaphore, #tpu.memory_space<semaphore_mem>>) src(%dma_wait3A_265 : memref<8x128xf32, #tpu.memory_space<vmem>>) dst(%dma_wait3A_261 : memref<8x128xf32, #tpu.memory_space<hbm>>)
    %dma_wait3A_266 = arith.constant 0 : i32
    %dma_wait3A_267 = arith.constant 0 : i32
    %dma_wait3A_268 = arith.constant 0 : i32
    %dma_wait3A_269 = arith.constant 0 : i32
    %dma_wait3A_270 = arith.constant 0 : i32
    %dma_wait3A_271 = arith.constant 0 : i32
    %dma_wait3A_272 = tpu.memref_slice %arg7[%dma_wait3A_266, %dma_wait3A_270, %dma_wait3A_271] : memref<2x64x128xf32, #tpu.memory_space<vmem>> -> memref<1x8x128xf32, #tpu.memory_space<vmem>>
    %dma_wait3A_273 = tpu.memref_squeeze %dma_wait3A_272 : memref<1x8x128xf32, #tpu.memory_space<vmem>> -> memref<8x128xf32, #tpu.memory_space<vmem>>
    %dma_wait3A_274 = arith.constant 0 : i32
    %dma_wait3A_275 = arith.constant 0 : i32
    %dma_wait3A_276 = tpu.memref_slice %arg4[%dma_wait3A_267, %dma_wait3A_268, %dma_wait3A_269, %dma_wait3A_274, %dma_wait3A_275] : memref<200x8x32x8x128xf32, #tpu.memory_space<hbm>> -> memref<1x1x1x8x128xf32, #tpu.memory_space<hbm>>
    %dma_wait3A_277 = tpu.memref_squeeze %dma_wait3A_276 : memref<1x1x1x8x128xf32, #tpu.memory_space<hbm>> -> memref<8x128xf32, #tpu.memory_space<hbm>>
    %dma_wait3A_278 = arith.constant 0 : i32
    %dma_wait3A_279 = arith.constant 0 : i32
    %dma_wait3A_280 = tpu.memref_slice %arg4[%dma_wait3A_267, %dma_wait3A_268, %dma_wait3A_269, %dma_wait3A_278, %dma_wait3A_279] : memref<200x8x32x8x128xf32, #tpu.memory_space<hbm>> -> memref<1x1x1x8x128xf32, #tpu.memory_space<hbm>>
    %dma_wait3A_281 = tpu.memref_squeeze %dma_wait3A_280 : memref<1x1x1x8x128xf32, #tpu.memory_space<hbm>> -> memref<8x128xf32, #tpu.memory_space<hbm>>
    %dma_wait3A_282 = arith.constant 0 : i32
    %dma_wait3A_283 = arith.constant 0 : i32
    %dma_wait3A_284 = tpu.memref_slice %arg7[%dma_wait3A_266, %dma_wait3A_282, %dma_wait3A_283] : memref<2x64x128xf32, #tpu.memory_space<vmem>> -> memref<1x8x128xf32, #tpu.memory_space<vmem>>
    %dma_wait3A_285 = tpu.memref_squeeze %dma_wait3A_284 : memref<1x8x128xf32, #tpu.memory_space<vmem>> -> memref<8x128xf32, #tpu.memory_space<vmem>>
    tpu.wait_dma2 semaphore(%arg10 : memref<!tpu.dma_semaphore, #tpu.memory_space<semaphore_mem>>) src(%dma_wait3A_285 : memref<8x128xf32, #tpu.memory_space<vmem>>) dst(%dma_wait3A_281 : memref<8x128xf32, #tpu.memory_space<hbm>>)
    %dma_wait3A_286 = arith.constant 0 : i32
    %dma_wait3A_287 = arith.constant 0 : i32
    %dma_wait3A_288 = arith.constant 0 : i32
    %dma_wait3A_289 = arith.constant 0 : i32
    %dma_wait3A_290 = arith.constant 0 : i32
    %dma_wait3A_291 = arith.constant 0 : i32
    %dma_wait3A_292 = tpu.memref_slice %arg7[%dma_wait3A_286, %dma_wait3A_290, %dma_wait3A_291] : memref<2x64x128xf32, #tpu.memory_space<vmem>> -> memref<1x8x128xf32, #tpu.memory_space<vmem>>
    %dma_wait3A_293 = tpu.memref_squeeze %dma_wait3A_292 : memref<1x8x128xf32, #tpu.memory_space<vmem>> -> memref<8x128xf32, #tpu.memory_space<vmem>>
    %dma_wait3A_294 = arith.constant 0 : i32
    %dma_wait3A_295 = arith.constant 0 : i32
    %dma_wait3A_296 = tpu.memref_slice %arg4[%dma_wait3A_287, %dma_wait3A_288, %dma_wait3A_289, %dma_wait3A_294, %dma_wait3A_295] : memref<200x8x32x8x128xf32, #tpu.memory_space<hbm>> -> memref<1x1x1x8x128xf32, #tpu.memory_space<hbm>>
    %dma_wait3A_297 = tpu.memref_squeeze %dma_wait3A_296 : memref<1x1x1x8x128xf32, #tpu.memory_space<hbm>> -> memref<8x128xf32, #tpu.memory_space<hbm>>
    %dma_wait3A_298 = arith.constant 0 : i32
    %dma_wait3A_299 = arith.constant 0 : i32
    %dma_wait3A_300 = tpu.memref_slice %arg4[%dma_wait3A_287, %dma_wait3A_288, %dma_wait3A_289, %dma_wait3A_298, %dma_wait3A_299] : memref<200x8x32x8x128xf32, #tpu.memory_space<hbm>> -> memref<1x1x1x8x128xf32, #tpu.memory_space<hbm>>
    %dma_wait3A_301 = tpu.memref_squeeze %dma_wait3A_300 : memref<1x1x1x8x128xf32, #tpu.memory_space<hbm>> -> memref<8x128xf32, #tpu.memory_space<hbm>>
    %dma_wait3A_302 = arith.constant 0 : i32
    %dma_wait3A_303 = arith.constant 0 : i32
    %dma_wait3A_304 = tpu.memref_slice %arg7[%dma_wait3A_286, %dma_wait3A_302, %dma_wait3A_303] : memref<2x64x128xf32, #tpu.memory_space<vmem>> -> memref<1x8x128xf32, #tpu.memory_space<vmem>>
    %dma_wait3A_305 = tpu.memref_squeeze %dma_wait3A_304 : memref<1x8x128xf32, #tpu.memory_space<vmem>> -> memref<8x128xf32, #tpu.memory_space<vmem>>
    tpu.wait_dma2 semaphore(%arg10 : memref<!tpu.dma_semaphore, #tpu.memory_space<semaphore_mem>>) src(%dma_wait3A_305 : memref<8x128xf32, #tpu.memory_space<vmem>>) dst(%dma_wait3A_301 : memref<8x128xf32, #tpu.memory_space<hbm>>)
    %dma_wait3A_306 = arith.constant 0 : i32
    %dma_wait3A_307 = arith.constant 0 : i32
    %dma_wait3A_308 = arith.constant 0 : i32
    %dma_wait3A_309 = arith.constant 0 : i32
    %dma_wait3A_310 = arith.constant 0 : i32
    %dma_wait3A_311 = arith.constant 0 : i32
    %dma_wait3A_312 = tpu.memref_slice %arg7[%dma_wait3A_306, %dma_wait3A_310, %dma_wait3A_311] : memref<2x64x128xf32, #tpu.memory_space<vmem>> -> memref<1x8x128xf32, #tpu.memory_space<vmem>>
    %dma_wait3A_313 = tpu.memref_squeeze %dma_wait3A_312 : memref<1x8x128xf32, #tpu.memory_space<vmem>> -> memref<8x128xf32, #tpu.memory_space<vmem>>
    %dma_wait3A_314 = arith.constant 0 : i32
    %dma_wait3A_315 = arith.constant 0 : i32
    %dma_wait3A_316 = tpu.memref_slice %arg4[%dma_wait3A_307, %dma_wait3A_308, %dma_wait3A_309, %dma_wait3A_314, %dma_wait3A_315] : memref<200x8x32x8x128xf32, #tpu.memory_space<hbm>> -> memref<1x1x1x8x128xf32, #tpu.memory_space<hbm>>
    %dma_wait3A_317 = tpu.memref_squeeze %dma_wait3A_316 : memref<1x1x1x8x128xf32, #tpu.memory_space<hbm>> -> memref<8x128xf32, #tpu.memory_space<hbm>>
    %dma_wait3A_318 = arith.constant 0 : i32
    %dma_wait3A_319 = arith.constant 0 : i32
    %dma_wait3A_320 = tpu.memref_slice %arg4[%dma_wait3A_307, %dma_wait3A_308, %dma_wait3A_309, %dma_wait3A_318, %dma_wait3A_319] : memref<200x8x32x8x128xf32, #tpu.memory_space<hbm>> -> memref<1x1x1x8x128xf32, #tpu.memory_space<hbm>>
    %dma_wait3A_321 = tpu.memref_squeeze %dma_wait3A_320 : memref<1x1x1x8x128xf32, #tpu.memory_space<hbm>> -> memref<8x128xf32, #tpu.memory_space<hbm>>
    %dma_wait3A_322 = arith.constant 0 : i32
    %dma_wait3A_323 = arith.constant 0 : i32
    %dma_wait3A_324 = tpu.memref_slice %arg7[%dma_wait3A_306, %dma_wait3A_322, %dma_wait3A_323] : memref<2x64x128xf32, #tpu.memory_space<vmem>> -> memref<1x8x128xf32, #tpu.memory_space<vmem>>
    %dma_wait3A_325 = tpu.memref_squeeze %dma_wait3A_324 : memref<1x8x128xf32, #tpu.memory_space<vmem>> -> memref<8x128xf32, #tpu.memory_space<vmem>>
    tpu.wait_dma2 semaphore(%arg10 : memref<!tpu.dma_semaphore, #tpu.memory_space<semaphore_mem>>) src(%dma_wait3A_325 : memref<8x128xf32, #tpu.memory_space<vmem>>) dst(%dma_wait3A_321 : memref<8x128xf32, #tpu.memory_space<hbm>>)
    %dma_wait3A_326 = arith.constant 0 : i32
    %dma_wait3A_327 = arith.constant 0 : i32
    %dma_wait3A_328 = arith.constant 0 : i32
    %dma_wait3A_329 = arith.constant 0 : i32
    %dma_wait3A_330 = arith.constant 0 : i32
    %dma_wait3A_331 = arith.constant 0 : i32
    %dma_wait3A_332 = tpu.memref_slice %arg7[%dma_wait3A_326, %dma_wait3A_330, %dma_wait3A_331] : memref<2x64x128xf32, #tpu.memory_space<vmem>> -> memref<1x8x128xf32, #tpu.memory_space<vmem>>
    %dma_wait3A_333 = tpu.memref_squeeze %dma_wait3A_332 : memref<1x8x128xf32, #tpu.memory_space<vmem>> -> memref<8x128xf32, #tpu.memory_space<vmem>>
    %dma_wait3A_334 = arith.constant 0 : i32
    %dma_wait3A_335 = arith.constant 0 : i32
    %dma_wait3A_336 = tpu.memref_slice %arg4[%dma_wait3A_327, %dma_wait3A_328, %dma_wait3A_329, %dma_wait3A_334, %dma_wait3A_335] : memref<200x8x32x8x128xf32, #tpu.memory_space<hbm>> -> memref<1x1x1x8x128xf32, #tpu.memory_space<hbm>>
    %dma_wait3A_337 = tpu.memref_squeeze %dma_wait3A_336 : memref<1x1x1x8x128xf32, #tpu.memory_space<hbm>> -> memref<8x128xf32, #tpu.memory_space<hbm>>
    %dma_wait3A_338 = arith.constant 0 : i32
    %dma_wait3A_339 = arith.constant 0 : i32
    %dma_wait3A_340 = tpu.memref_slice %arg4[%dma_wait3A_327, %dma_wait3A_328, %dma_wait3A_329, %dma_wait3A_338, %dma_wait3A_339] : memref<200x8x32x8x128xf32, #tpu.memory_space<hbm>> -> memref<1x1x1x8x128xf32, #tpu.memory_space<hbm>>
    %dma_wait3A_341 = tpu.memref_squeeze %dma_wait3A_340 : memref<1x1x1x8x128xf32, #tpu.memory_space<hbm>> -> memref<8x128xf32, #tpu.memory_space<hbm>>
    %dma_wait3A_342 = arith.constant 0 : i32
    %dma_wait3A_343 = arith.constant 0 : i32
    %dma_wait3A_344 = tpu.memref_slice %arg7[%dma_wait3A_326, %dma_wait3A_342, %dma_wait3A_343] : memref<2x64x128xf32, #tpu.memory_space<vmem>> -> memref<1x8x128xf32, #tpu.memory_space<vmem>>
    %dma_wait3A_345 = tpu.memref_squeeze %dma_wait3A_344 : memref<1x8x128xf32, #tpu.memory_space<vmem>> -> memref<8x128xf32, #tpu.memory_space<vmem>>
    tpu.wait_dma2 semaphore(%arg10 : memref<!tpu.dma_semaphore, #tpu.memory_space<semaphore_mem>>) src(%dma_wait3A_345 : memref<8x128xf32, #tpu.memory_space<vmem>>) dst(%dma_wait3A_341 : memref<8x128xf32, #tpu.memory_space<hbm>>)
    %dma_wait3A_346 = arith.constant 0 : i32
    %dma_wait3A_347 = arith.constant 0 : i32
    %dma_wait3A_348 = arith.constant 0 : i32
    %dma_wait3A_349 = arith.constant 0 : i32
    %dma_wait3A_350 = arith.constant 0 : i32
    %dma_wait3A_351 = arith.constant 0 : i32
    %dma_wait3A_352 = tpu.memref_slice %arg7[%dma_wait3A_346, %dma_wait3A_350, %dma_wait3A_351] : memref<2x64x128xf32, #tpu.memory_space<vmem>> -> memref<1x8x128xf32, #tpu.memory_space<vmem>>
    %dma_wait3A_353 = tpu.memref_squeeze %dma_wait3A_352 : memref<1x8x128xf32, #tpu.memory_space<vmem>> -> memref<8x128xf32, #tpu.memory_space<vmem>>
    %dma_wait3A_354 = arith.constant 0 : i32
    %dma_wait3A_355 = arith.constant 0 : i32
    %dma_wait3A_356 = tpu.memref_slice %arg4[%dma_wait3A_347, %dma_wait3A_348, %dma_wait3A_349, %dma_wait3A_354, %dma_wait3A_355] : memref<200x8x32x8x128xf32, #tpu.memory_space<hbm>> -> memref<1x1x1x8x128xf32, #tpu.memory_space<hbm>>
    %dma_wait3A_357 = tpu.memref_squeeze %dma_wait3A_356 : memref<1x1x1x8x128xf32, #tpu.memory_space<hbm>> -> memref<8x128xf32, #tpu.memory_space<hbm>>
    %dma_wait3A_358 = arith.constant 0 : i32
    %dma_wait3A_359 = arith.constant 0 : i32
    %dma_wait3A_360 = tpu.memref_slice %arg4[%dma_wait3A_347, %dma_wait3A_348, %dma_wait3A_349, %dma_wait3A_358, %dma_wait3A_359] : memref<200x8x32x8x128xf32, #tpu.memory_space<hbm>> -> memref<1x1x1x8x128xf32, #tpu.memory_space<hbm>>
    %dma_wait3A_361 = tpu.memref_squeeze %dma_wait3A_360 : memref<1x1x1x8x128xf32, #tpu.memory_space<hbm>> -> memref<8x128xf32, #tpu.memory_space<hbm>>
    %dma_wait3A_362 = arith.constant 0 : i32
    %dma_wait3A_363 = arith.constant 0 : i32
    %dma_wait3A_364 = tpu.memref_slice %arg7[%dma_wait3A_346, %dma_wait3A_362, %dma_wait3A_363] : memref<2x64x128xf32, #tpu.memory_space<vmem>> -> memref<1x8x128xf32, #tpu.memory_space<vmem>>
    %dma_wait3A_365 = tpu.memref_squeeze %dma_wait3A_364 : memref<1x8x128xf32, #tpu.memory_space<vmem>> -> memref<8x128xf32, #tpu.memory_space<vmem>>
    tpu.wait_dma2 semaphore(%arg10 : memref<!tpu.dma_semaphore, #tpu.memory_space<semaphore_mem>>) src(%dma_wait3A_365 : memref<8x128xf32, #tpu.memory_space<vmem>>) dst(%dma_wait3A_361 : memref<8x128xf32, #tpu.memory_space<hbm>>)
    return
  }
}

</mosaic_0001>

<sc_bundles>
// kernel: kernel.3.cloned.1.call-start
scs
__scs_entry_jumppad:
0x0: {  	(pc) =	sbr.rel $0x88, $3  }
0x1: {  	(tag) =	ssettag $0x0;
	lr =	simm.s32 $0x1  }
0x2: {  	[smem:$0x3F9F] =	sst lr;
	_ =	strace $0xD0000000  }
0x3: {  	_ = 	snop  }
0x4: {  	_ = 	snop  }
0x5: {  	_ = 	snop  }
0x6: {  	_ = 	snop  }
0x7: {  	_ = 	snop  }
__scs_overlays_trampoline_lowered:
0x8: {  	[smem:$0x3FAE] =	sst s0  }
0x9: {  	[smem:$0x3FAF] =	sst s1  }
0xa: {  	[smem:$0x3FB0] =	sst s2  }
0xb: {  	[smem:$0x3FB1] =	sst s3  }
0xc: {  	[smem:$0x3FB2] =	sst s4  }
0xd: {  	[smem:$0x3FB3] =	sst s5  }
0xe: {  	[smem:$0x3FB4] =	sst s6  }
0xf: {  	[smem:$0x3FB5] =	sst s7  }
0x10: {  	[smem:$0x3FB6] =	sst s8  }
0x11: {  	[smem:$0x3FB7] =	sst s9;
	s0 =	simm.s32 @!p0 $0x0  }
0x12: {  	s1 =	sld [smem:$0x3F9D];
	s0 =	simm.s32 @p0 $0x1  }
0x13: {  	[smem:$0x3FB8] =	sst s0;
	s0 =	simm.s32 @!p1 $0x0  }
0x14: {  	s2 =	sld [smem:$0x3F9C];
	s0 =	simm.s32 @p1 $0x1  }
0x15: {  	[smem:$0x3FB9] =	sst s0;
	s0 =	simm.s32 @!p2 $0x0  }
0x16: {  	s3 =	sld [smem:$0x3FDB];
	s0 =	simm.s32 @p2 $0x1  }
0x17: {  	s4 =	simm.s32 $0x1BF5;
	[smem:$0x3FBB] =	sst s0  }
0x18: {  	s0 =	sld [smem:$0x3F9E];
	_ =	swait.ge [sflag:s4], $0x0  }
0x19: {  	s7 =	sld [smem:$0x3F9F]  }
0x1a: {  	s8 =	sadd.s32 $0xFFFFE003, lr  }
0x1b: {  	s9 =	sadd.s32 $0xFFFFFEF7, lr;
	s5 =	simm.s32 $0xFFFFFFFF;
	p2 =	slt.u32 s8, $0xFFFFF086  }
0x1c: {  	p1 =	slt.u32 s9, $0xF7A;
	s5 =	simm.s32 @!p2 $0x0  }
0x1d: {  	s5 =	simm.s32 @p1 $0x1;
	p0 =	seq.s32 s7, s2  }
0x1e: {  	s7 =	smul.u32 @!p0 $0xF7A, s2;
	p2 =	seq.s32 @!p0 s5, $0x0  }
0x1f: {  	s9 =	smul.u32 $0xF7A, s1;
	s8 =	simm.s32 @!p0 $0x1BF5;
	p2 =	por !p2, p0  }
0x20: {  	[sflag:s8] =	ssyncset.s32 @!p0 $0xFFFFF086;
	s6 =	sadd.s32 @!p0 s3, s7;
	s7 =	simm.s32 @!p0 $0x108  }
0x21: {  	s3 =	sadd.s32 s3, s9;
	s6 =	sadd.s32 @!p0 $0x88, s6;
	s7 =	simm.s32 @p2 $0x1082  }
0x22: {  	[simem:s7], [sflag:s8] =	dma.local @!p0 [hbm:s6], $0xF7A  }
0x23: {  	s9 =	sor.u32 $0xD0000000, s2;
	s6 =	simm.s32 $0x108;
	_ =	swait.ge @!p0 [sflag:s8], $0x0  }
0x24: {  	s3 =	sadd.s32 $0x88, s3;
	s6 =	simm.s32 @!p1 $0x1082;
	[sflag:s4] =	ssyncset.s32 $0xFFFFF086  }
0x25: {  	[simem:s6], [sflag:s4] =	dma.local [hbm:s3], $0xF7A  }
0x26: {  	[smem:$0x3F9F] =	sst s1;
	(tag) =	ssettag s2;
	_ =	strace s9  }
0x27: {  	s1 =	sld [smem:$0x3FAF]  }
0x28: {  	s2 =	sld [smem:$0x3FB0]  }
0x29: {  	s4 =	sld [smem:$0x3FB2]  }
0x2a: {  	p0 =	seq.s32 s5, $0x0;
	s5 =	sld [smem:$0x3FB3]  }
0x2b: {  	s6 =	sld [smem:$0x3FB4]  }
0x2c: {  	s7 =	sld [smem:$0x3FB5]  }
0x2d: {  	s3 =	simm.s32 $0x108;
	s8 =	sld [smem:$0x3FB6]  }
0x2e: {  	s3 =	simm.s32 @!p0 $0x1082;
	s9 =	sld [smem:$0x3FB7]  }
0x2f: {  	lr =	sadd.s32 s0, s3;
	s0 =	sld [smem:$0x3FAE]  }
0x30: {  	s3 =	sld [smem:$0x3FB1]  }
0x31: {  	[smem:$0x3FBA] =	sst s10  }
0x32: {  	s10 =	sld [smem:$0x3FB8];
	_ =	sdelay $0x3  }
0x33: {  	p0 =	seq.s32 s10, $0x1;
	s10 =	sld [smem:$0x3FBA];
	_ =	sdelay $0x3  }
0x34: {  	[smem:$0x3FBA] =	sst s10  }
0x35: {  	s10 =	sld [smem:$0x3FB9];
	_ =	sdelay $0x3  }
0x36: {  	p1 =	seq.s32 s10, $0x1;
	s10 =	sld [smem:$0x3FBA];
	_ =	sdelay $0x3  }
0x37: {  	[smem:$0x3FBA] =	sst s10  }
0x38: {  	s10 =	sld [smem:$0x3FBB]  }
0x39: {  	_ = 	snop;
	(pc) =	sbr.ind lr, $3  }
0x3a: {  	_ = 	snop  }
0x3b: {  	_ = 	snop  }
0x3c: {  	p2 =	seq.s32 s10, $0x1;
	s10 =	sld [smem:$0x3FBA]  }
0x3d: {  	_ =	shalt  }
0x3e: {  	_ =	shalt  }
0x3f: {  	_ =	shalt  }
0x40: {  	_ =	shalt  }
0x41: {  	_ =	shalt  }
0x42: {  	_ =	shalt  }
0x43: {  	_ =	shalt  }
0x44: {  	_ =	shalt  }
0x45: {  	_ =	shalt  }
0x46: {  	_ =	shalt  }
0x47: {  	_ =	shalt  }
0x48: {  	_ =	shalt  }
0x49: {  	_ =	shalt  }
0x4a: {  	_ =	shalt  }
0x4b: {  	_ =	shalt  }
0x4c: {  	_ =	shalt  }
0x4d: {  	_ =	shalt  }
0x4e: {  	_ =	shalt  }
0x4f: {  	_ =	shalt  }
0x50: {  	_ =	shalt  }
0x51: {  	_ =	shalt  }
0x52: {  	_ =	shalt  }
0x53: {  	_ =	shalt  }
0x54: {  	_ =	shalt  }
0x55: {  	_ =	shalt  }
0x56: {  	_ =	shalt  }
0x57: {  	_ =	shalt  }
0x58: {  	_ =	shalt  }
0x59: {  	_ =	shalt  }
0x5a: {  	_ =	shalt  }
0x5b: {  	_ =	shalt  }
0x5c: {  	_ =	shalt  }
0x5d: {  	_ =	shalt  }
0x5e: {  	_ =	shalt  }
0x5f: {  	_ =	shalt  }
0x60: {  	_ =	shalt  }
0x61: {  	_ =	shalt  }
0x62: {  	_ =	shalt  }
0x63: {  	_ =	shalt  }
0x64: {  	_ =	shalt  }
0x65: {  	_ =	shalt  }
0x66: {  	_ =	shalt  }
0x67: {  	_ =	shalt  }
0x68: {  	_ =	shalt  }
0x69: {  	_ =	shalt  }
0x6a: {  	_ =	shalt  }
0x6b: {  	_ =	shalt  }
0x6c: {  	_ =	shalt  }
0x6d: {  	_ =	shalt  }
0x6e: {  	_ =	shalt  }
0x6f: {  	_ =	shalt  }
0x70: {  	_ =	shalt  }
0x71: {  	_ =	shalt  }
0x72: {  	_ =	shalt  }
0x73: {  	_ =	shalt  }
0x74: {  	_ =	shalt  }
0x75: {  	_ =	shalt  }
0x76: {  	_ =	shalt  }
0x77: {  	_ =	shalt  }
0x78: {  	_ =	shalt  }
0x79: {  	_ =	shalt  }
0x7a: {  	_ =	shalt  }
0x7b: {  	_ =	shalt  }
0x7c: {  	_ =	shalt  }
0x7d: {  	_ =	shalt  }
0x7e: {  	_ =	shalt  }
0x7f: {  	_ =	shalt  }
0x80: {  	_ =	shalt  }
0x81: {  	_ =	shalt  }
0x82: {  	_ =	shalt  }
0x83: {  	_ =	shalt  }
0x84: {  	_ =	shalt  }
0x85: {  	_ =	shalt  }
0x86: {  	_ =	shalt  }
0x87: {  	_ =	shalt  }
.Lfunc_end0:
.L_simem_size_0:
called_computation_lowered:
.L_overlay_start_0:
0x88: {  	s2 =	sld [smem:$0x3FD9]  }
0x89: {  	s3 =	sld [smem:$0x3FFE];
	_ =	sdelay $0x1  }
0x8a: {  	s1 =	srdreg.scid  }
0x8b: {  	s0 =	sand.u32 $0x1, s1  }
0x8c: {  	s17 =	sshll.u32 s0, $0xA;
	s2 =	sadd.s32 s3, s2  }
0x8d: {  	s2 =	sadd.s32 s2, s17  }
0x8e: {  	[smem:$0x3FC6] =	sst s2  }
0x8f: {  	_ = 	snop  }
0x90: {  	s2 =	sld [smem:$0x3FD0];
	(tm) =	ssettm $0x1  }
0x91: {  	s18 =	sld [smem:$0x3FFB];
	_ =	sdelay $0x3  }
0x92: {  	_ =	strace s18  }
0x93: {  	s3 =	sld [smem:$0x3FFC];
	_ =	sdelay $0x3  }
0x94: {  	_ =	strace s3  }
0x95: {  	s3 =	sld [smem:$0x3FFD];
	_ =	sdelay $0x3  }
0x96: {  	_ =	strace s3  }
0x97: {  	_ =	strace $0x8FFFFFFF  }
0x98: {  	s19 =	sld [smem:$0x3FDB];
	_ =	sdelay $0x1  }
0x99: {  	s4 =	simm.s32 $_scs_section_size  }
0x9a: {  	s5 =	simm.s32 $_size__tile_overlayer_lowered;
	s6 =	simm.s32 $_tile_overlayer_lowered  }
0x9b: {  	s22 =	simm.s32 $0x1BFF;
	s21 =	sshll.u32 s6, $0x1;
	s3 =	sadd.s32 s4, s19  }
0x9c: {  	s7 =	simm.s32 $0x0;
	s20 =	sshll.u32 s5, $0x1;
	s5 =	sadd.s32 s21, s3  }
0x9d: {  	[timem:s7], [sflag:s22] =	dma.local [hbm:s5], s20  }
0x9e: {  	_ =	swait.ge [sflag:s22], s20  }
0x9f: {  	s4 =	ssub.s32 $0x0, s20;
	[sflag:s22] =	ssyncset.done $0x0  }
0xa0: {  	[sflag:s22] =	ssyncadd.s32 s4;
	_ =	sdelay $0x1  }
0xa1: {  	s23 =	simm.s32 $0x1B8B  }
0xa2: {  	_ =	swait.ge [sflag:s23], $0x1  }
0xa3: {  	[sflag:s23] =	ssyncset.done $0x0  }
0xa4: {  	s25 =	simm.s32 $0x1B8E;
	s24 =	sld [smem:$0x3FFE];
	[sflag:s23] =	ssyncadd.s32 $0xFFFFFFFF  }
0xa5: {  	s26 =	simm.s32 $execute0_lowered;
	[smem:$0x3FD2] =	sst s25  }
0xa6: {  	s5 =	sshll.u32 s26, $0x1;
	_ =	strace $0x80000046;
	[dreg:$0x1] =	wrdreg $0xFFFFFFFF  }
0xa7: {  	s28 =	simm.s32 $_size_execute0_lowered;
	s3 =	sadd.s32 s3, s5;
	[dreg:$0x0] =	wrdreg $0x0  }
0xa8: {  	s5 =	sshll.u32 s28, $0x1;
	[dreg:$0x2] =	wrdreg s3  }
0xa9: {  	[dreg:$0x3] =	wrdreg s5  }
0xaa: {  	[dreg:$0x4] =	wrdreg $0xC0  }
0xab: {  	_ =	task [dreg:s7], $0x5FFFF  }
0xac: {  	[dreg:$0x1] =	wrdreg $0xFFFFFFFF  }
0xad: {  	[dreg:$0x0] =	wrdreg $0x60  }
0xae: {  	[dreg:$0x2] =	wrdreg s24  }
0xaf: {  	[dreg:$0x3] =	wrdreg s2  }
0xb0: {  	[dreg:$0x4] =	wrdreg $0xE4000  }
0xb1: {  	[dreg:$0x5] =	wrdreg $0x9  }
0xb2: {  	_ =	task.clear_ibuf [dreg:s7], $0x6FFFF;
	_ =	strace $0x90000046  }
0xb3: {  	s29 =	simm.s32 $0x9;
	_ =	strace $0x80000048  }
0xb4: {  	_ =	swait.ge [sflag:s29], $0x1  }
0xb5: {  	[sflag:s29] =	ssyncadd.s32 $0xFFFFFFFF  }
0xb6: {  	_ =	strace $0x90000048  }
0xb7: {  	_ =	sfence  }
0xb8: {  	s30 =	sld [smem:$0x0];
	_ =	sdelay $0x2  }
0xb9: {  	s31 =	sshll.u32 s1, $0xD;
	s1 =	sshrl.u32 s1, $0x2  }
0xba: {  	s3 =	sand.u32 $0x4000, s31;
	s1 =	sadd.s32 s1, s30  }
0xbb: {  	s0 =	sor.u32 s3, s0;
	s1 =	sshll.u32 s1, $0x11  }
0xbc: {  	s0 =	sor.u32 s1, s0  }
0xbd: {  	s0 =	sadd.s32 $0x8F2B, s0  }
0xbe: {  	[sflag:s0] =	ssyncadd.remote.s32 $0x1  }
0xbf: {  	_ =	sfence.sel $0xFFFF  }
0xc0: {  	[dreg:$0x0] =	wrdreg $0xFFFFFFFF;
	(pc) =	sbr.abs _section_cstart, $3  }
0xc1: {  	[dreg:$0x1] =	wrdreg $0xFFFFFFFF  }
0xc2: {  	_ =	task.clear_ibuf [dreg:s7], $0x2FFFF;
	_ =	strace $0x9FFFFFFF  }
0xc3: {  	(tm) =	ssettm $0x7FFFFFFF  }
tec
execute0_lowered:
.L_overlay_start_1:
0x0: {  	(tag) =	ssettag $0x1  }
0x1: {  	s0 =	rddreg [dreg:$0x0]  }
0x2: {  	s2 =	rddreg [dreg:$0x1]  }
0x3: {  	s1 =	srdreg.scid;
	s15 =	stileid.u32  }
0x4: {  	s3 =	rddreg [dreg:$0x2];
	s4 =	simm.s32 $0x0;
	s19 =	simm.s32 $0x80  }
0x5: {  	s20 =	simm.s32 $0x6400;
	s21 =	simm.s32 $0x8400;
	s22 =	simm.s32 $0x1  }
0x6: {  	s23 =	simm.s32 $0xA400;
	s17 =	simm.s32 $0xD800;
	s18 =	simm.s32 $0xDC00  }
0x7: {  	s16 =	simm.s32 $0xE000;
	s24 =	simm.s32 $0x2;
	s1 =	sand.u32 $0x1, s1  }
0x8: {  	s5 =	sshll.u32 s15, $0x1;
	[smem:$0x7FF] =	sst s4;
	s7 =	sshll.u32 s15, $0xC  }
0x9: {  	s8 =	sshll.u32 s15, $0xF;
	s9 =	sadd.s32 $0x2000, s2;
	s10 =	sadd.s32 $0x3000, s2  }
0xa: {  	s11 =	sadd.s32 $0x4000, s2;
	s12 =	sadd.s32 $0x5000, s2;
	s13 =	sadd.s32 $0x6000, s2  }
0xb: {  	s14 =	sadd.s32 $0x7000, s2;
	s30 =	sshll.u32 s15, $0x6;
	s15 =	simm.s32 $0xD400  }
0xc: {  	s5 =	sor.u32 s1, s5;
	_ =	strace $0x80000047;
	s1 =	ssub.s32 $0x2, s1  }
0xd: {  	s28 =	sadd.s32 s8, s3;
	s6 =	smul.u32 $0xC80, s5;
	s26 =	sshrl.u32 s1, $0x1  }
0xe: {  	v0 =	vlaneseq.u32;
	s8 =	sadd.s32 $0x1000, s2;
	s31 =	sshrl.u32 s28, $0x3;
	s1 =	ssub.s32 s1, s26  }
0xf: {  	v1 =	vmul.u32 $0x40, v0;
	v3 =	vor.u32 $0x10, v0;
	v5 =	vor.u32 $0x20, v0;
	[dreg:$0x8] =	wrdreg s31;
	s6 =	sadd.s32 s6, s0;
	s29 =	smax.u32 s1, $0x1  }
0x10: {  	v7 =	vor.u32 $0x30, v0;
	v9 =	vor.u32 $0x40, v0;
	v11 =	vor.u32 $0x50, v0;
	s0 =	sadd.s32 s7, s0;
	s6 =	sadd.s32 $0x600, s6;
	[dreg:$0x6] =	wrdreg s29  }
0x11: {  	v13 =	vor.u32 $0x60, v0;
	v15 =	vor.u32 $0x70, v0;
	v2 =	vor.u32 $0x400, v1;
	s7 =	smul.u32 $0xC8, s5;
	s0 =	sadd.s32 $0x19600, s0;
	[dreg:$0x4] =	wrdreg s6  }
0x12: {  	v4 =	vor.u32 $0x800, v1;
	v6 =	vor.u32 $0xC00, v1;
	v8 =	vor.u32 $0x1000, v1;
	s1 =	simm.s32 $0xC400;
	[dreg:$0x5] =	wrdreg s0;
	s0 =	sor.u32 $0x1C03, s30  }
0x13: {  	v10 =	vor.u32 $0x1400, v1;
	v12 =	vor.u32 $0x1800, v1;
	v14 =	vor.u32 $0x1C00, v1;
	s5 =	simm.s32 $0x0;
	s6 =	simm.s32 $0xD000;
	[dreg:$0x7] =	wrdreg s0  }
.LBB2_1:
0x14: {  	[dreg:$0x9] =	wrdreg s5  }
0x15: {  	s0 =	rddreg [dreg:$0x4];
	s30 =	simm.s32 $0x3  }
0x16: {  	[tilespmem:s4], [sflag:$0x3] =	stream.linear.gather [hbm4b:s0+s4], $0x6400, $0x38;
	[tilespmem:$0x16400] =	vst v63  }
0x17: {  	_ =	swait.ge [sflag:s30], $0x6400  }
0x18: {  	s31 =	rddreg [dreg:$0x5]  }
0x19: {  	[sflag:s30] =	ssyncset.done $0x0;
	s25 =	rddreg [dreg:$0x7]  }
0x1a: {  	s26 =	rddreg [dreg:$0x8];
	[sflag:s30] =	ssyncadd.s32 $0xFFFF9C00  }
0x1b: {  	[spmem:s26], [sflag:s25] =	dma.local [hbm:s31], $0x1000  }
0x1c: {  	_ =	swait.ge [sflag:s30], $0x1000  }
0x1d: {  	[sflag:s30] =	ssyncset.done $0x0  }
0x1e: {  	[sflag:s30] =	ssyncadd.s32 $0xFFFFF000  }
0x1f: {  	s26 =	simm.s32 $0x0;
	[bflag:$0x0] =	sbarrier.arrive $0xFFFF  }
0x20: {  	[tilespmem:s20], [sflag:$0x1] =	stream.indirect.gather [spmem:s3], $0x40, s4, s19, $0xb8;
	[tilespmem:$0x16400] =	vst v63  }
.LBB2_2:
0x21: {  	p0 =	seq.s32 s26, $0x0  }
0x22: {  	s29 =	simm.s32 @!p0 $0x2  }
0x23: {  	_ =	swait.ge @!p0 [sflag:s29], $0x400  }
0x24: {  	[sflag:s29] =	ssyncset.done @!p0 $0x0  }
0x25: {  	[sflag:s29] =	ssyncadd.s32 @!p0 $0xFFFFFC00  }
0x26: {  	_ =	swait.ge @!p0 [sflag:s29], $0x400  }
0x27: {  	[sflag:s29] =	ssyncset.done @!p0 $0x0  }
0x28: {  	[sflag:s29] =	ssyncadd.s32 @!p0 $0xFFFFFC00  }
0x29: {  	_ =	swait.ge @!p0 [sflag:s29], $0x400  }
0x2a: {  	[sflag:s29] =	ssyncset.done @!p0 $0x0  }
0x2b: {  	[sflag:s29] =	ssyncadd.s32 @!p0 $0xFFFFFC00  }
0x2c: {  	_ =	swait.ge @!p0 [sflag:s29], $0x400  }
0x2d: {  	[sflag:s29] =	ssyncset.done @!p0 $0x0  }
0x2e: {  	[sflag:s29] =	ssyncadd.s32 @!p0 $0xFFFFFC00  }
0x2f: {  	_ =	swait.ge @!p0 [sflag:s29], $0x400  }
0x30: {  	[sflag:s29] =	ssyncset.done @!p0 $0x0  }
0x31: {  	[sflag:s29] =	ssyncadd.s32 @!p0 $0xFFFFFC00  }
0x32: {  	_ =	swait.ge @!p0 [sflag:s29], $0x400  }
0x33: {  	s25 =	simm.s32 $0x1;
	s28 =	simm.s32 $0x2;
	[sflag:s29] =	ssyncset.done @!p0 $0x0  }
0x34: {  	s30 =	simm.s32 $0x0;
	s0 =	simm.s32 $0x3;
	v16 =	vadd.s32 s25, v0;
	[sflag:s29] =	ssyncadd.s32 @!p0 $0xFFFFFC00  }
0x35: {  	v17 =	vadd.s32 s28, v0;
	v18 =	vadd.s32 s30, v0;
	v21 =	vadd.s32 s0, v0;
	_ =	swait.ge @!p0 [sflag:s29], $0x400  }
0x36: {  	s30 =	sand.u32 $0x30, s30;
	v19 =	vand.u32 $0xF, v16;
	v20 =	vand.u32 $0xF, v17;
	v22 =	vand.u32 $0xF, v18;
	[sflag:s29] =	ssyncset.done @!p0 $0x0  }
0x37: {  	s28 =	sshll.u32 s26, $0x1;
	v17 =	vand.u32 $0x7, v17;
	v16 =	vand.u32 $0x7, v16;
	v19 =	vor.u32 s30, v19;
	[sflag:s29] =	ssyncadd.s32 @!p0 $0xFFFFFC00  }
0x38: {  	s25 =	sor.u32 $0x1, s28;
	v18 =	vand.u32 $0x7, v18;
	v20 =	vor.u32 s30, v20;
	v23 =	vand.u32 $0x38, v19;
	_ =	swait.ge @!p0 [sflag:s29], $0x400  }
0x39: {  	v22 =	vor.u32 s30, v22;
	s31 =	sshll.u32 s25, $0x7;
	v24 =	vand.u32 $0x38, v20;
	v31 =	vor.u32 v16, v23;
	[sflag:s29] =	ssyncset.done @!p0 $0x0  }
0x3a: {  	v16 =	vand.u32 $0x38, v22;
	v23 =	vand.u32 $0xF, v21;
	v25 =	vor.u32 v1, v31;
	[sflag:s29] =	ssyncadd.s32 @!p0 $0xFFFFFC00;
	s29 =	sand.u32 $0x3FFFFF80, s31  }
0x3b: {  	v36 =	vor.u32 v17, v24;
	v33 =	vor.u32 v18, v16;
	v17 =	vor.u32 s30, v23;
	[tilespmem:s21], [sflag:$0x1] =	stream.indirect.gather [spmem:s3], $0x40, s29, s19, $0xb8;
	[tilespmem:$0x16400] =	vst v63  }
0x3c: {  	v16 =	vand.u32 $0x7, v21;
	v18 =	vor.u32 v1, v33;
	v23 =	vand.u32 $0x38, v17;
	_ =	swait.ge [sflag:s22], $0x2000  }
0x3d: {  	v21 =	vor.u32 v1, v36;
	v16 =	vor.u32 v16, v23;
	[sflag:s22] =	ssyncset.done $0x0  }
0x3e: {  	v38 =	vshll.u32 v19, $0x7;
	v24 =	vor.u32 v1, v16;
	[sflag:s22] =	ssyncadd.s32 $0xFFFFE000  }
0x3f: {  	v37 =	vshll.u32 v22, $0x7;
	v19 =	vor.u32 v0, v38;
	v22 =	vld.idx.msk [tilespmem:v25+s20+$0x0], $0xffff;
	_ =	sdelay $0x1  }
0x40: {  	v34 =	vshll.u32 v20, $0x7;
	v20 =	vor.u32 v2, v31;
	v18 =	vld.idx.msk [tilespmem:v18+s20+$0x0], $0xffff;
	v25 =	vor.u32 v0, v37  }
0x41: {  	v26 =	vor.u32 v0, v34;
	v27 =	vor.u32 v2, v33;
	v23 =	vshll.u32 v17, $0x7;
	v21 =	vld.idx.msk [tilespmem:v21+s20+$0x0], $0xffff  }
0x42: {  	v17 =	vor.u32 v2, v36;
	v28 =	vor.u32 v0, v23;
	v24 =	vld.idx.msk [tilespmem:v24+s20+$0x0], $0xffff  }
0x43: {  	[tilespmem:v19+s23+$0x0] =	vst.idx.msk $0xffff, v22;
	v19 =	vor.u32 v2, v16;
	_ =	sdelay $0x1  }
0x44: {  	[tilespmem:v25+s23+$0x0] =	vst.idx.msk $0xffff, v18;
	v18 =	vld.idx.msk [tilespmem:v20+s20+$0x0], $0xffff;
	v20 =	vor.u32 v3, v38  }
0x45: {  	[tilespmem:v26+s23+$0x0] =	vst.idx.msk $0xffff, v21;
	v22 =	vor.u32 v3, v37;
	v25 =	vor.u32 v4, v31;
	v21 =	vld.idx.msk [tilespmem:v27+s20+$0x0], $0xffff  }
0x46: {  	v39 =	vor.u32 v9, v34;
	v26 =	vor.u32 v3, v34;
	[tilespmem:v28+s23+$0x0] =	vst.idx.msk $0xffff, v24;
	v17 =	vld.idx.msk [tilespmem:v17+s20+$0x0], $0xffff  }
0x47: {  	v41 =	vor.u32 v7, v34;
	v24 =	vor.u32 v4, v33;
	v27 =	vor.u32 v3, v23;
	v19 =	vld.idx.msk [tilespmem:v19+s20+$0x0], $0xffff  }
0x48: {  	s0 =	simm.s32 $0x7;
	v43 =	vor.u32 v7, v38;
	v48 =	vor.u32 v7, v37;
	v30 =	vor.u32 v8, v36  }
0x49: {  	v49 =	vadd.s32 s0, v0;
	v46 =	vor.u32 v8, v31;
	[tilespmem:v20+s23+$0x0] =	vst.idx.msk $0xffff, v18;
	v18 =	vor.u32 v4, v16  }
0x4a: {  	v28 =	vor.u32 v4, v36;
	[tilespmem:v22+s23+$0x0] =	vst.idx.msk $0xffff, v21;
	v21 =	vor.u32 v5, v38;
	v20 =	vld.idx.msk [tilespmem:v25+s20+$0x0], $0xffff  }
0x4b: {  	v52 =	vand.u32 $0x7, v49;
	v61 =	vor.u32 v12, v31;
	[tilespmem:v26+s23+$0x0] =	vst.idx.msk $0xffff, v17;
	v17 =	vor.u32 v6, v31  }
0x4c: {  	v29 =	vor.u32 v10, v33;
	[tilespmem:v27+s23+$0x0] =	vst.idx.msk $0xffff, v19;
	v19 =	vld.idx.msk [tilespmem:v24+s20+$0x0], $0xffff;
	v24 =	vor.u32 v5, v37  }
0x4d: {  	v45 =	vor.u32 v8, v33;
	v40 =	vor.u32 v9, v23;
	v32 =	vor.u32 v5, v23  }
0x4e: {  	v35 =	vor.u32 v8, v16;
	v42 =	vor.u32 v6, v16;
	v44 =	vor.u32 v7, v23;
	v18 =	vld.idx.msk [tilespmem:v18+s20+$0x0], $0xffff  }
0x4f: {  	s29 =	simm.s32 $0x4;
	v22 =	vor.u32 v5, v34;
	v25 =	vor.u32 v6, v33;
	v28 =	vld.idx.msk [tilespmem:v28+s20+$0x0], $0xffff;
	[tilespmem:v21+s23+$0x0] =	vst.idx.msk $0xffff, v20  }
0x50: {  	s30 =	simm.s32 $0x5;
	v62 =	vor.u32 v10, v16;
	v47 =	vadd.s32 s29, v0;
	v26 =	vor.u32 v10, v31;
	v17 =	vld.idx.msk [tilespmem:v17+s20+$0x0], $0xffff  }
0x51: {  	s5 =	simm.s32 $0x6;
	v27 =	vor.u32 v9, v37;
	v20 =	vor.u32 v6, v36;
	[tilespmem:v24+s23+$0x0] =	vst.idx.msk $0xffff, v19;
	v19 =	vadd.s32 s30, v0  }
0x52: {  	v21 =	vor.u32 v9, v38;
	v24 =	vadd.s32 s5, v0;
	v50 =	vand.u32 $0xF, v19  }
0x53: {  	s31 =	sand.u32 $0x30, s29;
	v51 =	vand.u32 $0xF, v24;
	[tilespmem:v32+s23+$0x0] =	vst.idx.msk $0xffff, v18;
	v18 =	vand.u32 $0xF, v47;
	v24 =	vand.u32 $0x7, v24  }
0x54: {  	[tilespmem:v22+s23+$0x0] =	vst.idx.msk $0xffff, v28;
	v25 =	vld.idx.msk [tilespmem:v25+s20+$0x0], $0xffff;
	v50 =	vor.u32 s31, v50;
	v63 =	vor.u32 s31, v51;
	v18 =	vor.u32 s31, v18  }
0x55: {  	v28 =	vld.idx.msk [tilespmem:v42+s20+$0x0], $0xffff;
	v22 =	vand.u32 $0x38, v50;
	v53 =	vand.u32 $0x38, v63;
	[tilespmem:v43+s23+$0x0] =	vst.idx.msk $0xffff, v17;
	v17 =	vand.u32 $0x7, v19  }
0x56: {  	v56 =	vld.idx.msk [tilespmem:v20+s20+$0x0], $0xffff;
	v19 =	vor.u32 v24, v53;
	v22 =	vor.u32 v17, v22;
	v24 =	vand.u32 $0xF, v49  }
0x57: {  	v54 =	vld.idx.msk [tilespmem:v46+s20+$0x0], $0xffff;
	v17 =	vshll.u32 v63, $0x7;
	v63 =	vor.u32 v11, v38;
	v55 =	vor.u32 v1, v19  }
0x58: {  	v57 =	vor.u32 v1, v22;
	v20 =	vor.u32 s31, v24;
	v24 =	vand.u32 $0x38, v18  }
0x59: {  	v18 =	vshll.u32 v18, $0x7;
	v46 =	vor.u32 v2, v19;
	[tilespmem:v48+s23+$0x0] =	vst.idx.msk $0xffff, v25;
	v25 =	vand.u32 $0x7, v47  }
0x5a: {  	v53 =	vor.u32 v2, v22;
	v45 =	vld.idx.msk [tilespmem:v45+s20+$0x0], $0xffff;
	[tilespmem:v44+s23+$0x0] =	vst.idx.msk $0xffff, v28;
	v25 =	vor.u32 v25, v24  }
0x5b: {  	v58 =	vand.u32 $0x38, v20;
	v20 =	vshll.u32 v20, $0x7;
	[tilespmem:v41+s23+$0x0] =	vst.idx.msk $0xffff, v56;
	v28 =	vld.idx.msk [tilespmem:v35+s20+$0x0], $0xffff;
	v59 =	vor.u32 v1, v25  }
0x5c: {  	v24 =	vor.u32 v52, v58;
	v41 =	vor.u32 v0, v17;
	v60 =	vld.idx.msk [tilespmem:v30+s20+$0x0], $0xffff;
	[tilespmem:v21+s23+$0x0] =	vst.idx.msk $0xffff, v54  }
0x5d: {  	v52 =	vor.u32 v10, v36;
	v58 =	vor.u32 v12, v33;
	v47 =	vor.u32 v1, v24;
	v42 =	vld.idx.msk [tilespmem:v26+s20+$0x0], $0xffff  }
0x5e: {  	v32 =	vor.u32 v4, v25;
	v35 =	vor.u32 v3, v20;
	v21 =	vshll.u32 v50, $0x7;
	v48 =	vld.idx.msk [tilespmem:v57+s20+$0x0], $0xffff  }
0x5f: {  	v30 =	vor.u32 v14, v33;
	v33 =	vor.u32 v15, v38;
	v49 =	vor.u32 v0, v21;
	v43 =	vld.idx.msk [tilespmem:v55+s20+$0x0], $0xffff  }
0x60: {  	v54 =	vor.u32 v0, v20;
	v50 =	vor.u32 v2, v25;
	[tilespmem:v27+s23+$0x0] =	vst.idx.msk $0xffff, v45;
	v44 =	vld.idx.msk [tilespmem:v59+s20+$0x0], $0xffff  }
0x61: {  	v26 =	vor.u32 v15, v34;
	v55 =	vor.u32 v0, v18;
	[tilespmem:v40+s23+$0x0] =	vst.idx.msk $0xffff, v28;
	v56 =	vld.idx.msk [tilespmem:v29+s20+$0x0], $0xffff  }
0x62: {  	v57 =	vor.u32 v11, v37;
	v27 =	vor.u32 v15, v37;
	v47 =	vld.idx.msk [tilespmem:v47+s20+$0x0], $0xffff;
	[tilespmem:v39+s23+$0x0] =	vst.idx.msk $0xffff, v60  }
0x63: {  	v37 =	vor.u32 v13, v37;
	v28 =	vor.u32 v15, v23;
	v60 =	vld.idx.msk [tilespmem:v62+s20+$0x0], $0xffff;
	[tilespmem:v63+s23+$0x0] =	vst.idx.msk $0xffff, v42  }
0x64: {  	v29 =	vor.u32 v14, v36;
	v40 =	vld.idx.msk [tilespmem:v52+s20+$0x0], $0xffff;
	[tilespmem:v49+s23+$0x0] =	vst.idx.msk $0xffff, v48;
	v63 =	vor.u32 v11, v23  }
0x65: {  	v59 =	vor.u32 v13, v38;
	[tilespmem:v41+s23+$0x0] =	vst.idx.msk $0xffff, v43;
	v51 =	vld.idx.msk [tilespmem:v61+s20+$0x0], $0xffff;
	v61 =	vor.u32 v2, v24  }
0x66: {  	v39 =	vor.u32 v11, v34;
	v42 =	vor.u32 v12, v16;
	v45 =	vld.idx.msk [tilespmem:v46+s20+$0x0], $0xffff;
	[tilespmem:v55+s23+$0x0] =	vst.idx.msk $0xffff, v44  }
0x67: {  	v36 =	vor.u32 v12, v36;
	v49 =	vor.u32 v3, v21;
	v44 =	vld.idx.msk [tilespmem:v53+s20+$0x0], $0xffff;
	[tilespmem:v57+s23+$0x0] =	vst.idx.msk $0xffff, v56  }
0x68: {  	v48 =	vor.u32 v3, v18;
	[tilespmem:v54+s23+$0x0] =	vst.idx.msk $0xffff, v47;
	v43 =	vld.idx.msk [tilespmem:v50+s20+$0x0], $0xffff;
	v50 =	vor.u32 v4, v22  }
0x69: {  	v38 =	vor.u32 v14, v31;
	v46 =	vor.u32 v3, v17;
	v41 =	vld.idx.msk [tilespmem:v58+s20+$0x0], $0xffff;
	[tilespmem:v63+s23+$0x0] =	vst.idx.msk $0xffff, v60  }
0x6a: {  	s29 =	simm.s32 $0x8;
	v34 =	vor.u32 v13, v34;
	v47 =	vor.u32 v4, v19;
	[tilespmem:v59+s23+$0x0] =	vst.idx.msk $0xffff, v51;
	v51 =	vld.idx.msk [tilespmem:v61+s20+$0x0], $0xffff  }
.LBB2_3:
0x6b: {  	p1 =	slt.u32 s29, $0x3C;
	[tilespmem:v39+s23+$0x0] =	vst.idx.msk $0xffff, v40;
	v40 =	vld.idx.msk [tilespmem:v42+s20+$0x0], $0xffff;
	v23 =	vor.u32 v13, v23;
	v16 =	vor.u32 v14, v16;
	s30 =	smov.u32 s29;
	s29 =	sadd.s32 $0x4, s29  }
0x6c: {  	v31 =	vor.u32 v9, v17;
	v42 =	vor.u32 v4, v24;
	[tilespmem:v49+s23+$0x0] =	vst.idx.msk $0xffff, v44;
	v44 =	vld.idx.msk [tilespmem:v36+s20+$0x0], $0xffff  }
0x6d: {  	v36 =	vor.u32 v10, v25;
	[tilespmem:v48+s23+$0x0] =	vst.idx.msk $0xffff, v43;
	v43 =	vld.idx.msk [tilespmem:v50+s20+$0x0], $0xffff;
	v48 =	vor.u32 v8, v19  }
0x6e: {  	v39 =	vor.u32 v9, v20;
	v49 =	vor.u32 v5, v21;
	[tilespmem:v46+s23+$0x0] =	vst.idx.msk $0xffff, v45;
	v38 =	vld.idx.msk [tilespmem:v38+s20+$0x0], $0xffff  }
0x6f: {  	v45 =	vor.u32 v6, v22;
	v46 =	vor.u32 v10, v22;
	v47 =	vld.idx.msk [tilespmem:v47+s20+$0x0], $0xffff;
	[tilespmem:v37+s23+$0x0] =	vst.idx.msk $0xffff, v41  }
0x70: {  	v37 =	vor.u32 v5, v17;
	v41 =	vor.u32 v7, v17;
	v32 =	vld.idx.msk [tilespmem:v32+s20+$0x0], $0xffff;
	[tilespmem:v35+s23+$0x0] =	vst.idx.msk $0xffff, v51  }
0x71: {  	v50 =	vor.u32 v9, v18;
	v35 =	vor.u32 v5, v18;
	v42 =	vld.idx.msk [tilespmem:v42+s20+$0x0], $0xffff;
	[tilespmem:v23+s23+$0x0] =	vst.idx.msk $0xffff, v40  }
0x72: {  	v23 =	vor.u32 v6, v25;
	v40 =	vor.u32 v5, v20;
	[tilespmem:v34+s23+$0x0] =	vst.idx.msk $0xffff, v44;
	v16 =	vld.idx.msk [tilespmem:v16+s20+$0x0], $0xffff  }
0x73: {  	v34 =	vor.u32 v9, v21;
	[tilespmem:v49+s23+$0x0] =	vst.idx.msk $0xffff, v43;
	v43 =	vor.u32 v8, v24;
	v30 =	vld.idx.msk [tilespmem:v30+s20+$0x0], $0xffff  }
0x74: {  	v49 =	vor.u32 v6, v24;
	v44 =	vld.idx.msk [tilespmem:v45+s20+$0x0], $0xffff;
	v45 =	vor.u32 v6, v19;
	[tilespmem:v33+s23+$0x0] =	vst.idx.msk $0xffff, v38  }
0x75: {  	v33 =	vor.u32 v7, v21;
	[tilespmem:v37+s23+$0x0] =	vst.idx.msk $0xffff, v47;
	v47 =	vor.u32 v7, v20;
	v29 =	vld.idx.msk [tilespmem:v29+s20+$0x0], $0xffff  }
0x76: {  	v38 =	vmov v19;
	[tilespmem:v35+s23+$0x0] =	vst.idx.msk $0xffff, v32;
	v32 =	vor.u32 v8, v25;
	v35 =	vor.u32 v8, v22  }
0x77: {  	v53 =	vor.u32 v7, v18;
	s0 =	sadd.s32 $0x1, s30;
	s31 =	sadd.s32 $0x2, s30;
	s5 =	sadd.s32 $0x3, s30;
	v51 =	vadd.s32 s30, v0;
	v37 =	vmov v22;
	v52 =	vld.idx.msk [tilespmem:v23+s20+$0x0], $0xffff;
	[tilespmem:v40+s23+$0x0] =	vst.idx.msk $0xffff, v42  }
0x78: {  	v54 =	vmovc v25;
	v19 =	vadd.s32 s0, v0;
	v22 =	vadd.s32 s31, v0;
	v40 =	vadd.s32 s5, v0;
	v42 =	vmovc v17;
	[tilespmem:v28+s23+$0x0] =	vst.idx.msk $0xffff, v16  }
0x79: {  	s0 =	sand.u32 $0x30, s30;
	v17 =	vand.u32 $0xF, v19;
	v56 =	vand.u32 $0xF, v22;
	v28 =	vand.u32 $0x7, v40;
	v16 =	vmovc v24;
	v25 =	vld.idx.msk [tilespmem:v49+s20+$0x0], $0xffff;
	[tilespmem:v27+s23+$0x0] =	vst.idx.msk $0xffff, v30  }
0x7a: {  	v23 =	vmovc v20;
	v24 =	vand.u32 $0xF, v51;
	v27 =	vor.u32 s0, v17;
	v17 =	vor.u32 s0, v56;
	[tilespmem:v33+s23+$0x0] =	vst.idx.msk $0xffff, v44;
	v30 =	vld.idx.msk [tilespmem:v45+s20+$0x0], $0xffff  }
0x7b: {  	v55 =	vmovc v18;
	v22 =	vand.u32 $0x7, v22;
	v20 =	vand.u32 $0x38, v27;
	v44 =	vand.u32 $0x38, v17;
	v35 =	vld.idx.msk [tilespmem:v35+s20+$0x0], $0xffff;
	[tilespmem:v26+s23+$0x0] =	vst.idx.msk $0xffff, v29  }
0x7c: {  	v18 =	vor.u32 s0, v24;
	v24 =	vand.u32 $0x7, v19;
	v33 =	vmovc v21;
	v19 =	vor.u32 v22, v44  }
0x7d: {  	v22 =	vor.u32 v24, v20;
	v20 =	vand.u32 $0xF, v40;
	v29 =	vor.u32 v1, v19;
	[tilespmem:v53+s23+$0x0] =	vst.idx.msk $0xffff, v52  }
0x7e: {  	v17 =	vshll.u32 v17, $0x7;
	v26 =	vor.u32 v1, v22;
	v20 =	vor.u32 s0, v20;
	v40 =	vld.idx.msk [tilespmem:v32+s20+$0x0], $0xffff  }
0x7f: {  	v21 =	vand.u32 $0x38, v18;
	v24 =	vand.u32 $0x7, v51;
	v32 =	vand.u32 $0x38, v20;
	[tilespmem:v47+s23+$0x0] =	vst.idx.msk $0xffff, v25  }
0x80: {  	v20 =	vshll.u32 v20, $0x7;
	v25 =	vor.u32 v24, v21;
	v24 =	vor.u32 v28, v32;
	v28 =	vld.idx.msk [tilespmem:v43+s20+$0x0], $0xffff  }
0x81: {  	v18 =	vshll.u32 v18, $0x7;
	v43 =	vor.u32 v1, v25;
	v44 =	vor.u32 v1, v24;
	[tilespmem:v34+s23+$0x0] =	vst.idx.msk $0xffff, v35  }
0x82: {  	v21 =	vshll.u32 v27, $0x7;
	v32 =	vor.u32 v4, v25;
	v35 =	vor.u32 v3, v20;
	v34 =	vld.idx.msk [tilespmem:v46+s20+$0x0], $0xffff  }
0x83: {  	v45 =	vor.u32 v0, v21;
	v46 =	vor.u32 v11, v33;
	[tilespmem:v41+s23+$0x0] =	vst.idx.msk $0xffff, v30  }
0x84: {  	v47 =	vor.u32 v2, v19;
	v41 =	vor.u32 v0, v17;
	[tilespmem:v50+s23+$0x0] =	vst.idx.msk $0xffff, v40;
	v40 =	vld.idx.msk [tilespmem:v48+s20+$0x0], $0xffff  }
0x85: {  	v49 =	vor.u32 v12, v37;
	v27 =	vor.u32 v15, v55;
	v48 =	vld.idx.msk [tilespmem:v26+s20+$0x0], $0xffff;
	v26 =	vor.u32 v15, v42  }
0x86: {  	v51 =	vor.u32 v10, v38;
	v52 =	vor.u32 v10, v16;
	v50 =	vld.idx.msk [tilespmem:v29+s20+$0x0], $0xffff;
	[tilespmem:v39+s23+$0x0] =	vst.idx.msk $0xffff, v28  }
0x87: {  	v53 =	vor.u32 v2, v22;
	v56 =	vor.u32 v0, v20;
	v28 =	vor.u32 v15, v23;
	v43 =	vld.idx.msk [tilespmem:v43+s20+$0x0], $0xffff  }
0x88: {  	v57 =	vor.u32 v0, v18;
	v29 =	vor.u32 v14, v38;
	v36 =	vld.idx.msk [tilespmem:v36+s20+$0x0], $0xffff;
	[tilespmem:v46+s23+$0x0] =	vst.idx.msk $0xffff, v34  }
0x89: {  	v59 =	vor.u32 v11, v55;
	v30 =	vor.u32 v14, v54;
	v46 =	vor.u32 v2, v25;
	v58 =	vld.idx.msk [tilespmem:v44+s20+$0x0], $0xffff  }
0x8a: {  	v39 =	vor.u32 v11, v42;
	v34 =	vor.u32 v13, v42;
	v60 =	vld.idx.msk [tilespmem:v49+s20+$0x0], $0xffff;
	[tilespmem:v31+s23+$0x0] =	vst.idx.msk $0xffff, v40  }
0x8b: {  	v31 =	vor.u32 v12, v54;
	v54 =	vor.u32 v13, v33;
	[tilespmem:v45+s23+$0x0] =	vst.idx.msk $0xffff, v48;
	v52 =	vld.idx.msk [tilespmem:v52+s20+$0x0], $0xffff  }
0x8c: {  	v62 =	vor.u32 v11, v23;
	v61 =	vor.u32 v2, v24;
	[tilespmem:v41+s23+$0x0] =	vst.idx.msk $0xffff, v50;
	v40 =	vld.idx.msk [tilespmem:v51+s20+$0x0], $0xffff  }
.Ltmp0:
0x8d: {  	v42 =	vor.u32 v12, v16;
	v33 =	vor.u32 v15, v33;
	[tilespmem:v57+s23+$0x0] =	vst.idx.msk $0xffff, v43;
	v44 =	vld.idx.msk [tilespmem:v53+s20+$0x0], $0xffff;
	(pc) =	sbr.rel @p1 .LBB2_3-.Ltmp0, $4  }
0x8e: {  	v49 =	vor.u32 v3, v21;
	v43 =	vld.idx.msk [tilespmem:v46+s20+$0x0], $0xffff;
	[tilespmem:v59+s23+$0x0] =	vst.idx.msk $0xffff, v36;
	v36 =	vor.u32 v12, v38  }
0x8f: {  	v48 =	vor.u32 v3, v18;
	v50 =	vor.u32 v4, v22;
	v45 =	vld.idx.msk [tilespmem:v47+s20+$0x0], $0xffff;
	[tilespmem:v56+s23+$0x0] =	vst.idx.msk $0xffff, v58  }
0x90: {  	v46 =	vor.u32 v3, v17;
	v38 =	vor.u32 v14, v37;
	v41 =	vld.idx.msk [tilespmem:v31+s20+$0x0], $0xffff;
	[tilespmem:v54+s23+$0x0] =	vst.idx.msk $0xffff, v60  }
0x91: {  	v37 =	vor.u32 v13, v55;
	v47 =	vor.u32 v4, v19;
	v51 =	vld.idx.msk [tilespmem:v61+s20+$0x0], $0xffff;
	[tilespmem:v62+s23+$0x0] =	vst.idx.msk $0xffff, v52  }
0x92: {  	_ =	sdelay $0x1  }
0x93: {  	v31 =	vor.u32 v4, v24;
	_ =	sdelay $0x1  }
0x94: {  	[tilespmem:v49+s23+$0x0] =	vst.idx.msk $0xffff, v44  }
0x95: {  	v54 =	vor.u32 v5, v21;
	v44 =	vld.idx.msk [tilespmem:v50+s20+$0x0], $0xffff;
	[tilespmem:v48+s23+$0x0] =	vst.idx.msk $0xffff, v43  }
0x96: {  	v55 =	vor.u32 v6, v22;
	v57 =	vor.u32 v5, v18;
	v32 =	vld.idx.msk [tilespmem:v32+s20+$0x0], $0xffff;
	[tilespmem:v35+s23+$0x0] =	vst.idx.msk $0xffff, v51  }
0x97: {  	v56 =	vor.u32 v5, v20;
	v60 =	vor.u32 v6, v25;
	[tilespmem:v46+s23+$0x0] =	vst.idx.msk $0xffff, v45;
	v31 =	vld.idx.msk [tilespmem:v31+s20+$0x0], $0xffff  }
0x98: {  	v58 =	vor.u32 v6, v24;
	v59 =	vor.u32 v5, v17;
	v47 =	vld.idx.msk [tilespmem:v47+s20+$0x0], $0xffff  }
0x99: {  	v61 =	vor.u32 v6, v19  }
0x9a: {  	[tilespmem:v54+s23+$0x0] =	vst.idx.msk $0xffff, v44  }
0x9b: {  	v62 =	vor.u32 v7, v21;
	v35 =	vld.idx.msk [tilespmem:v55+s20+$0x0], $0xffff;
	[tilespmem:v57+s23+$0x0] =	vst.idx.msk $0xffff, v32  }
0x9c: {  	v54 =	vor.u32 v8, v22;
	v57 =	vor.u32 v7, v18;
	[tilespmem:v56+s23+$0x0] =	vst.idx.msk $0xffff, v31;
	v56 =	vld.idx.msk [tilespmem:v60+s20+$0x0], $0xffff  }
0x9d: {  	v63 =	vor.u32 v7, v20;
	[tilespmem:v59+s23+$0x0] =	vst.idx.msk $0xffff, v47;
	v59 =	vor.u32 v8, v25;
	v43 =	vld.idx.msk [tilespmem:v58+s20+$0x0], $0xffff  }
0x9e: {  	v55 =	vor.u32 v8, v24;
	v60 =	vld.idx.msk [tilespmem:v61+s20+$0x0], $0xffff;
	v58 =	vor.u32 v7, v17  }
0x9f: {  	v61 =	vor.u32 v8, v19  }
0xa0: {  	[tilespmem:v62+s23+$0x0] =	vst.idx.msk $0xffff, v35  }
0xa1: {  	v62 =	vor.u32 v9, v21;
	v32 =	vld.idx.msk [tilespmem:v54+s20+$0x0], $0xffff;
	[tilespmem:v57+s23+$0x0] =	vst.idx.msk $0xffff, v56  }
0xa2: {  	v52 =	vor.u32 v10, v22;
	v54 =	vor.u32 v9, v18;
	[tilespmem:v63+s23+$0x0] =	vst.idx.msk $0xffff, v43;
	v46 =	vld.idx.msk [tilespmem:v59+s20+$0x0], $0xffff  }
0xa3: {  	v57 =	vor.u32 v10, v25;
	v63 =	vor.u32 v9, v20;
	[tilespmem:v58+s23+$0x0] =	vst.idx.msk $0xffff, v60;
	v53 =	vld.idx.msk [tilespmem:v55+s20+$0x0], $0xffff  }
0xa4: {  	[tilespmem:v39+s23+$0x0] =	vst.idx.msk $0xffff, v40;
	v56 =	vor.u32 v9, v17;
	v55 =	vor.u32 v10, v24;
	v48 =	vld.idx.msk [tilespmem:v61+s20+$0x0], $0xffff  }
0xa5: {  	v42 =	vld.idx.msk [tilespmem:v42+s20+$0x0], $0xffff;
	v23 =	vor.u32 v13, v23;
	[tilespmem:v37+s23+$0x0] =	vst.idx.msk $0xffff, v41;
	v58 =	vor.u32 v10, v19  }
0xa6: {  	v38 =	vld.idx.msk [tilespmem:v38+s20+$0x0], $0xffff;
	[tilespmem:v62+s23+$0x0] =	vst.idx.msk $0xffff, v32  }
0xa7: {  	v16 =	vor.u32 v14, v16;
	v59 =	vor.u32 v11, v21;
	v32 =	vld.idx.msk [tilespmem:v52+s20+$0x0], $0xffff;
	[tilespmem:v54+s23+$0x0] =	vst.idx.msk $0xffff, v46  }
0xa8: {  	v60 =	vor.u32 v12, v22;
	[tilespmem:v63+s23+$0x0] =	vst.idx.msk $0xffff, v53;
	v40 =	vld.idx.msk [tilespmem:v57+s20+$0x0], $0xffff;
	v63 =	vor.u32 v11, v18  }
0xa9: {  	v62 =	vor.u32 v11, v20;
	[tilespmem:v56+s23+$0x0] =	vst.idx.msk $0xffff, v48;
	v48 =	vor.u32 v12, v25;
	v61 =	vld.idx.msk [tilespmem:v55+s20+$0x0], $0xffff  }
0xaa: {  	[tilespmem:v23+s23+$0x0] =	vst.idx.msk $0xffff, v42;
	v47 =	vor.u32 v11, v17;
	v46 =	vor.u32 v12, v24;
	v37 =	vld.idx.msk [tilespmem:v58+s20+$0x0], $0xffff  }
0xab: {  	v49 =	vor.u32 v12, v19;
	v36 =	vld.idx.msk [tilespmem:v36+s20+$0x0], $0xffff;
	[tilespmem:v33+s23+$0x0] =	vst.idx.msk $0xffff, v38  }
0xac: {  	v16 =	vld.idx.msk [tilespmem:v16+s20+$0x0], $0xffff;
	[tilespmem:v59+s23+$0x0] =	vst.idx.msk $0xffff, v32  }
0xad: {  	v50 =	vor.u32 v13, v21;
	v31 =	vld.idx.msk [tilespmem:v60+s20+$0x0], $0xffff;
	[tilespmem:v63+s23+$0x0] =	vst.idx.msk $0xffff, v40  }
0xae: {  	v51 =	vor.u32 v14, v22;
	v55 =	vor.u32 v13, v18;
	[tilespmem:v62+s23+$0x0] =	vst.idx.msk $0xffff, v61;
	v54 =	vld.idx.msk [tilespmem:v48+s20+$0x0], $0xffff  }
0xaf: {  	v53 =	vor.u32 v13, v20;
	v57 =	vor.u32 v14, v25;
	[tilespmem:v47+s23+$0x0] =	vst.idx.msk $0xffff, v37;
	v52 =	vld.idx.msk [tilespmem:v46+s20+$0x0], $0xffff  }
0xb0: {  	[tilespmem:v34+s23+$0x0] =	vst.idx.msk $0xffff, v36;
	v56 =	vor.u32 v14, v24;
	v58 =	vor.u32 v13, v17;
	v59 =	vld.idx.msk [tilespmem:v49+s20+$0x0], $0xffff  }
0xb1: {  	v30 =	vld.idx.msk [tilespmem:v30+s20+$0x0], $0xffff;
	[tilespmem:v28+s23+$0x0] =	vst.idx.msk $0xffff, v16;
	v16 =	vor.u32 v14, v19  }
0xb2: {  	v60 =	vld.idx.msk [tilespmem:v29+s20+$0x0], $0xffff;
	[tilespmem:v50+s23+$0x0] =	vst.idx.msk $0xffff, v31  }
0xb3: {  	v61 =	vor.u32 v15, v21;
	v22 =	vld.idx.msk [tilespmem:v51+s20+$0x0], $0xffff;
	[tilespmem:v55+s23+$0x0] =	vst.idx.msk $0xffff, v54  }
0xb4: {  	v63 =	vor.u32 v15, v18;
	[tilespmem:v53+s23+$0x0] =	vst.idx.msk $0xffff, v52;
	v24 =	vld.idx.msk [tilespmem:v57+s20+$0x0], $0xffff  }
0xb5: {  	v62 =	vor.u32 v15, v20;
	[tilespmem:v58+s23+$0x0] =	vst.idx.msk $0xffff, v59;
	v23 =	vld.idx.msk [tilespmem:v56+s20+$0x0], $0xffff  }
0xb6: {  	[tilespmem:v27+s23+$0x0] =	vst.idx.msk $0xffff, v30;
	v17 =	vor.u32 v15, v17;
	v16 =	vld.idx.msk [tilespmem:v16+s20+$0x0], $0xffff  }
0xb7: {  	s0 =	sadd.s32 s7, s28;
	[tilespmem:v26+s23+$0x0] =	vst.idx.msk $0xffff, v60  }
0xb8: {  	s5 =	sshll.u32 s0, $0xA;
	s0 =	sshll.u32 s0, $0x7;
	[tilespmem:v61+s23+$0x0] =	vst.idx.msk $0xffff, v22  }
0xb9: {  	s5 =	sand.u32 $0xFFF8000, s5;
	s0 =	sand.u32 $0xF00, s0;
	[tilespmem:v63+s23+$0x0] =	vst.idx.msk $0xffff, v24  }
0xba: {  	s0 =	sor.u32 s0, s5;
	[tilespmem:v62+s23+$0x0] =	vst.idx.msk $0xffff, v23  }
0xbb: {  	s5 =	sadd.s32 s2, s0;
	[tilespmem:v17+s23+$0x0] =	vst.idx.msk $0xffff, v16  }
0xbc: {  	[hbm4b:s5+s4] =	stream.linear.scatter [tilespmem:s23], [sflag:$0x2], $0x400, $0x38;
	[tilespmem:$0x16400] =	vst v63  }
0xbd: {  	s28 =	simm.s32 $0xA800;
	s31 =	sadd.s32 s0, s8  }
0xbe: {  	[hbm4b:s31+s4] =	stream.linear.scatter [tilespmem:s28], [sflag:$0x2], $0x400, $0x38;
	[tilespmem:$0x16400] =	vst v63  }
0xbf: {  	s29 =	sadd.s32 s0, s9;
	s28 =	simm.s32 $0xAC00  }
0xc0: {  	[hbm4b:s29+s4] =	stream.linear.scatter [tilespmem:s28], [sflag:$0x2], $0x400, $0x38;
	[tilespmem:$0x16400] =	vst v63  }
0xc1: {  	s30 =	sadd.s32 s0, s10;
	s28 =	simm.s32 $0xB000  }
0xc2: {  	[hbm4b:s30+s4] =	stream.linear.scatter [tilespmem:s28], [sflag:$0x2], $0x400, $0x38;
	[tilespmem:$0x16400] =	vst v63  }
0xc3: {  	s31 =	sadd.s32 s0, s11;
	s28 =	simm.s32 $0xB400  }
0xc4: {  	[hbm4b:s31+s4] =	stream.linear.scatter [tilespmem:s28], [sflag:$0x2], $0x400, $0x38;
	[tilespmem:$0x16400] =	vst v63  }
0xc5: {  	s29 =	sadd.s32 s0, s12;
	s28 =	simm.s32 $0xB800  }
0xc6: {  	[hbm4b:s29+s4] =	stream.linear.scatter [tilespmem:s28], [sflag:$0x2], $0x400, $0x38;
	[tilespmem:$0x16400] =	vst v63  }
0xc7: {  	s30 =	sadd.s32 s0, s13;
	s28 =	simm.s32 $0xBC00  }
0xc8: {  	[hbm4b:s30+s4] =	stream.linear.scatter [tilespmem:s28], [sflag:$0x2], $0x400, $0x38;
	[tilespmem:$0x16400] =	vst v63  }
0xc9: {  	s0 =	sadd.s32 s0, s14;
	s31 =	simm.s32 $0xC000  }
0xca: {  	[hbm4b:s0+s4] =	stream.linear.scatter [tilespmem:s31], [sflag:$0x2], $0x400, $0x38;
	[tilespmem:$0x16400] =	vst v63  }
0xcb: {  	s0 =	simm.s32 @!p0 $0x2  }
0xcc: {  	_ =	swait.ge @!p0 [sflag:s0], $0x400  }
0xcd: {  	[sflag:s0] =	ssyncset.done @!p0 $0x0  }
0xce: {  	[sflag:s0] =	ssyncadd.s32 @!p0 $0xFFFFFC00  }
0xcf: {  	_ =	swait.ge @!p0 [sflag:s0], $0x400  }
0xd0: {  	[sflag:s0] =	ssyncset.done @!p0 $0x0  }
0xd1: {  	[sflag:s0] =	ssyncadd.s32 @!p0 $0xFFFFFC00  }
0xd2: {  	_ =	swait.ge @!p0 [sflag:s0], $0x400  }
0xd3: {  	[sflag:s0] =	ssyncset.done @!p0 $0x0  }
0xd4: {  	[sflag:s0] =	ssyncadd.s32 @!p0 $0xFFFFFC00  }
0xd5: {  	_ =	swait.ge @!p0 [sflag:s0], $0x400  }
0xd6: {  	[sflag:s0] =	ssyncset.done @!p0 $0x0  }
0xd7: {  	[sflag:s0] =	ssyncadd.s32 @!p0 $0xFFFFFC00  }
0xd8: {  	_ =	swait.ge @!p0 [sflag:s0], $0x400  }
0xd9: {  	[sflag:s0] =	ssyncset.done @!p0 $0x0  }
0xda: {  	[sflag:s0] =	ssyncadd.s32 @!p0 $0xFFFFFC00  }
0xdb: {  	_ =	swait.ge @!p0 [sflag:s0], $0x400  }
0xdc: {  	[sflag:s0] =	ssyncset.done @!p0 $0x0  }
0xdd: {  	p1 =	seq.s32 @!p0 s26, $0x63;
	[sflag:s0] =	ssyncadd.s32 @!p0 $0xFFFFFC00  }
0xde: {  	p1 =	por p0, !p1;
	_ =	swait.ge @!p0 [sflag:s0], $0x400  }
.Ltmp1:
0xdf: {  	[sflag:s0] =	ssyncset.done @!p0 $0x0;
	(pc) =	sbr.rel @!p1 .LBB2_6-.Ltmp1, $4  }
0xe0: {  	[sflag:s0] =	ssyncadd.s32 @!p0 $0xFFFFFC00  }
0xe1: {  	_ =	swait.ge @!p0 [sflag:s0], $0x400  }
0xe2: {  	[sflag:s0] =	ssyncset.done @!p0 $0x0  }
0xe3: {  	s28 =	simm.s32 @!p0 $0x64;
	[sflag:s0] =	ssyncadd.s32 @!p0 $0xFFFFFC00  }
0xe4: {  	s0 =	sshll.u32 s26, $0x8  }
0xe5: {  	s28 =	sadd.s32 @!p0 $0x1, s26;
	s0 =	sand.u32 $0x3FFFFF00, s0  }
0xe6: {  	s28 =	simm.s32 @p0 $0x1;
	s0 =	sadd.s32 $0x100, s0  }
0xe7: {  	[tilespmem:s20], [sflag:$0x1] =	stream.indirect.gather [spmem:s3], $0x40, s0, s19, $0xb8;
	[tilespmem:$0x16400] =	vst v63  }
.LBB2_6:
0xe8: {  	s0 =	simm.s32 $0x1  }
0xe9: {  	s5 =	simm.s32 $0x2;
	s26 =	simm.s32 $0x0;
	v16 =	vadd.s32 s0, v0  }
0xea: {  	v17 =	vadd.s32 s5, v0;
	v18 =	vadd.s32 s26, v0;
	s5 =	simm.s32 $0x3;
	v19 =	vand.u32 $0xF, v16  }
0xeb: {  	s29 =	sand.u32 $0x30, s26;
	v20 =	vand.u32 $0xF, v17;
	v21 =	vadd.s32 s5, v0;
	v22 =	vand.u32 $0xF, v18  }
0xec: {  	v17 =	vand.u32 $0x7, v17;
	v16 =	vand.u32 $0x7, v16;
	v19 =	vor.u32 s29, v19  }
0xed: {  	v18 =	vand.u32 $0x7, v18;
	v20 =	vor.u32 s29, v20;
	v23 =	vand.u32 $0x38, v19  }
0xee: {  	v22 =	vor.u32 s29, v22;
	v24 =	vand.u32 $0x38, v20;
	v31 =	vor.u32 v16, v23  }
0xef: {  	v16 =	vand.u32 $0x38, v22;
	v23 =	vand.u32 $0xF, v21;
	v25 =	vor.u32 v1, v31  }
0xf0: {  	v36 =	vor.u32 v17, v24;
	v33 =	vor.u32 v18, v16;
	v17 =	vor.u32 s29, v23  }
0xf1: {  	_ =	swait.ge [sflag:s22], $0x2000;
	v16 =	vand.u32 $0x7, v21;
	v18 =	vor.u32 v1, v33;
	v23 =	vand.u32 $0x38, v17  }
0xf2: {  	[sflag:s22] =	ssyncset.done $0x0;
	v21 =	vor.u32 v1, v36;
	v16 =	vor.u32 v16, v23  }
0xf3: {  	[sflag:s22] =	ssyncadd.s32 $0xFFFFE000;
	v38 =	vshll.u32 v19, $0x7;
	v24 =	vor.u32 v1, v16  }
0xf4: {  	v37 =	vshll.u32 v22, $0x7;
	v19 =	vor.u32 v0, v38;
	v22 =	vld.idx.msk [tilespmem:v25+s21+$0x0], $0xffff;
	_ =	sdelay $0x1  }
0xf5: {  	v34 =	vshll.u32 v20, $0x7;
	v20 =	vor.u32 v2, v31;
	v25 =	vor.u32 v0, v37;
	v18 =	vld.idx.msk [tilespmem:v18+s21+$0x0], $0xffff  }
0xf6: {  	v26 =	vor.u32 v0, v34;
	v27 =	vor.u32 v2, v33;
	v23 =	vshll.u32 v17, $0x7;
	v21 =	vld.idx.msk [tilespmem:v21+s21+$0x0], $0xffff  }
0xf7: {  	v17 =	vor.u32 v2, v36;
	v28 =	vor.u32 v0, v23;
	v24 =	vld.idx.msk [tilespmem:v24+s21+$0x0], $0xffff  }
0xf8: {  	[tilespmem:v19+s1+$0x0] =	vst.idx.msk $0xffff, v22;
	v19 =	vor.u32 v2, v16;
	_ =	sdelay $0x1  }
0xf9: {  	v39 =	vor.u32 v9, v34;
	[tilespmem:v25+s1+$0x0] =	vst.idx.msk $0xffff, v18;
	v18 =	vld.idx.msk [tilespmem:v20+s21+$0x0], $0xffff;
	v20 =	vor.u32 v3, v38  }
0xfa: {  	[tilespmem:v26+s1+$0x0] =	vst.idx.msk $0xffff, v21;
	v22 =	vor.u32 v3, v37;
	v25 =	vor.u32 v4, v31;
	v21 =	vld.idx.msk [tilespmem:v27+s21+$0x0], $0xffff  }
0xfb: {  	v41 =	vor.u32 v7, v34;
	v26 =	vor.u32 v3, v34;
	v17 =	vld.idx.msk [tilespmem:v17+s21+$0x0], $0xffff;
	[tilespmem:v28+s1+$0x0] =	vst.idx.msk $0xffff, v24  }
0xfc: {  	v43 =	vor.u32 v7, v38;
	v27 =	vor.u32 v3, v23;
	v24 =	vor.u32 v4, v33;
	v19 =	vld.idx.msk [tilespmem:v19+s21+$0x0], $0xffff  }
0xfd: {  	v48 =	vor.u32 v7, v37;
	v30 =	vor.u32 v8, v36;
	v46 =	vor.u32 v8, v31  }
0xfe: {  	v61 =	vor.u32 v12, v31;
	[tilespmem:v20+s1+$0x0] =	vst.idx.msk $0xffff, v18;
	v18 =	vor.u32 v4, v16  }
0xff: {  	v28 =	vor.u32 v4, v36;
	[tilespmem:v22+s1+$0x0] =	vst.idx.msk $0xffff, v21;
	v20 =	vld.idx.msk [tilespmem:v25+s21+$0x0], $0xffff;
	v21 =	vor.u32 v5, v38  }
0x100: {  	s0 =	simm.s32 $0x4;
	s29 =	simm.s32 $0x7;
	v29 =	vor.u32 v10, v33;
	[tilespmem:v26+s1+$0x0] =	vst.idx.msk $0xffff, v17;
	v17 =	vor.u32 v6, v31  }
0x101: {  	v47 =	vadd.s32 s0, v0;
	v49 =	vadd.s32 s29, v0;
	[tilespmem:v27+s1+$0x0] =	vst.idx.msk $0xffff, v19;
	v19 =	vld.idx.msk [tilespmem:v24+s21+$0x0], $0xffff;
	v24 =	vor.u32 v5, v37  }
0x102: {  	v45 =	vor.u32 v8, v33;
	v52 =	vand.u32 $0x7, v49;
	v40 =	vor.u32 v9, v23  }
0x103: {  	v32 =	vor.u32 v5, v23;
	v35 =	vor.u32 v8, v16;
	v42 =	vor.u32 v6, v16;
	v18 =	vld.idx.msk [tilespmem:v18+s21+$0x0], $0xffff  }
0x104: {  	v22 =	vor.u32 v5, v34;
	v25 =	vor.u32 v6, v33;
	v28 =	vld.idx.msk [tilespmem:v28+s21+$0x0], $0xffff;
	[tilespmem:v21+s1+$0x0] =	vst.idx.msk $0xffff, v20  }
0x105: {  	s30 =	simm.s32 $0x5;
	v44 =	vor.u32 v7, v23;
	v62 =	vor.u32 v10, v16;
	v26 =	vor.u32 v10, v31;
	v17 =	vld.idx.msk [tilespmem:v17+s21+$0x0], $0xffff  }
0x106: {  	s31 =	simm.s32 $0x6;
	v27 =	vor.u32 v9, v37;
	v20 =	vor.u32 v6, v36;
	[tilespmem:v24+s1+$0x0] =	vst.idx.msk $0xffff, v19;
	v19 =	vadd.s32 s30, v0  }
0x107: {  	v21 =	vor.u32 v9, v38;
	v24 =	vadd.s32 s31, v0;
	v50 =	vand.u32 $0xF, v19  }
0x108: {  	s0 =	sand.u32 $0x30, s0;
	v51 =	vand.u32 $0xF, v24;
	[tilespmem:v32+s1+$0x0] =	vst.idx.msk $0xffff, v18;
	v18 =	vand.u32 $0xF, v47;
	v24 =	vand.u32 $0x7, v24  }
0x109: {  	[tilespmem:v22+s1+$0x0] =	vst.idx.msk $0xffff, v28;
	v25 =	vld.idx.msk [tilespmem:v25+s21+$0x0], $0xffff;
	v50 =	vor.u32 s0, v50;
	v63 =	vor.u32 s0, v51;
	v18 =	vor.u32 s0, v18  }
0x10a: {  	v28 =	vld.idx.msk [tilespmem:v42+s21+$0x0], $0xffff;
	v22 =	vand.u32 $0x38, v50;
	v53 =	vand.u32 $0x38, v63;
	[tilespmem:v43+s1+$0x0] =	vst.idx.msk $0xffff, v17;
	v17 =	vand.u32 $0x7, v19  }
0x10b: {  	v56 =	vld.idx.msk [tilespmem:v20+s21+$0x0], $0xffff;
	v19 =	vor.u32 v24, v53;
	v22 =	vor.u32 v17, v22;
	v24 =	vand.u32 $0xF, v49  }
0x10c: {  	v54 =	vld.idx.msk [tilespmem:v46+s21+$0x0], $0xffff;
	v17 =	vshll.u32 v63, $0x7;
	v63 =	vor.u32 v11, v38;
	v55 =	vor.u32 v1, v19  }
0x10d: {  	v57 =	vor.u32 v1, v22;
	v20 =	vor.u32 s0, v24;
	v24 =	vand.u32 $0x38, v18  }
0x10e: {  	v18 =	vshll.u32 v18, $0x7;
	v46 =	vor.u32 v2, v19;
	[tilespmem:v48+s1+$0x0] =	vst.idx.msk $0xffff, v25;
	v25 =	vand.u32 $0x7, v47  }
0x10f: {  	v53 =	vor.u32 v2, v22;
	v45 =	vld.idx.msk [tilespmem:v45+s21+$0x0], $0xffff;
	[tilespmem:v44+s1+$0x0] =	vst.idx.msk $0xffff, v28;
	v25 =	vor.u32 v25, v24  }
0x110: {  	v58 =	vand.u32 $0x38, v20;
	v20 =	vshll.u32 v20, $0x7;
	[tilespmem:v41+s1+$0x0] =	vst.idx.msk $0xffff, v56;
	v28 =	vld.idx.msk [tilespmem:v35+s21+$0x0], $0xffff;
	v59 =	vor.u32 v1, v25  }
0x111: {  	v24 =	vor.u32 v52, v58;
	v41 =	vor.u32 v0, v17;
	v60 =	vld.idx.msk [tilespmem:v30+s21+$0x0], $0xffff;
	[tilespmem:v21+s1+$0x0] =	vst.idx.msk $0xffff, v54  }
0x112: {  	v52 =	vor.u32 v10, v36;
	v58 =	vor.u32 v12, v33;
	v47 =	vor.u32 v1, v24;
	v42 =	vld.idx.msk [tilespmem:v26+s21+$0x0], $0xffff  }
0x113: {  	v32 =	vor.u32 v4, v25;
	v35 =	vor.u32 v3, v20;
	v21 =	vshll.u32 v50, $0x7;
	v48 =	vld.idx.msk [tilespmem:v57+s21+$0x0], $0xffff  }
0x114: {  	v30 =	vor.u32 v14, v33;
	v33 =	vor.u32 v15, v38;
	v49 =	vor.u32 v0, v21;
	v43 =	vld.idx.msk [tilespmem:v55+s21+$0x0], $0xffff  }
0x115: {  	v54 =	vor.u32 v0, v20;
	v50 =	vor.u32 v2, v25;
	[tilespmem:v27+s1+$0x0] =	vst.idx.msk $0xffff, v45;
	v44 =	vld.idx.msk [tilespmem:v59+s21+$0x0], $0xffff  }
0x116: {  	v26 =	vor.u32 v15, v34;
	v55 =	vor.u32 v0, v18;
	[tilespmem:v40+s1+$0x0] =	vst.idx.msk $0xffff, v28;
	v56 =	vld.idx.msk [tilespmem:v29+s21+$0x0], $0xffff  }
0x117: {  	v57 =	vor.u32 v11, v37;
	v27 =	vor.u32 v15, v37;
	v47 =	vld.idx.msk [tilespmem:v47+s21+$0x0], $0xffff;
	[tilespmem:v39+s1+$0x0] =	vst.idx.msk $0xffff, v60  }
0x118: {  	v37 =	vor.u32 v13, v37;
	v28 =	vor.u32 v15, v23;
	v60 =	vld.idx.msk [tilespmem:v62+s21+$0x0], $0xffff;
	[tilespmem:v63+s1+$0x0] =	vst.idx.msk $0xffff, v42  }
0x119: {  	v29 =	vor.u32 v14, v36;
	v40 =	vld.idx.msk [tilespmem:v52+s21+$0x0], $0xffff;
	[tilespmem:v49+s1+$0x0] =	vst.idx.msk $0xffff, v48;
	v63 =	vor.u32 v11, v23  }
0x11a: {  	v59 =	vor.u32 v13, v38;
	[tilespmem:v41+s1+$0x0] =	vst.idx.msk $0xffff, v43;
	v51 =	vld.idx.msk [tilespmem:v61+s21+$0x0], $0xffff;
	v61 =	vor.u32 v2, v24  }
0x11b: {  	v39 =	vor.u32 v11, v34;
	v42 =	vor.u32 v12, v16;
	v45 =	vld.idx.msk [tilespmem:v46+s21+$0x0], $0xffff;
	[tilespmem:v55+s1+$0x0] =	vst.idx.msk $0xffff, v44  }
0x11c: {  	v36 =	vor.u32 v12, v36;
	v49 =	vor.u32 v3, v21;
	v44 =	vld.idx.msk [tilespmem:v53+s21+$0x0], $0xffff;
	[tilespmem:v57+s1+$0x0] =	vst.idx.msk $0xffff, v56  }
0x11d: {  	v48 =	vor.u32 v3, v18;
	[tilespmem:v54+s1+$0x0] =	vst.idx.msk $0xffff, v47;
	v43 =	vld.idx.msk [tilespmem:v50+s21+$0x0], $0xffff;
	v50 =	vor.u32 v4, v22  }
0x11e: {  	v38 =	vor.u32 v14, v31;
	v46 =	vor.u32 v3, v17;
	v41 =	vld.idx.msk [tilespmem:v58+s21+$0x0], $0xffff;
	[tilespmem:v63+s1+$0x0] =	vst.idx.msk $0xffff, v60  }
0x11f: {  	s26 =	simm.s32 $0x8;
	v34 =	vor.u32 v13, v34;
	v47 =	vor.u32 v4, v19;
	[tilespmem:v59+s1+$0x0] =	vst.idx.msk $0xffff, v51;
	v51 =	vld.idx.msk [tilespmem:v61+s21+$0x0], $0xffff  }
.LBB2_7:
0x120: {  	p0 =	slt.u32 s26, $0x3C;
	[tilespmem:v39+s1+$0x0] =	vst.idx.msk $0xffff, v40;
	v40 =	vld.idx.msk [tilespmem:v42+s21+$0x0], $0xffff;
	v23 =	vor.u32 v13, v23;
	v16 =	vor.u32 v14, v16;
	s29 =	smov.u32 s26;
	s26 =	sadd.s32 $0x4, s26  }
0x121: {  	v31 =	vor.u32 v9, v17;
	v42 =	vor.u32 v4, v24;
	[tilespmem:v49+s1+$0x0] =	vst.idx.msk $0xffff, v44;
	v44 =	vld.idx.msk [tilespmem:v36+s21+$0x0], $0xffff  }
0x122: {  	v36 =	vor.u32 v10, v25;
	[tilespmem:v48+s1+$0x0] =	vst.idx.msk $0xffff, v43;
	v43 =	vld.idx.msk [tilespmem:v50+s21+$0x0], $0xffff;
	v48 =	vor.u32 v8, v19  }
0x123: {  	v39 =	vor.u32 v9, v20;
	v49 =	vor.u32 v5, v21;
	[tilespmem:v46+s1+$0x0] =	vst.idx.msk $0xffff, v45;
	v38 =	vld.idx.msk [tilespmem:v38+s21+$0x0], $0xffff  }
0x124: {  	v45 =	vor.u32 v6, v22;
	v46 =	vor.u32 v10, v22;
	v47 =	vld.idx.msk [tilespmem:v47+s21+$0x0], $0xffff;
	[tilespmem:v37+s1+$0x0] =	vst.idx.msk $0xffff, v41  }
0x125: {  	v37 =	vor.u32 v5, v17;
	v41 =	vor.u32 v7, v17;
	v32 =	vld.idx.msk [tilespmem:v32+s21+$0x0], $0xffff;
	[tilespmem:v35+s1+$0x0] =	vst.idx.msk $0xffff, v51  }
0x126: {  	v50 =	vor.u32 v9, v18;
	v35 =	vor.u32 v5, v18;
	v42 =	vld.idx.msk [tilespmem:v42+s21+$0x0], $0xffff;
	[tilespmem:v23+s1+$0x0] =	vst.idx.msk $0xffff, v40  }
0x127: {  	v23 =	vor.u32 v6, v25;
	v40 =	vor.u32 v5, v20;
	[tilespmem:v34+s1+$0x0] =	vst.idx.msk $0xffff, v44;
	v16 =	vld.idx.msk [tilespmem:v16+s21+$0x0], $0xffff  }
0x128: {  	v34 =	vor.u32 v9, v21;
	[tilespmem:v49+s1+$0x0] =	vst.idx.msk $0xffff, v43;
	v43 =	vor.u32 v8, v24;
	v30 =	vld.idx.msk [tilespmem:v30+s21+$0x0], $0xffff  }
0x129: {  	v49 =	vor.u32 v6, v24;
	v44 =	vld.idx.msk [tilespmem:v45+s21+$0x0], $0xffff;
	v45 =	vor.u32 v6, v19;
	[tilespmem:v33+s1+$0x0] =	vst.idx.msk $0xffff, v38  }
0x12a: {  	v33 =	vor.u32 v7, v21;
	[tilespmem:v37+s1+$0x0] =	vst.idx.msk $0xffff, v47;
	v47 =	vor.u32 v7, v20;
	v29 =	vld.idx.msk [tilespmem:v29+s21+$0x0], $0xffff  }
0x12b: {  	v38 =	vmov v19;
	[tilespmem:v35+s1+$0x0] =	vst.idx.msk $0xffff, v32;
	v32 =	vor.u32 v8, v25;
	v35 =	vor.u32 v8, v22  }
0x12c: {  	v53 =	vor.u32 v7, v18;
	s0 =	sadd.s32 $0x1, s29;
	s5 =	sadd.s32 $0x2, s29;
	s30 =	sadd.s32 $0x3, s29;
	v51 =	vadd.s32 s29, v0;
	v37 =	vmov v22;
	v52 =	vld.idx.msk [tilespmem:v23+s21+$0x0], $0xffff;
	[tilespmem:v40+s1+$0x0] =	vst.idx.msk $0xffff, v42  }
0x12d: {  	v54 =	vmovc v25;
	v19 =	vadd.s32 s0, v0;
	v22 =	vadd.s32 s5, v0;
	v40 =	vadd.s32 s30, v0;
	v42 =	vmovc v17;
	[tilespmem:v28+s1+$0x0] =	vst.idx.msk $0xffff, v16  }
0x12e: {  	s0 =	sand.u32 $0x30, s29;
	v17 =	vand.u32 $0xF, v19;
	v56 =	vand.u32 $0xF, v22;
	v28 =	vand.u32 $0x7, v40;
	v16 =	vmovc v24;
	v25 =	vld.idx.msk [tilespmem:v49+s21+$0x0], $0xffff;
	[tilespmem:v27+s1+$0x0] =	vst.idx.msk $0xffff, v30  }
0x12f: {  	v23 =	vmovc v20;
	v24 =	vand.u32 $0xF, v51;
	v27 =	vor.u32 s0, v17;
	v17 =	vor.u32 s0, v56;
	[tilespmem:v33+s1+$0x0] =	vst.idx.msk $0xffff, v44;
	v30 =	vld.idx.msk [tilespmem:v45+s21+$0x0], $0xffff  }
0x130: {  	v55 =	vmovc v18;
	v22 =	vand.u32 $0x7, v22;
	v20 =	vand.u32 $0x38, v27;
	v44 =	vand.u32 $0x38, v17;
	v35 =	vld.idx.msk [tilespmem:v35+s21+$0x0], $0xffff;
	[tilespmem:v26+s1+$0x0] =	vst.idx.msk $0xffff, v29  }
0x131: {  	v18 =	vor.u32 s0, v24;
	v24 =	vand.u32 $0x7, v19;
	v33 =	vmovc v21;
	v19 =	vor.u32 v22, v44  }
0x132: {  	v22 =	vor.u32 v24, v20;
	v20 =	vand.u32 $0xF, v40;
	v29 =	vor.u32 v1, v19;
	[tilespmem:v53+s1+$0x0] =	vst.idx.msk $0xffff, v52  }
0x133: {  	v17 =	vshll.u32 v17, $0x7;
	v26 =	vor.u32 v1, v22;
	v20 =	vor.u32 s0, v20;
	v40 =	vld.idx.msk [tilespmem:v32+s21+$0x0], $0xffff  }
0x134: {  	v21 =	vand.u32 $0x38, v18;
	v24 =	vand.u32 $0x7, v51;
	v32 =	vand.u32 $0x38, v20;
	[tilespmem:v47+s1+$0x0] =	vst.idx.msk $0xffff, v25  }
0x135: {  	v20 =	vshll.u32 v20, $0x7;
	v25 =	vor.u32 v24, v21;
	v24 =	vor.u32 v28, v32;
	v28 =	vld.idx.msk [tilespmem:v43+s21+$0x0], $0xffff  }
0x136: {  	v18 =	vshll.u32 v18, $0x7;
	v43 =	vor.u32 v1, v25;
	v44 =	vor.u32 v1, v24;
	[tilespmem:v34+s1+$0x0] =	vst.idx.msk $0xffff, v35  }
0x137: {  	v21 =	vshll.u32 v27, $0x7;
	v32 =	vor.u32 v4, v25;
	v35 =	vor.u32 v3, v20;
	v34 =	vld.idx.msk [tilespmem:v46+s21+$0x0], $0xffff  }
0x138: {  	v45 =	vor.u32 v0, v21;
	v46 =	vor.u32 v11, v33;
	[tilespmem:v41+s1+$0x0] =	vst.idx.msk $0xffff, v30  }
0x139: {  	v47 =	vor.u32 v2, v19;
	v41 =	vor.u32 v0, v17;
	[tilespmem:v50+s1+$0x0] =	vst.idx.msk $0xffff, v40;
	v40 =	vld.idx.msk [tilespmem:v48+s21+$0x0], $0xffff  }
0x13a: {  	v49 =	vor.u32 v12, v37;
	v27 =	vor.u32 v15, v55;
	v48 =	vld.idx.msk [tilespmem:v26+s21+$0x0], $0xffff;
	v26 =	vor.u32 v15, v42  }
0x13b: {  	v51 =	vor.u32 v10, v38;
	v52 =	vor.u32 v10, v16;
	v50 =	vld.idx.msk [tilespmem:v29+s21+$0x0], $0xffff;
	[tilespmem:v39+s1+$0x0] =	vst.idx.msk $0xffff, v28  }
0x13c: {  	v53 =	vor.u32 v2, v22;
	v56 =	vor.u32 v0, v20;
	v28 =	vor.u32 v15, v23;
	v43 =	vld.idx.msk [tilespmem:v43+s21+$0x0], $0xffff  }
0x13d: {  	v57 =	vor.u32 v0, v18;
	v29 =	vor.u32 v14, v38;
	v36 =	vld.idx.msk [tilespmem:v36+s21+$0x0], $0xffff;
	[tilespmem:v46+s1+$0x0] =	vst.idx.msk $0xffff, v34  }
0x13e: {  	v59 =	vor.u32 v11, v55;
	v30 =	vor.u32 v14, v54;
	v46 =	vor.u32 v2, v25;
	v58 =	vld.idx.msk [tilespmem:v44+s21+$0x0], $0xffff  }
0x13f: {  	v39 =	vor.u32 v11, v42;
	v34 =	vor.u32 v13, v42;
	v60 =	vld.idx.msk [tilespmem:v49+s21+$0x0], $0xffff;
	[tilespmem:v31+s1+$0x0] =	vst.idx.msk $0xffff, v40  }
0x140: {  	v31 =	vor.u32 v12, v54;
	v54 =	vor.u32 v13, v33;
	[tilespmem:v45+s1+$0x0] =	vst.idx.msk $0xffff, v48;
	v52 =	vld.idx.msk [tilespmem:v52+s21+$0x0], $0xffff  }
0x141: {  	v62 =	vor.u32 v11, v23;
	v61 =	vor.u32 v2, v24;
	[tilespmem:v41+s1+$0x0] =	vst.idx.msk $0xffff, v50;
	v40 =	vld.idx.msk [tilespmem:v51+s21+$0x0], $0xffff  }
.Ltmp2:
0x142: {  	v42 =	vor.u32 v12, v16;
	v33 =	vor.u32 v15, v33;
	[tilespmem:v57+s1+$0x0] =	vst.idx.msk $0xffff, v43;
	v44 =	vld.idx.msk [tilespmem:v53+s21+$0x0], $0xffff;
	(pc) =	sbr.rel @p0 .LBB2_7-.Ltmp2, $4  }
0x143: {  	v49 =	vor.u32 v3, v21;
	v43 =	vld.idx.msk [tilespmem:v46+s21+$0x0], $0xffff;
	[tilespmem:v59+s1+$0x0] =	vst.idx.msk $0xffff, v36;
	v36 =	vor.u32 v12, v38  }
0x144: {  	v48 =	vor.u32 v3, v18;
	v50 =	vor.u32 v4, v22;
	v45 =	vld.idx.msk [tilespmem:v47+s21+$0x0], $0xffff;
	[tilespmem:v56+s1+$0x0] =	vst.idx.msk $0xffff, v58  }
0x145: {  	v46 =	vor.u32 v3, v17;
	v38 =	vor.u32 v14, v37;
	v41 =	vld.idx.msk [tilespmem:v31+s21+$0x0], $0xffff;
	[tilespmem:v54+s1+$0x0] =	vst.idx.msk $0xffff, v60  }
0x146: {  	v37 =	vor.u32 v13, v55;
	v47 =	vor.u32 v4, v19;
	v51 =	vld.idx.msk [tilespmem:v61+s21+$0x0], $0xffff;
	[tilespmem:v62+s1+$0x0] =	vst.idx.msk $0xffff, v52  }
0x147: {  	_ =	sdelay $0x1  }
0x148: {  	v31 =	vor.u32 v4, v24;
	_ =	sdelay $0x1  }
0x149: {  	[tilespmem:v49+s1+$0x0] =	vst.idx.msk $0xffff, v44  }
0x14a: {  	v54 =	vor.u32 v5, v21;
	v44 =	vld.idx.msk [tilespmem:v50+s21+$0x0], $0xffff;
	[tilespmem:v48+s1+$0x0] =	vst.idx.msk $0xffff, v43  }
0x14b: {  	v55 =	vor.u32 v6, v22;
	v57 =	vor.u32 v5, v18;
	v32 =	vld.idx.msk [tilespmem:v32+s21+$0x0], $0xffff;
	[tilespmem:v35+s1+$0x0] =	vst.idx.msk $0xffff, v51  }
0x14c: {  	v56 =	vor.u32 v5, v20;
	v60 =	vor.u32 v6, v25;
	[tilespmem:v46+s1+$0x0] =	vst.idx.msk $0xffff, v45;
	v31 =	vld.idx.msk [tilespmem:v31+s21+$0x0], $0xffff  }
0x14d: {  	v58 =	vor.u32 v6, v24;
	v59 =	vor.u32 v5, v17;
	v47 =	vld.idx.msk [tilespmem:v47+s21+$0x0], $0xffff  }
0x14e: {  	v61 =	vor.u32 v6, v19  }
0x14f: {  	[tilespmem:v54+s1+$0x0] =	vst.idx.msk $0xffff, v44  }
0x150: {  	v62 =	vor.u32 v7, v21;
	v35 =	vld.idx.msk [tilespmem:v55+s21+$0x0], $0xffff;
	[tilespmem:v57+s1+$0x0] =	vst.idx.msk $0xffff, v32  }
0x151: {  	v54 =	vor.u32 v8, v22;
	v57 =	vor.u32 v7, v18;
	[tilespmem:v56+s1+$0x0] =	vst.idx.msk $0xffff, v31;
	v56 =	vld.idx.msk [tilespmem:v60+s21+$0x0], $0xffff  }
0x152: {  	v63 =	vor.u32 v7, v20;
	[tilespmem:v59+s1+$0x0] =	vst.idx.msk $0xffff, v47;
	v59 =	vor.u32 v8, v25;
	v43 =	vld.idx.msk [tilespmem:v58+s21+$0x0], $0xffff  }
0x153: {  	v55 =	vor.u32 v8, v24;
	v60 =	vld.idx.msk [tilespmem:v61+s21+$0x0], $0xffff;
	v58 =	vor.u32 v7, v17  }
0x154: {  	v61 =	vor.u32 v8, v19  }
0x155: {  	[tilespmem:v62+s1+$0x0] =	vst.idx.msk $0xffff, v35  }
0x156: {  	v62 =	vor.u32 v9, v21;
	v32 =	vld.idx.msk [tilespmem:v54+s21+$0x0], $0xffff;
	[tilespmem:v57+s1+$0x0] =	vst.idx.msk $0xffff, v56  }
0x157: {  	v52 =	vor.u32 v10, v22;
	v54 =	vor.u32 v9, v18;
	[tilespmem:v63+s1+$0x0] =	vst.idx.msk $0xffff, v43;
	v46 =	vld.idx.msk [tilespmem:v59+s21+$0x0], $0xffff  }
0x158: {  	v57 =	vor.u32 v10, v25;
	v63 =	vor.u32 v9, v20;
	[tilespmem:v58+s1+$0x0] =	vst.idx.msk $0xffff, v60;
	v53 =	vld.idx.msk [tilespmem:v55+s21+$0x0], $0xffff  }
0x159: {  	[tilespmem:v39+s1+$0x0] =	vst.idx.msk $0xffff, v40;
	v56 =	vor.u32 v9, v17;
	v55 =	vor.u32 v10, v24;
	v48 =	vld.idx.msk [tilespmem:v61+s21+$0x0], $0xffff  }
0x15a: {  	v42 =	vld.idx.msk [tilespmem:v42+s21+$0x0], $0xffff;
	v23 =	vor.u32 v13, v23;
	[tilespmem:v37+s1+$0x0] =	vst.idx.msk $0xffff, v41;
	v58 =	vor.u32 v10, v19  }
0x15b: {  	v38 =	vld.idx.msk [tilespmem:v38+s21+$0x0], $0xffff;
	[tilespmem:v62+s1+$0x0] =	vst.idx.msk $0xffff, v32  }
0x15c: {  	v16 =	vor.u32 v14, v16;
	v59 =	vor.u32 v11, v21;
	v32 =	vld.idx.msk [tilespmem:v52+s21+$0x0], $0xffff;
	[tilespmem:v54+s1+$0x0] =	vst.idx.msk $0xffff, v46  }
0x15d: {  	v60 =	vor.u32 v12, v22;
	[tilespmem:v63+s1+$0x0] =	vst.idx.msk $0xffff, v53;
	v40 =	vld.idx.msk [tilespmem:v57+s21+$0x0], $0xffff;
	v63 =	vor.u32 v11, v18  }
0x15e: {  	v62 =	vor.u32 v11, v20;
	[tilespmem:v56+s1+$0x0] =	vst.idx.msk $0xffff, v48;
	v48 =	vor.u32 v12, v25;
	v61 =	vld.idx.msk [tilespmem:v55+s21+$0x0], $0xffff  }
0x15f: {  	[tilespmem:v23+s1+$0x0] =	vst.idx.msk $0xffff, v42;
	v47 =	vor.u32 v11, v17;
	v46 =	vor.u32 v12, v24;
	v37 =	vld.idx.msk [tilespmem:v58+s21+$0x0], $0xffff  }
0x160: {  	v49 =	vor.u32 v12, v19;
	v36 =	vld.idx.msk [tilespmem:v36+s21+$0x0], $0xffff;
	[tilespmem:v33+s1+$0x0] =	vst.idx.msk $0xffff, v38  }
0x161: {  	v16 =	vld.idx.msk [tilespmem:v16+s21+$0x0], $0xffff;
	[tilespmem:v59+s1+$0x0] =	vst.idx.msk $0xffff, v32  }
0x162: {  	v50 =	vor.u32 v13, v21;
	v31 =	vld.idx.msk [tilespmem:v60+s21+$0x0], $0xffff;
	[tilespmem:v63+s1+$0x0] =	vst.idx.msk $0xffff, v40  }
0x163: {  	v51 =	vor.u32 v14, v22;
	v55 =	vor.u32 v13, v18;
	[tilespmem:v62+s1+$0x0] =	vst.idx.msk $0xffff, v61;
	v54 =	vld.idx.msk [tilespmem:v48+s21+$0x0], $0xffff  }
0x164: {  	v53 =	vor.u32 v13, v20;
	v57 =	vor.u32 v14, v25;
	[tilespmem:v47+s1+$0x0] =	vst.idx.msk $0xffff, v37;
	v52 =	vld.idx.msk [tilespmem:v46+s21+$0x0], $0xffff  }
0x165: {  	[tilespmem:v34+s1+$0x0] =	vst.idx.msk $0xffff, v36;
	v56 =	vor.u32 v14, v24;
	v58 =	vor.u32 v13, v17;
	v59 =	vld.idx.msk [tilespmem:v49+s21+$0x0], $0xffff  }
0x166: {  	v30 =	vld.idx.msk [tilespmem:v30+s21+$0x0], $0xffff;
	[tilespmem:v28+s1+$0x0] =	vst.idx.msk $0xffff, v16;
	v16 =	vor.u32 v14, v19  }
0x167: {  	v60 =	vld.idx.msk [tilespmem:v29+s21+$0x0], $0xffff;
	[tilespmem:v50+s1+$0x0] =	vst.idx.msk $0xffff, v31  }
0x168: {  	v61 =	vor.u32 v15, v21;
	v22 =	vld.idx.msk [tilespmem:v51+s21+$0x0], $0xffff;
	[tilespmem:v55+s1+$0x0] =	vst.idx.msk $0xffff, v54  }
0x169: {  	v63 =	vor.u32 v15, v18;
	[tilespmem:v53+s1+$0x0] =	vst.idx.msk $0xffff, v52;
	v24 =	vld.idx.msk [tilespmem:v57+s21+$0x0], $0xffff  }
0x16a: {  	v62 =	vor.u32 v15, v20;
	[tilespmem:v58+s1+$0x0] =	vst.idx.msk $0xffff, v59;
	v23 =	vld.idx.msk [tilespmem:v56+s21+$0x0], $0xffff  }
0x16b: {  	[tilespmem:v27+s1+$0x0] =	vst.idx.msk $0xffff, v30;
	v17 =	vor.u32 v15, v17;
	v16 =	vld.idx.msk [tilespmem:v16+s21+$0x0], $0xffff  }
0x16c: {  	s0 =	sadd.s32 s7, s25;
	[tilespmem:v26+s1+$0x0] =	vst.idx.msk $0xffff, v60  }
0x16d: {  	s5 =	sshll.u32 s0, $0xA;
	s0 =	sshll.u32 s0, $0x7;
	[tilespmem:v61+s1+$0x0] =	vst.idx.msk $0xffff, v22  }
0x16e: {  	s5 =	sand.u32 $0xFFF8000, s5;
	s0 =	sand.u32 $0xF80, s0;
	[tilespmem:v63+s1+$0x0] =	vst.idx.msk $0xffff, v24  }
0x16f: {  	s0 =	sor.u32 s0, s5;
	[tilespmem:v62+s1+$0x0] =	vst.idx.msk $0xffff, v23  }
0x170: {  	s5 =	sadd.s32 s2, s0;
	[tilespmem:v17+s1+$0x0] =	vst.idx.msk $0xffff, v16  }
0x171: {  	[hbm4b:s5+s4] =	stream.linear.scatter [tilespmem:s1], [sflag:$0x2], $0x400, $0x38;
	[tilespmem:$0x16400] =	vst v63  }
0x172: {  	s29 =	simm.s32 $0xC800;
	s26 =	sadd.s32 s0, s8  }
0x173: {  	[hbm4b:s26+s4] =	stream.linear.scatter [tilespmem:s29], [sflag:$0x2], $0x400, $0x38;
	[tilespmem:$0x16400] =	vst v63  }
0x174: {  	s31 =	simm.s32 $0xCC00;
	s30 =	sadd.s32 s0, s9  }
0x175: {  	[hbm4b:s30+s4] =	stream.linear.scatter [tilespmem:s31], [sflag:$0x2], $0x400, $0x38;
	[tilespmem:$0x16400] =	vst v63  }
0x176: {  	s26 =	sadd.s32 s0, s10  }
0x177: {  	[hbm4b:s26+s4] =	stream.linear.scatter [tilespmem:s6], [sflag:$0x2], $0x400, $0x38;
	[tilespmem:$0x16400] =	vst v63  }
0x178: {  	s29 =	sadd.s32 s0, s11  }
0x179: {  	[hbm4b:s29+s4] =	stream.linear.scatter [tilespmem:s15], [sflag:$0x2], $0x400, $0x38;
	[tilespmem:$0x16400] =	vst v63  }
0x17a: {  	p0 =	slt.u32 s28, $0x64;
	s30 =	sadd.s32 s0, s12  }
0x17b: {  	[hbm4b:s30+s4] =	stream.linear.scatter [tilespmem:s17], [sflag:$0x2], $0x400, $0x38;
	[tilespmem:$0x16400] =	vst v63  }
.Ltmp3:
0x17c: {  	_ = 	snop;
	(pc) =	sbr.rel @p0 .LBB2_2-.Ltmp3, $4  }
0x17d: {  	s31 =	sadd.s32 s0, s13  }
0x17e: {  	[hbm4b:s31+s4] =	stream.linear.scatter [tilespmem:s18], [sflag:$0x2], $0x400, $0x38;
	[tilespmem:$0x16400] =	vst v63  }
0x17f: {  	s0 =	sadd.s32 s0, s14;
	s26 =	smov.u32 s28  }
0x180: {  	[hbm4b:s0+s4] =	stream.linear.scatter [tilespmem:s16], [sflag:$0x2], $0x400, $0x38;
	[tilespmem:$0x16400] =	vst v63  }
0x181: {  	_ =	swait.ge [sflag:s24], $0x400  }
0x182: {  	[sflag:s24] =	ssyncset.done $0x0  }
0x183: {  	[sflag:s24] =	ssyncadd.s32 $0xFFFFFC00  }
0x184: {  	_ =	swait.ge [sflag:s24], $0x400  }
0x185: {  	[sflag:s24] =	ssyncset.done $0x0  }
0x186: {  	[sflag:s24] =	ssyncadd.s32 $0xFFFFFC00  }
0x187: {  	_ =	swait.ge [sflag:s24], $0x400  }
0x188: {  	[sflag:s24] =	ssyncset.done $0x0  }
0x189: {  	[sflag:s24] =	ssyncadd.s32 $0xFFFFFC00  }
0x18a: {  	_ =	swait.ge [sflag:s24], $0x400  }
0x18b: {  	[sflag:s24] =	ssyncset.done $0x0  }
0x18c: {  	[sflag:s24] =	ssyncadd.s32 $0xFFFFFC00  }
0x18d: {  	_ =	swait.ge [sflag:s24], $0x400  }
0x18e: {  	[sflag:s24] =	ssyncset.done $0x0  }
0x18f: {  	[sflag:s24] =	ssyncadd.s32 $0xFFFFFC00  }
0x190: {  	_ =	swait.ge [sflag:s24], $0x400  }
0x191: {  	[sflag:s24] =	ssyncset.done $0x0  }
0x192: {  	[sflag:s24] =	ssyncadd.s32 $0xFFFFFC00  }
0x193: {  	_ =	swait.ge [sflag:s24], $0x400  }
0x194: {  	[sflag:s24] =	ssyncset.done $0x0  }
0x195: {  	[sflag:s24] =	ssyncadd.s32 $0xFFFFFC00  }
0x196: {  	_ =	swait.ge [sflag:s24], $0x400  }
0x197: {  	[sflag:s24] =	ssyncset.done $0x0  }
0x198: {  	[sflag:s24] =	ssyncadd.s32 $0xFFFFFC00  }
0x199: {  	_ =	swait.ge [sflag:s24], $0x400  }
0x19a: {  	[sflag:s24] =	ssyncset.done $0x0  }
0x19b: {  	[sflag:s24] =	ssyncadd.s32 $0xFFFFFC00  }
0x19c: {  	_ =	swait.ge [sflag:s24], $0x400  }
0x19d: {  	[sflag:s24] =	ssyncset.done $0x0  }
0x19e: {  	[sflag:s24] =	ssyncadd.s32 $0xFFFFFC00  }
0x19f: {  	_ =	swait.ge [sflag:s24], $0x400  }
0x1a0: {  	[sflag:s24] =	ssyncset.done $0x0  }
0x1a1: {  	[sflag:s24] =	ssyncadd.s32 $0xFFFFFC00  }
0x1a2: {  	_ =	swait.ge [sflag:s24], $0x400  }
0x1a3: {  	[sflag:s24] =	ssyncset.done $0x0  }
0x1a4: {  	[sflag:s24] =	ssyncadd.s32 $0xFFFFFC00  }
0x1a5: {  	_ =	swait.ge [sflag:s24], $0x400  }
0x1a6: {  	[sflag:s24] =	ssyncset.done $0x0  }
0x1a7: {  	[sflag:s24] =	ssyncadd.s32 $0xFFFFFC00  }
0x1a8: {  	_ =	swait.ge [sflag:s24], $0x400  }
0x1a9: {  	[sflag:s24] =	ssyncset.done $0x0  }
0x1aa: {  	[sflag:s24] =	ssyncadd.s32 $0xFFFFFC00  }
0x1ab: {  	_ =	swait.ge [sflag:s24], $0x400  }
0x1ac: {  	[sflag:s24] =	ssyncset.done $0x0  }
0x1ad: {  	[sflag:s24] =	ssyncadd.s32 $0xFFFFFC00  }
0x1ae: {  	_ =	swait.ge [sflag:s24], $0x400  }
0x1af: {  	s5 =	rddreg [dreg:$0x9]  }
0x1b0: {  	s0 =	rddreg [dreg:$0x6];
	s5 =	sadd.s32 $0x1, s5  }
0x1b1: {  	p0 =	sne.s32 s5, s0  }
.Ltmp4:
0x1b2: {  	_ = 	snop;
	(pc) =	sbr.rel @p0 .LBB2_1-.Ltmp4, $3  }
0x1b3: {  	_ =	sdelay $0x1  }
0x1b4: {  	[sflag:s24] =	ssyncset.done $0x0  }
0x1b5: {  	[sflag:s24] =	ssyncadd.s32 $0xFFFFFC00  }
0x1b6: {  	_ =	sfence.sel $0x180000  }
0x1b7: {  	[bflag:$0x0] =	sbarrier.arrive $0xFFFF  }
0x1b8: {  	_ =	strace $0x90000047  }
0x1b9: {  	s0 =	stileid.u32;
	[bflag:$0x2] =	sbarrier.arrive $0xFFFF  }
0x1ba: {  	p0 =	sne.s32 s0, $0x0;
	s0 =	rddreg [dreg:$0x3]  }
0x1bb: {  	s0 =	sadd.s32 @!p0 $0x100000, s0  }
0x1bc: {  	[sflag:s0] =	ssyncadd.tile.s32 @!p0 $0x1;
	_ =	shalt  }
.Lfunc_end2:
_tile_overlayer_lowered:
.L_overlay_start_2:
0x1bd: {  	(tag) =	ssettag $0x2  }
0x1be: {  	s0 =	rddreg [dreg:$0x0];
	s2 =	stileid.u32  }
0x1bf: {  	s1 =	rddreg [dreg:$0x1];
	p0 =	sne.s32 s2, $0x0  }
0x1c0: {  	s3 =	rddreg [dreg:$0x2];
	[bflag:$0x3] =	sbarrier.arrive $0xFFFF;
	s2 =	simm.s32 @!p0 $0x1C03  }
0x1c1: {  	[timem:s3], [sflag:s2] =	dma.local @!p0 [hbm:s0], s1  }
0x1c2: {  	s0 =	simm.s32 @!p0 $0x3  }
0x1c3: {  	_ =	swait.ge @!p0 [sflag:s0], s1  }
0x1c4: {  	s1 =	ssub.s32 @!p0 $0x0, s1;
	[sflag:s0] =	ssyncset.done @!p0 $0x0  }
0x1c5: {  	[sflag:s0] =	ssyncadd.s32 @!p0 s1  }
0x1c6: {  	[bflag:$0x3] =	sbarrier.arrive $0xFFFF  }
0x1c7: {  	_ =	shalt  }

</sc_bundles>
